<compile_context>
chip_gen: v7x
topology: tpu7x:2x2x1
jax: 0.10.2.dev20260603
libtpu: 0.0.44.dev20260713+nightly
codegen_flags: <defaults>
</compile_context>

<pallas_src>
import functools

import jax
import jax.numpy as jnp
from jax import lax
from jax.experimental import pallas as pl
from jax.experimental.pallas import tpu as pltpu

NCLS = 19


def _labels_body(wx_ref, s_top, s_bot, t_top, t_bot, s_out, t_out, *, out_h, in_h):
    i = pl.program_id(1)
    num = in_h - 1
    den = out_h - 1
    y0 = (i * num) // den
    rem = i * num - y0 * den
    wy = rem.astype(jnp.float32) / float(den)
    wmat = wx_ref[...]
    for top_ref, bot_ref, out_ref in ((s_top, s_bot, s_out), (t_top, t_bot, t_out)):
        top = top_ref[0, :, 0, 0, :]
        bot = bot_ref[0, :, 0, 0, :]
        interp = top * (1.0 - wy) + bot * wy
        vals = jax.lax.dot_general(
            interp, wmat,
            dimension_numbers=(((1,), (0,)), ((), ())),
            preferred_element_type=jnp.float32,
            precision=jax.lax.Precision.HIGHEST,
        )
        m = jnp.max(vals, axis=0, keepdims=True)
        iota_c = lax.broadcasted_iota(jnp.int32, vals.shape, 0)
        idx = jnp.min(jnp.where(vals >= m, iota_c, NCLS), axis=0, keepdims=True)
        out_ref[...] = idx.reshape(out_ref.shape)


def _stats_body(s_feat, s_lab, t_feat, t_lab, out_ref,
                acc_sum_s, acc_misc_s, acc_sum_t, acc_misc_t, *, nb, fdim):
    b = pl.program_id(0)
    pb = pl.program_id(1)
    first = (b == 0) & (pb == 0)
    last = (b == pl.num_programs(0) - 1) & (pb == nb - 1)

    @pl.when(first)
    def _init():
        acc_sum_s[...] = jnp.zeros_like(acc_sum_s)
        acc_misc_s[...] = jnp.zeros_like(acc_misc_s)
        acc_sum_t[...] = jnp.zeros_like(acc_sum_t)
        acc_misc_t[...] = jnp.zeros_like(acc_misc_t)

    for feat_ref, lab_ref, acc_sum, acc_misc in (
            (s_feat, s_lab, acc_sum_s, acc_misc_s),
            (t_feat, t_lab, acc_sum_t, acc_misc_t)):
        feat = feat_ref[0]
        lab = lab_ref[0, 0, :]
        ioc = lax.broadcasted_iota(jnp.int32, (NCLS,) + lab.shape, 0)
        ohT = (ioc == lab).astype(jnp.float32)
        acc_sum[...] += jax.lax.dot_general(
            feat, ohT,
            dimension_numbers=(((1,), (1,)), ((), ())),
            preferred_element_type=jnp.float32,
            precision=jax.lax.Precision.HIGHEST,
        )
        colsq = jnp.sum(feat * feat, axis=0)
        ios = lax.broadcasted_iota(jnp.int32, (8,) + lab.shape, 0)
        extra = jnp.where(ios == 0, colsq[None, :],
                          jnp.where(ios == 1, 1.0, 0.0))
        acc_misc[...] += jax.lax.dot_general(
            extra, ohT,
            dimension_numbers=(((1,), (1,)), ((), ())),
            preferred_element_type=jnp.float32,
            precision=jax.lax.Precision.HIGHEST,
        )

    @pl.when(last)
    def _finish():
        fdim_f = float(fdim)
        io8 = lax.broadcasted_iota(jnp.int32, (8, NCLS), 0)

        def row(m_ref, r):
            return jnp.sum(jnp.where(io8 == r, m_ref[...], 0.0), axis=0,
                           keepdims=True)

        sum_s = acc_sum_s[...]
        sum_t = acc_sum_t[...]
        sumsq_s = row(acc_misc_s, 0)
        cnt_s = row(acc_misc_s, 1)
        sumsq_t = row(acc_misc_t, 0)
        cnt_t = row(acc_misc_t, 1)

        cnt_tot = cnt_s + cnt_t
        valid = cnt_tot > 0.0
        cent = (sum_s + sum_t) / jnp.maximum(cnt_tot, 1.0)
        cn2 = jnp.sum(cent * cent, axis=0, keepdims=True)

        def f2c(sum_d, sumsq_d, cnt_d):
            dot_cs = jnp.sum(cent * sum_d, axis=0, keepdims=True)
            ssq = jnp.maximum(sumsq_d - 2.0 * dot_cs + cnt_d * cn2, 0.0)
            ok = cnt_d > 0.0
            nrm = jnp.sqrt(jnp.where(ok, ssq, 1.0))
            dist = nrm / jnp.maximum(cnt_d * fdim_f, 1.0)
            nseen = jnp.sum(jnp.where(ok, 1.0, 0.0))
            return jnp.sum(jnp.where(ok, dist, 0.0)) / jnp.maximum(nseen, 1.0)

        loss_s = f2c(sum_s, sumsq_s, cnt_s)
        loss_t = f2c(sum_t, sumsq_t, cnt_t)

        centv = jnp.where(valid, cent, 0.0)
        n2 = jnp.sum(centv * centv, axis=0, keepdims=True)
        iota_l = lax.broadcasted_iota(jnp.int32, (1, NCLS), 1)
        iota_fl = lax.broadcasted_iota(jnp.int32, (fdim, NCLS), 1)
        ssq_vec = jnp.zeros((1, NCLS), jnp.float32)
        for i in range(NCLS):
            ci = jnp.sum(jnp.where(iota_fl == i, centv, 0.0), axis=1,
                         keepdims=True)
            gi = jnp.sum(ci * centv, axis=0, keepdims=True)
            n2_i = jnp.sum(jnp.where(iota_l == i, n2, 0.0))
            sqrow = n2 + n2_i - 2.0 * gi
            contrib = jnp.sum(jnp.where((iota_l != i) & valid, sqrow, 0.0))
            ssq_vec = ssq_vec + jnp.where(iota_l == i, contrib, 0.0)

        nvalid = jnp.sum(jnp.where(valid, 1.0, 0.0))
        denom = jnp.maximum((nvalid - 1.0) * fdim_f, 1.0)
        nrm_i = jnp.sqrt(jnp.where(valid, ssq_vec, 1.0))
        dist_i = nrm_i / denom
        c2c = jnp.sum(jnp.where(valid, dist_i, 0.0)) / jnp.maximum(nvalid, 1.0)

        out_ref[...] = jnp.broadcast_to(loss_s + loss_t + c2c, (1, 1))


def _compute_labels(s_sm, t_sm, out_h, out_w):
    B, C, in_h, in_w = s_sm.shape
    xs = jnp.linspace(0.0, in_w - 1.0, out_w)
    x0 = jnp.floor(xs).astype(jnp.int32)
    x1 = jnp.minimum(x0 + 1, in_w - 1)
    wx = (xs - jnp.floor(xs)).astype(jnp.float32)
    cols = jnp.arange(out_w)
    wmat = (jnp.zeros((in_w, out_w), jnp.float32)
            .at[x0, cols].add(1.0 - wx)
            .at[x1, cols].add(wx))

    s5 = s_sm.reshape(B, C, in_h, 1, in_w)
    t5 = t_sm.reshape(B, C, in_h, 1, in_w)
    num = in_h - 1
    den = out_h - 1

    def top_map(b, i):
        return (b, 0, (i * num) // den, 0, 0)

    def bot_map(b, i):
        return (b, 0, jnp.minimum((i * num) // den + 1, in_h - 1), 0, 0)

    row_spec_top = pl.BlockSpec((1, C, 1, 1, in_w), top_map)
    row_spec_bot = pl.BlockSpec((1, C, 1, 1, in_w), bot_map)
    out_spec = pl.BlockSpec((1, 1, 1, out_w), lambda b, i: (b, i, 0, 0))

    s_lab, t_lab = pl.pallas_call(
        functools.partial(_labels_body, out_h=out_h, in_h=in_h),
        grid=(B, out_h),
        in_specs=[
            pl.BlockSpec((in_w, out_w), lambda b, i: (0, 0)),
            row_spec_top, row_spec_bot, row_spec_top, row_spec_bot,
        ],
        out_specs=[out_spec, out_spec],
        out_shape=[
            jax.ShapeDtypeStruct((B, out_h, 1, out_w), jnp.int32),
            jax.ShapeDtypeStruct((B, out_h, 1, out_w), jnp.int32),
        ],
    )(wmat, s5, s5, t5, t5)
    return s_lab, t_lab


def kernel(source_feat, source_softmax, target_feat, target_softmax):
    B, F, h, w = source_feat.shape
    P = h * w
    s_lab, t_lab = _compute_labels(source_softmax, target_softmax, h, w)

    s_feat3 = source_feat.reshape(B, F, P)
    t_feat3 = target_feat.reshape(B, F, P)
    s_lab3 = s_lab.reshape(B, 1, P)
    t_lab3 = t_lab.reshape(B, 1, P)

    PB = 2048
    nb = P // PB

    feat_spec = pl.BlockSpec((1, F, PB), lambda b, pb: (b, 0, pb))
    lab_spec = pl.BlockSpec((1, 1, PB), lambda b, pb: (b, 0, pb))

    loss = pl.pallas_call(
        functools.partial(_stats_body, nb=nb, fdim=F),
        grid=(B, nb),
        in_specs=[feat_spec, lab_spec, feat_spec, lab_spec],
        out_specs=pl.BlockSpec((1, 1), lambda b, pb: (0, 0)),
        out_shape=jax.ShapeDtypeStruct((1, 1), jnp.float32),
        scratch_shapes=[
            pltpu.VMEM((F, NCLS), jnp.float32),
            pltpu.VMEM((8, NCLS), jnp.float32),
            pltpu.VMEM((F, NCLS), jnp.float32),
            pltpu.VMEM((8, NCLS), jnp.float32),
        ],
    )(s_feat3, s_lab3, t_feat3, t_lab3)
    return loss[0, 0]

# --- scband reference (transcript-rebuilt; emitter-appended) ---
"""Pipeline reference for scband-feat-reg-st-loss-10075993276815 (READ-ONLY COPY).

The authoritative reference and input builder live on the scoring server;
editing this copy changes nothing except your own understanding.
"""

import jax, jax.numpy as jnp
import numpy as np

NUM_CLASS = 19

def bilinear_resize_ac(x, out_h, out_w):
    # align_corners=True bilinear, matching F.interpolate(..., mode='bilinear', align_corners=True)
    B, C, H, W = x.shape
    ys = jnp.linspace(0.0, H - 1.0, out_h)
    xs = jnp.linspace(0.0, W - 1.0, out_w)
    y0 = jnp.floor(ys).astype(jnp.int32)
    x0 = jnp.floor(xs).astype(jnp.int32)
    y1 = jnp.minimum(y0 + 1, H - 1)
    x1 = jnp.minimum(x0 + 1, W - 1)
    wy = (ys - y0.astype(ys.dtype))[None, None, :, None]
    wx = (xs - x0.astype(xs.dtype))[None, None, None, :]
    top = x[:, :, y0, :]
    bot = x[:, :, y1, :]
    a = top[:, :, :, x0]
    b = top[:, :, :, x1]
    c = bot[:, :, :, x0]
    d = bot[:, :, :, x1]
    return a * (1 - wy) * (1 - wx) + b * (1 - wy) * wx + c * wy * (1 - wx) + d * wy * wx

def _process(feat, softmax):
    # feature_processing with argmax_dws_type='bilinear'
    B, F, h, w = feat.shape
    feat2 = jnp.transpose(feat, (0, 2, 3, 1)).reshape(-1, F)
    sm_dws = bilinear_resize_ac(softmax, h, w)
    argmax_dws = jnp.argmax(sm_dws, axis=1).reshape(-1)
    return feat2, argmax_dws

def _forward(source_feat, source_softmax, target_feat, target_softmax):
    sf, sa = _process(source_feat, source_softmax)
    tf_, ta = _process(target_feat, target_softmax)
    Fdim = sf.shape[1]
    # compute_centroids_mixed: per-class mean over concatenated source+target feats (segment mean)
    feats = jnp.concatenate([sf, tf_], axis=0)
    segs = jnp.concatenate([sa, ta], axis=0)
    sums = jax.ops.segment_sum(feats, segs, num_segments=NUM_CLASS)
    counts = jax.ops.segment_sum(jnp.ones((feats.shape[0],), feats.dtype), segs, num_segments=NUM_CLASS)
    valid = counts > 0
    centroids = sums / jnp.maximum(counts, 1.0)[:, None]
    nvalid = valid.sum()

    def f2c(feat, argmax):
        # feat_to_centroid: per class, ||c_i - feat_i||_2 / (n_i * F), averaged over seen classes
        cnt = jax.ops.segment_sum(jnp.ones((feat.shape[0],), feat.dtype), argmax, num_segments=NUM_CLASS)
        d = feat - centroids[argmax]
        ssq = jax.ops.segment_sum(jnp.sum(d * d, axis=1), argmax, num_segments=NUM_CLASS)
        ok = (cnt > 0) & valid
        norm = jnp.sqrt(jnp.where(ok, ssq, 1.0))
        dist = norm / jnp.maximum(cnt * Fdim, 1.0)
        return jnp.sum(jnp.where(ok, dist, 0.0)) / jnp.maximum(ok.sum(), 1)

    loss_s = f2c(sf, sa)
    loss_t = f2c(tf_, ta)

    # intra_domain_c2c: per class, ||c_i - c_{j!=i}||_2 / ((nvalid-1)*F), averaged over seen classes
    cent_safe = jnp.where(valid[:, None], centroids, 0.0)
    sq = jnp.sum((cent_safe[:, None, :] - cent_safe[None, :, :]) ** 2, axis=-1)
    pair_mask = valid[:, None] & valid[None, :] & (~jnp.eye(NUM_CLASS, dtype=bool))
    ssq_i = jnp.sum(jnp.where(pair_mask, sq, 0.0), axis=1)
    norm_i = jnp.sqrt(jnp.where(valid, ssq_i, 1.0))
    denom = jnp.maximum((nvalid - 1) * Fdim, 1).astype(norm_i.dtype)
    dist_i = norm_i / denom
    c2c = jnp.sum(jnp.where(valid, dist_i, 0.0)) / jnp.maximum(nvalid, 1).astype(norm_i.dtype)

    return loss_s + loss_t + c2c

def setup_inputs(seed: int = 0):
    key = jax.random.key(seed)
    k1, k2, k3, k4 = jax.random.split(key, 4)
    return {
        "source_feat": jax.random.normal(k1, (2, 256, 128, 256), dtype=jnp.float32),
        "source_softmax": jax.random.uniform(k2, (2, 19, 512, 1024), dtype=jnp.float32),
        "target_feat": jax.random.normal(k3, (2, 256, 128, 256), dtype=jnp.float32),
        "target_softmax": jax.random.uniform(k4, (2, 19, 512, 1024), dtype=jnp.float32),
    }

def reference(source_feat, source_softmax, target_feat, target_softmax):
    return _forward(source_feat, source_softmax, target_feat, target_softmax)

if __name__ == "__main__":
    import jax
    _d = setup_inputs()
    print(jax.jit(kernel)(*tuple(_d.values())))

</pallas_src>

<mosaic_0001>
module attributes {stable_mosaic.version = 14 : i64} {
  func.func @_labels_body(%arg0: i32, %arg1: i32, %arg2: memref<1024x256xf32, #tpu.memory_space<vmem>>, %arg3: memref<1x19x1x1x1024xf32, #tpu.memory_space<vmem>>, %arg4: memref<1x19x1x1x1024xf32, #tpu.memory_space<vmem>>, %arg5: memref<1x19x1x1x1024xf32, #tpu.memory_space<vmem>>, %arg6: memref<1x19x1x1x1024xf32, #tpu.memory_space<vmem>>, %arg7: memref<1x1x1x256xi32, #tpu.memory_space<vmem>>, %arg8: memref<1x1x1x256xi32, #tpu.memory_space<vmem>>) attributes {dimension_semantics = [#tpu.dimension_semantics<arbitrary>, #tpu.dimension_semantics<arbitrary>], iteration_bounds = array<i64: 2, 128>, scalar_prefetch = 0 : i64, scratch_operands = 0 : i64, tpu.core_type = #tpu.core_type<tc>, window_params = [{pipeline_mode = #tpu.pipeline_mode<synchronous>, transform_indices = @transform_0, window_bounds = array<i64: 1024, 256>}, {transform_indices = @transform_1, window_bounds = array<i64: 1, 19, 1, 1, 1024>}, {transform_indices = @transform_2, window_bounds = array<i64: 1, 19, 1, 1, 1024>}, {transform_indices = @transform_3, window_bounds = array<i64: 1, 19, 1, 1, 1024>}, {transform_indices = @transform_4, window_bounds = array<i64: 1, 19, 1, 1, 1024>}, {transform_indices = @transform_5, window_bounds = array<i64: 1, 1, 1, 256>}, {transform_indices = @transform_6, window_bounds = array<i64: 1, 1, 1, 256>}]} {
    %mul3A = arith.constant 511 : i32
    %mul3A_0 = arith.muli %arg1, %mul3A : i32
    %jit3A = arith.constant 127 : i32
    %div3A = arith.divsi %mul3A_0, %jit3A : i32
    %sign3A = arith.constant 0 : i32
    %sign3A_1 = arith.cmpi sgt, %mul3A_0, %sign3A : i32
    %sign3A_2 = arith.extui %sign3A_1 : i1 to i32
    %sign3A_3 = arith.constant 0 : i32
    %sign3A_4 = arith.cmpi slt, %mul3A_0, %sign3A_3 : i32
    %sign3A_5 = arith.extui %sign3A_4 : i1 to i32
    %sign3A_6 = arith.subi %sign3A_2, %sign3A_5 : i32
    %sign3A_7 = arith.constant 0 : i32
    %sign3A_8 = arith.cmpi sgt, %jit3A, %sign3A_7 : i32
    %sign3A_9 = arith.extui %sign3A_8 : i1 to i32
    %sign3A_10 = arith.constant 0 : i32
    %sign3A_11 = arith.cmpi slt, %jit3A, %sign3A_10 : i32
    %sign3A_12 = arith.extui %sign3A_11 : i1 to i32
    %sign3A_13 = arith.subi %sign3A_9, %sign3A_12 : i32
    %ne3A = arith.cmpi ne, %sign3A_6, %sign3A_13 : i32
    %rem3A = arith.remsi %mul3A_0, %jit3A : i32
    %ne3A_14 = arith.constant 0 : i32
    %ne3A_15 = arith.cmpi ne, %rem3A, %ne3A_14 : i32
    %and3A = arith.andi %ne3A, %ne3A_15 : i1
    %sub3A = arith.constant 1 : i32
    %sub3A_16 = arith.subi %div3A, %sub3A : i32
    %select_n3A = arith.select %and3A, %sub3A_16, %div3A : i32
    %mul3A_17 = arith.constant 511 : i32
    %mul3A_18 = arith.muli %arg1, %mul3A_17 : i32
    %mul3A_19 = arith.constant 127 : i32
    %mul3A_20 = arith.muli %select_n3A, %mul3A_19 : i32
    %sub3A_21 = arith.subi %mul3A_18, %mul3A_20 : i32
    %convert_element_type3A = arith.sitofp %sub3A_21 : i32 to f32
    %div3A_22 = arith.constant 1.270000e+02 : f32
    %div3A_23 = arith.divf %convert_element_type3A, %div3A_22 : f32
    %get3A = arith.constant 0 : index
    %get3A_24 = arith.constant 0 : index
    %get3A_25 = vector.load %arg2[%get3A, %get3A_24] : memref<1024x256xf32, #tpu.memory_space<vmem>>, vector<1024x256xf32>
    %get3A_26 = arith.constant 0 : index
    %get3A_27 = arith.constant 0 : index
    %get3A_28 = arith.constant 0 : index
    %get3A_29 = arith.constant 0 : index
    %get3A_30 = arith.constant 0 : index
    %get3A_31 = vector.load %arg3[%get3A_26, %get3A_27, %get3A_28, %get3A_29, %get3A_30] : memref<1x19x1x1x1024xf32, #tpu.memory_space<vmem>>, vector<1x19x1x1x1024xf32>
    %get3A_32 = vector.shape_cast %get3A_31 : vector<1x19x1x1x1024xf32> to vector<19x1024xf32>
    %get3A_33 = arith.constant 0 : index
    %get3A_34 = arith.constant 0 : index
    %get3A_35 = arith.constant 0 : index
    %get3A_36 = arith.constant 0 : index
    %get3A_37 = arith.constant 0 : index
    %get3A_38 = vector.load %arg4[%get3A_33, %get3A_34, %get3A_35, %get3A_36, %get3A_37] : memref<1x19x1x1x1024xf32, #tpu.memory_space<vmem>>, vector<1x19x1x1x1024xf32>
    %get3A_39 = vector.shape_cast %get3A_38 : vector<1x19x1x1x1024xf32> to vector<19x1024xf32>
    %sub3A_40 = arith.constant 1.000000e+00 : f32
    %sub3A_41 = arith.subf %sub3A_40, %div3A_23 : f32
    %mul3A_42 = vector.broadcast %sub3A_41 : f32 to vector<19x1024xf32>
    %mul3A_43 = arith.mulf %get3A_32, %mul3A_42 : vector<19x1024xf32>
    %mul3A_44 = vector.broadcast %div3A_23 : f32 to vector<19x1024xf32>
    %mul3A_45 = arith.mulf %get3A_39, %mul3A_44 : vector<19x1024xf32>
    %add3A = arith.addf %mul3A_43, %mul3A_45 : vector<19x1024xf32>
    %dot_general3A = arith.constant dense<0.000000e+00> : vector<19x256xf32>
    %dot_general3A_46 = tpu.matmul %add3A, %get3A_25, %dot_general3A {dimension_numbers = #tpu.dot_dimension_numbers<[1], [0], [0], [1], [0, 0, 1, 1], [], []>, precision = #tpu.contract_precision<fp32>, transpose_lhs_hint = false} : vector<19x1024xf32>, vector<1024x256xf32>, vector<19x256xf32> -> vector<19x256xf32>
    %reduce_max3A = arith.constant dense<0xFF800000> : vector<256xf32>
    %reduce_max3A_47 = vector.multi_reduction <maximumf>, %dot_general3A_46, %reduce_max3A [0] : vector<19x256xf32> to vector<256xf32>
    %broadcast_in_dim3A = vector.shape_cast %reduce_max3A_47 : vector<256xf32> to vector<1x256xf32>
    %iota3A = tpu.iota {dimensions = array<i32: 0>} : vector<19x256xi32>
    %ge3A = vector.broadcast %broadcast_in_dim3A : vector<1x256xf32> to vector<19x256xf32>
    %ge3A_48 = arith.cmpf oge, %dot_general3A_46, %ge3A : vector<19x256xf32>
    %jit3A_49 = arith.constant 19 : i32
    %broadcast_in_dim3A_50 = vector.broadcast %jit3A_49 : i32 to vector<19x256xi32>
    %select_n3A_51 = arith.select %ge3A_48, %iota3A, %broadcast_in_dim3A_50 : vector<19x256xi1>, vector<19x256xi32>
    %reduce_min3A = arith.constant dense<2147483647> : vector<256xi32>
    %reduce_min3A_52 = vector.multi_reduction <minsi>, %select_n3A_51, %reduce_min3A [0] : vector<19x256xi32> to vector<256xi32>
    %broadcast_in_dim3A_53 = vector.shape_cast %reduce_min3A_52 : vector<256xi32> to vector<1x256xi32>
    %reshape3A = vector.shape_cast %broadcast_in_dim3A_53 : vector<1x256xi32> to vector<1x1x1x256xi32>
    %swap3A = arith.constant 0 : index
    %swap3A_54 = arith.constant 0 : index
    %swap3A_55 = arith.constant 0 : index
    %swap3A_56 = arith.constant 0 : index
    %swap3A_57 = vector.load %arg7[%swap3A, %swap3A_54, %swap3A_55, %swap3A_56] : memref<1x1x1x256xi32, #tpu.memory_space<vmem>>, vector<1x1x1x256xi32>
    tpu.vector_store %arg7[%swap3A, %swap3A_54, %swap3A_55, %swap3A_56], %reshape3A {strides = array<i32>} : memref<1x1x1x256xi32, #tpu.memory_space<vmem>>, vector<1x1x1x256xi32>,
    %get3A_58 = arith.constant 0 : index
    %get3A_59 = arith.constant 0 : index
    %get3A_60 = arith.constant 0 : index
    %get3A_61 = arith.constant 0 : index
    %get3A_62 = arith.constant 0 : index
    %get3A_63 = vector.load %arg5[%get3A_58, %get3A_59, %get3A_60, %get3A_61, %get3A_62] : memref<1x19x1x1x1024xf32, #tpu.memory_space<vmem>>, vector<1x19x1x1x1024xf32>
    %get3A_64 = vector.shape_cast %get3A_63 : vector<1x19x1x1x1024xf32> to vector<19x1024xf32>
    %get3A_65 = arith.constant 0 : index
    %get3A_66 = arith.constant 0 : index
    %get3A_67 = arith.constant 0 : index
    %get3A_68 = arith.constant 0 : index
    %get3A_69 = arith.constant 0 : index
    %get3A_70 = vector.load %arg6[%get3A_65, %get3A_66, %get3A_67, %get3A_68, %get3A_69] : memref<1x19x1x1x1024xf32, #tpu.memory_space<vmem>>, vector<1x19x1x1x1024xf32>
    %get3A_71 = vector.shape_cast %get3A_70 : vector<1x19x1x1x1024xf32> to vector<19x1024xf32>
    %sub3A_72 = arith.constant 1.000000e+00 : f32
    %sub3A_73 = arith.subf %sub3A_72, %div3A_23 : f32
    %mul3A_74 = vector.broadcast %sub3A_73 : f32 to vector<19x1024xf32>
    %mul3A_75 = arith.mulf %get3A_64, %mul3A_74 : vector<19x1024xf32>
    %mul3A_76 = vector.broadcast %div3A_23 : f32 to vector<19x1024xf32>
    %mul3A_77 = arith.mulf %get3A_71, %mul3A_76 : vector<19x1024xf32>
    %add3A_78 = arith.addf %mul3A_75, %mul3A_77 : vector<19x1024xf32>
    %dot_general3A_79 = arith.constant dense<0.000000e+00> : vector<19x256xf32>
    %dot_general3A_80 = tpu.matmul %add3A_78, %get3A_25, %dot_general3A_79 {dimension_numbers = #tpu.dot_dimension_numbers<[1], [0], [0], [1], [0, 0, 1, 1], [], []>, precision = #tpu.contract_precision<fp32>, transpose_lhs_hint = false} : vector<19x1024xf32>, vector<1024x256xf32>, vector<19x256xf32> -> vector<19x256xf32>
    %reduce_max3A_81 = arith.constant dense<0xFF800000> : vector<256xf32>
    %reduce_max3A_82 = vector.multi_reduction <maximumf>, %dot_general3A_80, %reduce_max3A_81 [0] : vector<19x256xf32> to vector<256xf32>
    %broadcast_in_dim3A_83 = vector.shape_cast %reduce_max3A_82 : vector<256xf32> to vector<1x256xf32>
    %iota3A_84 = tpu.iota {dimensions = array<i32: 0>} : vector<19x256xi32>
    %ge3A_85 = vector.broadcast %broadcast_in_dim3A_83 : vector<1x256xf32> to vector<19x256xf32>
    %ge3A_86 = arith.cmpf oge, %dot_general3A_80, %ge3A_85 : vector<19x256xf32>
    %jit3A_87 = arith.constant 19 : i32
    %broadcast_in_dim3A_88 = vector.broadcast %jit3A_87 : i32 to vector<19x256xi32>
    %select_n3A_89 = arith.select %ge3A_86, %iota3A_84, %broadcast_in_dim3A_88 : vector<19x256xi1>, vector<19x256xi32>
    %reduce_min3A_90 = arith.constant dense<2147483647> : vector<256xi32>
    %reduce_min3A_91 = vector.multi_reduction <minsi>, %select_n3A_89, %reduce_min3A_90 [0] : vector<19x256xi32> to vector<256xi32>
    %broadcast_in_dim3A_92 = vector.shape_cast %reduce_min3A_91 : vector<256xi32> to vector<1x256xi32>
    %reshape3A_93 = vector.shape_cast %broadcast_in_dim3A_92 : vector<1x256xi32> to vector<1x1x1x256xi32>
    %swap3A_94 = arith.constant 0 : index
    %swap3A_95 = arith.constant 0 : index
    %swap3A_96 = arith.constant 0 : index
    %swap3A_97 = arith.constant 0 : index
    %swap3A_98 = vector.load %arg8[%swap3A_94, %swap3A_95, %swap3A_96, %swap3A_97] : memref<1x1x1x256xi32, #tpu.memory_space<vmem>>, vector<1x1x1x256xi32>
    tpu.vector_store %arg8[%swap3A_94, %swap3A_95, %swap3A_96, %swap3A_97], %reshape3A_93 {strides = array<i32>} : memref<1x1x1x256xi32, #tpu.memory_space<vmem>>, vector<1x1x1x256xi32>,
    return
  }
  func.func @transform_0(%arg0: i32, %arg1: i32) -> (i32, i32) {
    %c0_i32 = arith.constant 0 : i32
    %c0_i32_0 = arith.constant 0 : i32
    %c0_i32_1 = arith.constant 0 : i32
    return %c0_i32, %c0_i32_0 : i32, i32
  }
  func.func @transform_1(%arg0: i32, %arg1: i32) -> (i32, i32, i32, i32, i32) {
    %mul3A = arith.constant 511 : i32
    %mul3A_0 = arith.muli %arg1, %mul3A : i32
    %jit3A = arith.constant 127 : i32
    %div3A = arith.divsi %mul3A_0, %jit3A : i32
    %sign3A = arith.constant 0 : i32
    %sign3A_1 = arith.cmpi sgt, %mul3A_0, %sign3A : i32
    %sign3A_2 = arith.extui %sign3A_1 : i1 to i32
    %sign3A_3 = arith.constant 0 : i32
    %sign3A_4 = arith.cmpi slt, %mul3A_0, %sign3A_3 : i32
    %sign3A_5 = arith.extui %sign3A_4 : i1 to i32
    %sign3A_6 = arith.subi %sign3A_2, %sign3A_5 : i32
    %sign3A_7 = arith.constant 0 : i32
    %sign3A_8 = arith.cmpi sgt, %jit3A, %sign3A_7 : i32
    %sign3A_9 = arith.extui %sign3A_8 : i1 to i32
    %sign3A_10 = arith.constant 0 : i32
    %sign3A_11 = arith.cmpi slt, %jit3A, %sign3A_10 : i32
    %sign3A_12 = arith.extui %sign3A_11 : i1 to i32
    %sign3A_13 = arith.subi %sign3A_9, %sign3A_12 : i32
    %ne3A = arith.cmpi ne, %sign3A_6, %sign3A_13 : i32
    %rem3A = arith.remsi %mul3A_0, %jit3A : i32
    %ne3A_14 = arith.constant 0 : i32
    %ne3A_15 = arith.cmpi ne, %rem3A, %ne3A_14 : i32
    %and3A = arith.andi %ne3A, %ne3A_15 : i1
    %sub3A = arith.constant 1 : i32
    %sub3A_16 = arith.subi %div3A, %sub3A : i32
    %select_n3A = arith.select %and3A, %sub3A_16, %div3A : i32
    %c0_i32 = arith.constant 0 : i32
    %c0_i32_17 = arith.constant 0 : i32
    %c0_i32_18 = arith.constant 0 : i32
    %c0_i32_19 = arith.constant 0 : i32
    return %arg0, %c0_i32, %select_n3A, %c0_i32_17, %c0_i32_18 : i32, i32, i32, i32, i32
  }
  func.func @transform_2(%arg0: i32, %arg1: i32) -> (i32, i32, i32, i32, i32) {
    %mul3A = arith.constant 511 : i32
    %mul3A_0 = arith.muli %arg1, %mul3A : i32
    %jit3A = arith.constant 127 : i32
    %div3A = arith.divsi %mul3A_0, %jit3A : i32
    %sign3A = arith.constant 0 : i32
    %sign3A_1 = arith.cmpi sgt, %mul3A_0, %sign3A : i32
    %sign3A_2 = arith.extui %sign3A_1 : i1 to i32
    %sign3A_3 = arith.constant 0 : i32
    %sign3A_4 = arith.cmpi slt, %mul3A_0, %sign3A_3 : i32
    %sign3A_5 = arith.extui %sign3A_4 : i1 to i32
    %sign3A_6 = arith.subi %sign3A_2, %sign3A_5 : i32
    %sign3A_7 = arith.constant 0 : i32
    %sign3A_8 = arith.cmpi sgt, %jit3A, %sign3A_7 : i32
    %sign3A_9 = arith.extui %sign3A_8 : i1 to i32
    %sign3A_10 = arith.constant 0 : i32
    %sign3A_11 = arith.cmpi slt, %jit3A, %sign3A_10 : i32
    %sign3A_12 = arith.extui %sign3A_11 : i1 to i32
    %sign3A_13 = arith.subi %sign3A_9, %sign3A_12 : i32
    %ne3A = arith.cmpi ne, %sign3A_6, %sign3A_13 : i32
    %rem3A = arith.remsi %mul3A_0, %jit3A : i32
    %ne3A_14 = arith.constant 0 : i32
    %ne3A_15 = arith.cmpi ne, %rem3A, %ne3A_14 : i32
    %and3A = arith.andi %ne3A, %ne3A_15 : i1
    %sub3A = arith.constant 1 : i32
    %sub3A_16 = arith.subi %div3A, %sub3A : i32
    %select_n3A = arith.select %and3A, %sub3A_16, %div3A : i32
    %add3A = arith.constant 1 : i32
    %add3A_17 = arith.addi %select_n3A, %add3A : i32
    %min3A = arith.constant 511 : i32
    %min3A_18 = arith.minsi %add3A_17, %min3A : i32
    %c0_i32 = arith.constant 0 : i32
    %c0_i32_19 = arith.constant 0 : i32
    %c0_i32_20 = arith.constant 0 : i32
    %c0_i32_21 = arith.constant 0 : i32
    return %arg0, %c0_i32, %min3A_18, %c0_i32_19, %c0_i32_20 : i32, i32, i32, i32, i32
  }
  func.func @transform_3(%arg0: i32, %arg1: i32) -> (i32, i32, i32, i32, i32) {
    %mul3A = arith.constant 511 : i32
    %mul3A_0 = arith.muli %arg1, %mul3A : i32
    %jit3A = arith.constant 127 : i32
    %div3A = arith.divsi %mul3A_0, %jit3A : i32
    %sign3A = arith.constant 0 : i32
    %sign3A_1 = arith.cmpi sgt, %mul3A_0, %sign3A : i32
    %sign3A_2 = arith.extui %sign3A_1 : i1 to i32
    %sign3A_3 = arith.constant 0 : i32
    %sign3A_4 = arith.cmpi slt, %mul3A_0, %sign3A_3 : i32
    %sign3A_5 = arith.extui %sign3A_4 : i1 to i32
    %sign3A_6 = arith.subi %sign3A_2, %sign3A_5 : i32
    %sign3A_7 = arith.constant 0 : i32
    %sign3A_8 = arith.cmpi sgt, %jit3A, %sign3A_7 : i32
    %sign3A_9 = arith.extui %sign3A_8 : i1 to i32
    %sign3A_10 = arith.constant 0 : i32
    %sign3A_11 = arith.cmpi slt, %jit3A, %sign3A_10 : i32
    %sign3A_12 = arith.extui %sign3A_11 : i1 to i32
    %sign3A_13 = arith.subi %sign3A_9, %sign3A_12 : i32
    %ne3A = arith.cmpi ne, %sign3A_6, %sign3A_13 : i32
    %rem3A = arith.remsi %mul3A_0, %jit3A : i32
    %ne3A_14 = arith.constant 0 : i32
    %ne3A_15 = arith.cmpi ne, %rem3A, %ne3A_14 : i32
    %and3A = arith.andi %ne3A, %ne3A_15 : i1
    %sub3A = arith.constant 1 : i32
    %sub3A_16 = arith.subi %div3A, %sub3A : i32
    %select_n3A = arith.select %and3A, %sub3A_16, %div3A : i32
    %c0_i32 = arith.constant 0 : i32
    %c0_i32_17 = arith.constant 0 : i32
    %c0_i32_18 = arith.constant 0 : i32
    %c0_i32_19 = arith.constant 0 : i32
    return %arg0, %c0_i32, %select_n3A, %c0_i32_17, %c0_i32_18 : i32, i32, i32, i32, i32
  }
  func.func @transform_4(%arg0: i32, %arg1: i32) -> (i32, i32, i32, i32, i32) {
    %mul3A = arith.constant 511 : i32
    %mul3A_0 = arith.muli %arg1, %mul3A : i32
    %jit3A = arith.constant 127 : i32
    %div3A = arith.divsi %mul3A_0, %jit3A : i32
    %sign3A = arith.constant 0 : i32
    %sign3A_1 = arith.cmpi sgt, %mul3A_0, %sign3A : i32
    %sign3A_2 = arith.extui %sign3A_1 : i1 to i32
    %sign3A_3 = arith.constant 0 : i32
    %sign3A_4 = arith.cmpi slt, %mul3A_0, %sign3A_3 : i32
    %sign3A_5 = arith.extui %sign3A_4 : i1 to i32
    %sign3A_6 = arith.subi %sign3A_2, %sign3A_5 : i32
    %sign3A_7 = arith.constant 0 : i32
    %sign3A_8 = arith.cmpi sgt, %jit3A, %sign3A_7 : i32
    %sign3A_9 = arith.extui %sign3A_8 : i1 to i32
    %sign3A_10 = arith.constant 0 : i32
    %sign3A_11 = arith.cmpi slt, %jit3A, %sign3A_10 : i32
    %sign3A_12 = arith.extui %sign3A_11 : i1 to i32
    %sign3A_13 = arith.subi %sign3A_9, %sign3A_12 : i32
    %ne3A = arith.cmpi ne, %sign3A_6, %sign3A_13 : i32
    %rem3A = arith.remsi %mul3A_0, %jit3A : i32
    %ne3A_14 = arith.constant 0 : i32
    %ne3A_15 = arith.cmpi ne, %rem3A, %ne3A_14 : i32
    %and3A = arith.andi %ne3A, %ne3A_15 : i1
    %sub3A = arith.constant 1 : i32
    %sub3A_16 = arith.subi %div3A, %sub3A : i32
    %select_n3A = arith.select %and3A, %sub3A_16, %div3A : i32
    %add3A = arith.constant 1 : i32
    %add3A_17 = arith.addi %select_n3A, %add3A : i32
    %min3A = arith.constant 511 : i32
    %min3A_18 = arith.minsi %add3A_17, %min3A : i32
    %c0_i32 = arith.constant 0 : i32
    %c0_i32_19 = arith.constant 0 : i32
    %c0_i32_20 = arith.constant 0 : i32
    %c0_i32_21 = arith.constant 0 : i32
    return %arg0, %c0_i32, %min3A_18, %c0_i32_19, %c0_i32_20 : i32, i32, i32, i32, i32
  }
  func.func @transform_5(%arg0: i32, %arg1: i32) -> (i32, i32, i32, i32) {
    %c0_i32 = arith.constant 0 : i32
    %c0_i32_0 = arith.constant 0 : i32
    %c0_i32_1 = arith.constant 0 : i32
    return %arg0, %arg1, %c0_i32, %c0_i32_0 : i32, i32, i32, i32
  }
  func.func @transform_6(%arg0: i32, %arg1: i32) -> (i32, i32, i32, i32) {
    %c0_i32 = arith.constant 0 : i32
    %c0_i32_0 = arith.constant 0 : i32
    %c0_i32_1 = arith.constant 0 : i32
    return %arg0, %arg1, %c0_i32, %c0_i32_0 : i32, i32, i32, i32
  }
}

module attributes {stable_mosaic.version = 14 : i64} {
  func.func @_stats_body(%arg0: i32, %arg1: i32, %arg2: memref<1x256x2048xf32, #tpu.memory_space<vmem>>, %arg3: memref<1x1x2048xi32, #tpu.memory_space<vmem>>, %arg4: memref<1x256x2048xf32, #tpu.memory_space<vmem>>, %arg5: memref<1x1x2048xi32, #tpu.memory_space<vmem>>, %arg6: memref<1x1xf32, #tpu.memory_space<vmem>>, %arg7: memref<256x19xf32, #tpu.memory_space<vmem>>, %arg8: memref<8x19xf32, #tpu.memory_space<vmem>>, %arg9: memref<256x19xf32, #tpu.memory_space<vmem>>, %arg10: memref<8x19xf32, #tpu.memory_space<vmem>>) attributes {dimension_semantics = [#tpu.dimension_semantics<arbitrary>, #tpu.dimension_semantics<arbitrary>], iteration_bounds = array<i64: 2, 16>, scalar_prefetch = 0 : i64, scratch_operands = 4 : i64, tpu.core_type = #tpu.core_type<tc>, window_params = [{transform_indices = @transform_0, window_bounds = array<i64: 1, 256, 2048>}, {transform_indices = @transform_1, window_bounds = array<i64: 1, 1, 2048>}, {transform_indices = @transform_2, window_bounds = array<i64: 1, 256, 2048>}, {transform_indices = @transform_3, window_bounds = array<i64: 1, 1, 2048>}, {pipeline_mode = #tpu.pipeline_mode<synchronous>, transform_indices = @transform_4, window_bounds = array<i64: 1, 1>}]} {
    %eq3A = arith.constant 0 : i32
    %eq3A_0 = arith.cmpi eq, %arg0, %eq3A : i32
    %eq3A_1 = arith.constant 0 : i32
    %eq3A_2 = arith.cmpi eq, %arg1, %eq3A_1 : i32
    %and3A = arith.andi %eq3A_0, %eq3A_2 : i1
    %eq3A_3 = arith.constant 1 : i32
    %eq3A_4 = arith.cmpi eq, %arg0, %eq3A_3 : i32
    %eq3A_5 = arith.constant 15 : i32
    %eq3A_6 = arith.cmpi eq, %arg1, %eq3A_5 : i32
    %and3A_7 = arith.andi %eq3A_4, %eq3A_6 : i1
    %convert_element_type3A = arith.extui %and3A : i1 to i32
    %cond3A = arith.constant 0 : i32
    %cond3A_8 = arith.cmpi ne, %convert_element_type3A, %cond3A : i32
    scf.if %cond3A_8 {
      %broadcast_in_dim3A_108 = arith.constant 0.000000e+00 : f32
      %broadcast_in_dim3A_109 = vector.broadcast %broadcast_in_dim3A_108 : f32 to vector<256x19xf32>
      %swap3A_110 = arith.constant 0 : index
      %swap3A_111 = arith.constant 0 : index
      %swap3A_112 = vector.load %arg7[%swap3A_110, %swap3A_111] : memref<256x19xf32, #tpu.memory_space<vmem>>, vector<256x19xf32>
      tpu.vector_store %arg7[%swap3A_110, %swap3A_111], %broadcast_in_dim3A_109 {strides = array<i32>} : memref<256x19xf32, #tpu.memory_space<vmem>>, vector<256x19xf32>,
      %broadcast_in_dim3A_113 = arith.constant 0.000000e+00 : f32
      %broadcast_in_dim3A_114 = vector.broadcast %broadcast_in_dim3A_113 : f32 to vector<8x19xf32>
      %swap3A_115 = arith.constant 0 : index
      %swap3A_116 = arith.constant 0 : index
      %swap3A_117 = vector.load %arg8[%swap3A_115, %swap3A_116] : memref<8x19xf32, #tpu.memory_space<vmem>>, vector<8x19xf32>
      tpu.vector_store %arg8[%swap3A_115, %swap3A_116], %broadcast_in_dim3A_114 {strides = array<i32>} : memref<8x19xf32, #tpu.memory_space<vmem>>, vector<8x19xf32>,
      %broadcast_in_dim3A_118 = arith.constant 0.000000e+00 : f32
      %broadcast_in_dim3A_119 = vector.broadcast %broadcast_in_dim3A_118 : f32 to vector<256x19xf32>
      %swap3A_120 = arith.constant 0 : index
      %swap3A_121 = arith.constant 0 : index
      %swap3A_122 = vector.load %arg9[%swap3A_120, %swap3A_121] : memref<256x19xf32, #tpu.memory_space<vmem>>, vector<256x19xf32>
      tpu.vector_store %arg9[%swap3A_120, %swap3A_121], %broadcast_in_dim3A_119 {strides = array<i32>} : memref<256x19xf32, #tpu.memory_space<vmem>>, vector<256x19xf32>,
      %broadcast_in_dim3A_123 = arith.constant 0.000000e+00 : f32
      %broadcast_in_dim3A_124 = vector.broadcast %broadcast_in_dim3A_123 : f32 to vector<8x19xf32>
      %swap3A_125 = arith.constant 0 : index
      %swap3A_126 = arith.constant 0 : index
      %swap3A_127 = vector.load %arg10[%swap3A_125, %swap3A_126] : memref<8x19xf32, #tpu.memory_space<vmem>>, vector<8x19xf32>
      tpu.vector_store %arg10[%swap3A_125, %swap3A_126], %broadcast_in_dim3A_124 {strides = array<i32>} : memref<8x19xf32, #tpu.memory_space<vmem>>, vector<8x19xf32>,
    } else {
    }
    %get3A = arith.constant 0 : index
    %get3A_9 = arith.constant 0 : index
    %get3A_10 = arith.constant 0 : index
    %get3A_11 = vector.load %arg2[%get3A, %get3A_9, %get3A_10] : memref<1x256x2048xf32, #tpu.memory_space<vmem>>, vector<1x256x2048xf32>
    %get3A_12 = vector.shape_cast %get3A_11 : vector<1x256x2048xf32> to vector<256x2048xf32>
    %get3A_13 = arith.constant 0 : index
    %get3A_14 = arith.constant 0 : index
    %get3A_15 = arith.constant 0 : index
    %get3A_16 = vector.load %arg3[%get3A_13, %get3A_14, %get3A_15] : memref<1x1x2048xi32, #tpu.memory_space<vmem>>, vector<1x1x2048xi32>
    %get3A_17 = vector.shape_cast %get3A_16 : vector<1x1x2048xi32> to vector<2048xi32>
    %iota3A = tpu.iota {dimensions = array<i32: 0>} : vector<19x2048xi32>
    %broadcast_in_dim3A = vector.shape_cast %get3A_17 : vector<2048xi32> to vector<1x2048xi32>
    %eq3A_18 = vector.broadcast %broadcast_in_dim3A : vector<1x2048xi32> to vector<19x2048xi32>
    %eq3A_19 = arith.cmpi eq, %iota3A, %eq3A_18 : vector<19x2048xi32>
    %convert_element_type3A_20 = arith.extui %eq3A_19 : vector<19x2048xi1> to vector<19x2048xi32>
    %convert_element_type3A_21 = arith.sitofp %convert_element_type3A_20 : vector<19x2048xi32> to vector<19x2048xf32>
    %get3A_22 = arith.constant 0 : index
    %get3A_23 = arith.constant 0 : index
    %get3A_24 = vector.load %arg7[%get3A_22, %get3A_23] : memref<256x19xf32, #tpu.memory_space<vmem>>, vector<256x19xf32>
    %dot_general3A = arith.constant dense<0.000000e+00> : vector<256x19xf32>
    %dot_general3A_25 = tpu.matmul %get3A_12, %convert_element_type3A_21, %dot_general3A {dimension_numbers = #tpu.dot_dimension_numbers<[1], [1], [0], [0], [0, 0, 1, 0], [], []>, precision = #tpu.contract_precision<fp32>, transpose_lhs_hint = false} : vector<256x2048xf32>, vector<19x2048xf32>, vector<256x19xf32> -> vector<256x19xf32>
    %add3A = arith.addf %get3A_24, %dot_general3A_25 : vector<256x19xf32>
    %swap3A = arith.constant 0 : index
    %swap3A_26 = arith.constant 0 : index
    %swap3A_27 = vector.load %arg7[%swap3A, %swap3A_26] : memref<256x19xf32, #tpu.memory_space<vmem>>, vector<256x19xf32>
    tpu.vector_store %arg7[%swap3A, %swap3A_26], %add3A {strides = array<i32>} : memref<256x19xf32, #tpu.memory_space<vmem>>, vector<256x19xf32>,
    %mul3A = arith.mulf %get3A_12, %get3A_12 : vector<256x2048xf32>
    %reduce_sum3A = arith.constant dense<0.000000e+00> : vector<2048xf32>
    %reduce_sum3A_28 = vector.multi_reduction <add>, %mul3A, %reduce_sum3A [0] : vector<256x2048xf32> to vector<2048xf32>
    %iota3A_29 = tpu.iota {dimensions = array<i32: 0>} : vector<8x2048xi32>
    %eq3A_30 = arith.constant 0 : i32
    %eq3A_31 = vector.broadcast %eq3A_30 : i32 to vector<8x2048xi32>
    %eq3A_32 = arith.cmpi eq, %iota3A_29, %eq3A_31 : vector<8x2048xi32>
    %broadcast_in_dim3A_33 = vector.shape_cast %reduce_sum3A_28 : vector<2048xf32> to vector<1x2048xf32>
    %eq3A_34 = arith.constant 1 : i32
    %eq3A_35 = vector.broadcast %eq3A_34 : i32 to vector<8x2048xi32>
    %eq3A_36 = arith.cmpi eq, %iota3A_29, %eq3A_35 : vector<8x2048xi32>
    %jit3A = arith.constant 1.000000e+00 : f32
    %jit3A_37 = arith.constant 0.000000e+00 : f32
    %broadcast_in_dim3A_38 = vector.broadcast %jit3A : f32 to vector<8x2048xf32>
    %broadcast_in_dim3A_39 = vector.broadcast %jit3A_37 : f32 to vector<8x2048xf32>
    %select_n3A = arith.select %eq3A_36, %broadcast_in_dim3A_38, %broadcast_in_dim3A_39 : vector<8x2048xi1>, vector<8x2048xf32>
    %broadcast_in_dim3A_40 = vector.shape_cast %broadcast_in_dim3A_33 : vector<1x2048xf32> to vector<1x2048xf32>
    %broadcast_in_dim3A_41 = vector.broadcast %broadcast_in_dim3A_40 : vector<1x2048xf32> to vector<8x2048xf32>
    %select_n3A_42 = arith.select %eq3A_32, %broadcast_in_dim3A_41, %select_n3A : vector<8x2048xi1>, vector<8x2048xf32>
    %get3A_43 = arith.constant 0 : index
    %get3A_44 = arith.constant 0 : index
    %get3A_45 = vector.load %arg8[%get3A_43, %get3A_44] : memref<8x19xf32, #tpu.memory_space<vmem>>, vector<8x19xf32>
    %dot_general3A_46 = arith.constant dense<0.000000e+00> : vector<8x19xf32>
    %dot_general3A_47 = tpu.matmul %select_n3A_42, %convert_element_type3A_21, %dot_general3A_46 {dimension_numbers = #tpu.dot_dimension_numbers<[1], [1], [0], [0], [0, 0, 1, 0], [], []>, precision = #tpu.contract_precision<fp32>, transpose_lhs_hint = false} : vector<8x2048xf32>, vector<19x2048xf32>, vector<8x19xf32> -> vector<8x19xf32>
    %add3A_48 = arith.addf %get3A_45, %dot_general3A_47 : vector<8x19xf32>
    %swap3A_49 = arith.constant 0 : index
    %swap3A_50 = arith.constant 0 : index
    %swap3A_51 = vector.load %arg8[%swap3A_49, %swap3A_50] : memref<8x19xf32, #tpu.memory_space<vmem>>, vector<8x19xf32>
    tpu.vector_store %arg8[%swap3A_49, %swap3A_50], %add3A_48 {strides = array<i32>} : memref<8x19xf32, #tpu.memory_space<vmem>>, vector<8x19xf32>,
    %get3A_52 = arith.constant 0 : index
    %get3A_53 = arith.constant 0 : index
    %get3A_54 = arith.constant 0 : index
    %get3A_55 = vector.load %arg4[%get3A_52, %get3A_53, %get3A_54] : memref<1x256x2048xf32, #tpu.memory_space<vmem>>, vector<1x256x2048xf32>
    %get3A_56 = vector.shape_cast %get3A_55 : vector<1x256x2048xf32> to vector<256x2048xf32>
    %get3A_57 = arith.constant 0 : index
    %get3A_58 = arith.constant 0 : index
    %get3A_59 = arith.constant 0 : index
    %get3A_60 = vector.load %arg5[%get3A_57, %get3A_58, %get3A_59] : memref<1x1x2048xi32, #tpu.memory_space<vmem>>, vector<1x1x2048xi32>
    %get3A_61 = vector.shape_cast %get3A_60 : vector<1x1x2048xi32> to vector<2048xi32>
    %iota3A_62 = tpu.iota {dimensions = array<i32: 0>} : vector<19x2048xi32>
    %broadcast_in_dim3A_63 = vector.shape_cast %get3A_61 : vector<2048xi32> to vector<1x2048xi32>
    %eq3A_64 = vector.broadcast %broadcast_in_dim3A_63 : vector<1x2048xi32> to vector<19x2048xi32>
    %eq3A_65 = arith.cmpi eq, %iota3A_62, %eq3A_64 : vector<19x2048xi32>
    %convert_element_type3A_66 = arith.extui %eq3A_65 : vector<19x2048xi1> to vector<19x2048xi32>
    %convert_element_type3A_67 = arith.sitofp %convert_element_type3A_66 : vector<19x2048xi32> to vector<19x2048xf32>
    %get3A_68 = arith.constant 0 : index
    %get3A_69 = arith.constant 0 : index
    %get3A_70 = vector.load %arg9[%get3A_68, %get3A_69] : memref<256x19xf32, #tpu.memory_space<vmem>>, vector<256x19xf32>
    %dot_general3A_71 = arith.constant dense<0.000000e+00> : vector<256x19xf32>
    %dot_general3A_72 = tpu.matmul %get3A_56, %convert_element_type3A_67, %dot_general3A_71 {dimension_numbers = #tpu.dot_dimension_numbers<[1], [1], [0], [0], [0, 0, 1, 0], [], []>, precision = #tpu.contract_precision<fp32>, transpose_lhs_hint = false} : vector<256x2048xf32>, vector<19x2048xf32>, vector<256x19xf32> -> vector<256x19xf32>
    %add3A_73 = arith.addf %get3A_70, %dot_general3A_72 : vector<256x19xf32>
    %swap3A_74 = arith.constant 0 : index
    %swap3A_75 = arith.constant 0 : index
    %swap3A_76 = vector.load %arg9[%swap3A_74, %swap3A_75] : memref<256x19xf32, #tpu.memory_space<vmem>>, vector<256x19xf32>
    tpu.vector_store %arg9[%swap3A_74, %swap3A_75], %add3A_73 {strides = array<i32>} : memref<256x19xf32, #tpu.memory_space<vmem>>, vector<256x19xf32>,
    %mul3A_77 = arith.mulf %get3A_56, %get3A_56 : vector<256x2048xf32>
    %reduce_sum3A_78 = arith.constant dense<0.000000e+00> : vector<2048xf32>
    %reduce_sum3A_79 = vector.multi_reduction <add>, %mul3A_77, %reduce_sum3A_78 [0] : vector<256x2048xf32> to vector<2048xf32>
    %iota3A_80 = tpu.iota {dimensions = array<i32: 0>} : vector<8x2048xi32>
    %eq3A_81 = arith.constant 0 : i32
    %eq3A_82 = vector.broadcast %eq3A_81 : i32 to vector<8x2048xi32>
    %eq3A_83 = arith.cmpi eq, %iota3A_80, %eq3A_82 : vector<8x2048xi32>
    %broadcast_in_dim3A_84 = vector.shape_cast %reduce_sum3A_79 : vector<2048xf32> to vector<1x2048xf32>
    %eq3A_85 = arith.constant 1 : i32
    %eq3A_86 = vector.broadcast %eq3A_85 : i32 to vector<8x2048xi32>
    %eq3A_87 = arith.cmpi eq, %iota3A_80, %eq3A_86 : vector<8x2048xi32>
    %jit3A_88 = arith.constant 1.000000e+00 : f32
    %jit3A_89 = arith.constant 0.000000e+00 : f32
    %broadcast_in_dim3A_90 = vector.broadcast %jit3A_88 : f32 to vector<8x2048xf32>
    %broadcast_in_dim3A_91 = vector.broadcast %jit3A_89 : f32 to vector<8x2048xf32>
    %select_n3A_92 = arith.select %eq3A_87, %broadcast_in_dim3A_90, %broadcast_in_dim3A_91 : vector<8x2048xi1>, vector<8x2048xf32>
    %broadcast_in_dim3A_93 = vector.shape_cast %broadcast_in_dim3A_84 : vector<1x2048xf32> to vector<1x2048xf32>
    %broadcast_in_dim3A_94 = vector.broadcast %broadcast_in_dim3A_93 : vector<1x2048xf32> to vector<8x2048xf32>
    %select_n3A_95 = arith.select %eq3A_83, %broadcast_in_dim3A_94, %select_n3A_92 : vector<8x2048xi1>, vector<8x2048xf32>
    %get3A_96 = arith.constant 0 : index
    %get3A_97 = arith.constant 0 : index
    %get3A_98 = vector.load %arg10[%get3A_96, %get3A_97] : memref<8x19xf32, #tpu.memory_space<vmem>>, vector<8x19xf32>
    %dot_general3A_99 = arith.constant dense<0.000000e+00> : vector<8x19xf32>
    %dot_general3A_100 = tpu.matmul %select_n3A_95, %convert_element_type3A_67, %dot_general3A_99 {dimension_numbers = #tpu.dot_dimension_numbers<[1], [1], [0], [0], [0, 0, 1, 0], [], []>, precision = #tpu.contract_precision<fp32>, transpose_lhs_hint = false} : vector<8x2048xf32>, vector<19x2048xf32>, vector<8x19xf32> -> vector<8x19xf32>
    %add3A_101 = arith.addf %get3A_98, %dot_general3A_100 : vector<8x19xf32>
    %swap3A_102 = arith.constant 0 : index
    %swap3A_103 = arith.constant 0 : index
    %swap3A_104 = vector.load %arg10[%swap3A_102, %swap3A_103] : memref<8x19xf32, #tpu.memory_space<vmem>>, vector<8x19xf32>
    tpu.vector_store %arg10[%swap3A_102, %swap3A_103], %add3A_101 {strides = array<i32>} : memref<8x19xf32, #tpu.memory_space<vmem>>, vector<8x19xf32>,
    %convert_element_type3A_105 = arith.extui %and3A_7 : i1 to i32
    %cond3A_106 = arith.constant 0 : i32
    %cond3A_107 = arith.cmpi ne, %convert_element_type3A_105, %cond3A_106 : i32
    scf.if %cond3A_107 {
      %iota3A_108 = tpu.iota {dimensions = array<i32: 0>} : vector<8x19xi32>
      %get3A_109 = arith.constant 0 : index
      %get3A_110 = arith.constant 0 : index
      %get3A_111 = vector.load %arg7[%get3A_109, %get3A_110] : memref<256x19xf32, #tpu.memory_space<vmem>>, vector<256x19xf32>
      %get3A_112 = arith.constant 0 : index
      %get3A_113 = arith.constant 0 : index
      %get3A_114 = vector.load %arg9[%get3A_112, %get3A_113] : memref<256x19xf32, #tpu.memory_space<vmem>>, vector<256x19xf32>
      %eq3A_115 = arith.constant 0 : i32
      %eq3A_116 = vector.broadcast %eq3A_115 : i32 to vector<8x19xi32>
      %eq3A_117 = arith.cmpi eq, %iota3A_108, %eq3A_116 : vector<8x19xi32>
      %get3A_118 = arith.constant 0 : index
      %get3A_119 = arith.constant 0 : index
      %get3A_120 = vector.load %arg8[%get3A_118, %get3A_119] : memref<8x19xf32, #tpu.memory_space<vmem>>, vector<8x19xf32>
      %jit3A_121 = arith.constant 0.000000e+00 : f32
      %broadcast_in_dim3A_122 = vector.broadcast %jit3A_121 : f32 to vector<8x19xf32>
      %select_n3A_123 = arith.select %eq3A_117, %get3A_120, %broadcast_in_dim3A_122 : vector<8x19xi1>, vector<8x19xf32>
      %reduce_sum3A_124 = arith.constant dense<0.000000e+00> : vector<19xf32>
      %reduce_sum3A_125 = vector.multi_reduction <add>, %select_n3A_123, %reduce_sum3A_124 [0] : vector<8x19xf32> to vector<19xf32>
      %broadcast_in_dim3A_126 = vector.shape_cast %reduce_sum3A_125 : vector<19xf32> to vector<1x19xf32>
      %eq3A_127 = arith.constant 1 : i32
      %eq3A_128 = vector.broadcast %eq3A_127 : i32 to vector<8x19xi32>
      %eq3A_129 = arith.cmpi eq, %iota3A_108, %eq3A_128 : vector<8x19xi32>
      %get3A_130 = arith.constant 0 : index
      %get3A_131 = arith.constant 0 : index
      %get3A_132 = vector.load %arg8[%get3A_130, %get3A_131] : memref<8x19xf32, #tpu.memory_space<vmem>>, vector<8x19xf32>
      %jit3A_133 = arith.constant 0.000000e+00 : f32
      %broadcast_in_dim3A_134 = vector.broadcast %jit3A_133 : f32 to vector<8x19xf32>
      %select_n3A_135 = arith.select %eq3A_129, %get3A_132, %broadcast_in_dim3A_134 : vector<8x19xi1>, vector<8x19xf32>
      %reduce_sum3A_136 = arith.constant dense<0.000000e+00> : vector<19xf32>
      %reduce_sum3A_137 = vector.multi_reduction <add>, %select_n3A_135, %reduce_sum3A_136 [0] : vector<8x19xf32> to vector<19xf32>
      %broadcast_in_dim3A_138 = vector.shape_cast %reduce_sum3A_137 : vector<19xf32> to vector<1x19xf32>
      %eq3A_139 = arith.constant 0 : i32
      %eq3A_140 = vector.broadcast %eq3A_139 : i32 to vector<8x19xi32>
      %eq3A_141 = arith.cmpi eq, %iota3A_108, %eq3A_140 : vector<8x19xi32>
      %get3A_142 = arith.constant 0 : index
      %get3A_143 = arith.constant 0 : index
      %get3A_144 = vector.load %arg10[%get3A_142, %get3A_143] : memref<8x19xf32, #tpu.memory_space<vmem>>, vector<8x19xf32>
      %jit3A_145 = arith.constant 0.000000e+00 : f32
      %broadcast_in_dim3A_146 = vector.broadcast %jit3A_145 : f32 to vector<8x19xf32>
      %select_n3A_147 = arith.select %eq3A_141, %get3A_144, %broadcast_in_dim3A_146 : vector<8x19xi1>, vector<8x19xf32>
      %reduce_sum3A_148 = arith.constant dense<0.000000e+00> : vector<19xf32>
      %reduce_sum3A_149 = vector.multi_reduction <add>, %select_n3A_147, %reduce_sum3A_148 [0] : vector<8x19xf32> to vector<19xf32>
      %broadcast_in_dim3A_150 = vector.shape_cast %reduce_sum3A_149 : vector<19xf32> to vector<1x19xf32>
      %eq3A_151 = arith.constant 1 : i32
      %eq3A_152 = vector.broadcast %eq3A_151 : i32 to vector<8x19xi32>
      %eq3A_153 = arith.cmpi eq, %iota3A_108, %eq3A_152 : vector<8x19xi32>
      %get3A_154 = arith.constant 0 : index
      %get3A_155 = arith.constant 0 : index
      %get3A_156 = vector.load %arg10[%get3A_154, %get3A_155] : memref<8x19xf32, #tpu.memory_space<vmem>>, vector<8x19xf32>
      %jit3A_157 = arith.constant 0.000000e+00 : f32
      %broadcast_in_dim3A_158 = vector.broadcast %jit3A_157 : f32 to vector<8x19xf32>
      %select_n3A_159 = arith.select %eq3A_153, %get3A_156, %broadcast_in_dim3A_158 : vector<8x19xi1>, vector<8x19xf32>
      %reduce_sum3A_160 = arith.constant dense<0.000000e+00> : vector<19xf32>
      %reduce_sum3A_161 = vector.multi_reduction <add>, %select_n3A_159, %reduce_sum3A_160 [0] : vector<8x19xf32> to vector<19xf32>
      %broadcast_in_dim3A_162 = vector.shape_cast %reduce_sum3A_161 : vector<19xf32> to vector<1x19xf32>
      %add3A_163 = arith.addf %broadcast_in_dim3A_138, %broadcast_in_dim3A_162 : vector<1x19xf32>
      %gt3A = arith.constant 0.000000e+00 : f32
      %gt3A_164 = vector.broadcast %gt3A : f32 to vector<1x19xf32>
      %gt3A_165 = arith.cmpf ogt, %add3A_163, %gt3A_164 : vector<1x19xf32>
      %add3A_166 = arith.addf %get3A_111, %get3A_114 : vector<256x19xf32>
      %max3A = arith.constant 1.000000e+00 : f32
      %max3A_167 = vector.broadcast %max3A : f32 to vector<1x19xf32>
      %max3A_168 = arith.maximumf %add3A_163, %max3A_167 : vector<1x19xf32>
      %div3A = vector.broadcast %max3A_168 : vector<1x19xf32> to vector<256x19xf32>
      %div3A_169 = arith.divf %add3A_166, %div3A : vector<256x19xf32>
      %mul3A_170 = arith.mulf %div3A_169, %div3A_169 : vector<256x19xf32>
      %reduce_sum3A_171 = arith.constant dense<0.000000e+00> : vector<19xf32>
      %reduce_sum3A_172 = vector.multi_reduction <add>, %mul3A_170, %reduce_sum3A_171 [0] : vector<256x19xf32> to vector<19xf32>
      %broadcast_in_dim3A_173 = vector.shape_cast %reduce_sum3A_172 : vector<19xf32> to vector<1x19xf32>
      %mul3A_174 = arith.mulf %div3A_169, %get3A_111 : vector<256x19xf32>
      %reduce_sum3A_175 = arith.constant dense<0.000000e+00> : vector<19xf32>
      %reduce_sum3A_176 = vector.multi_reduction <add>, %mul3A_174, %reduce_sum3A_175 [0] : vector<256x19xf32> to vector<19xf32>
      %broadcast_in_dim3A_177 = vector.shape_cast %reduce_sum3A_176 : vector<19xf32> to vector<1x19xf32>
      %mul3A_178 = arith.constant 2.000000e+00 : f32
      %mul3A_179 = vector.broadcast %mul3A_178 : f32 to vector<1x19xf32>
      %mul3A_180 = arith.mulf %mul3A_179, %broadcast_in_dim3A_177 : vector<1x19xf32>
      %sub3A = arith.subf %broadcast_in_dim3A_126, %mul3A_180 : vector<1x19xf32>
      %mul3A_181 = arith.mulf %broadcast_in_dim3A_138, %broadcast_in_dim3A_173 : vector<1x19xf32>
      %add3A_182 = arith.addf %sub3A, %mul3A_181 : vector<1x19xf32>
      %max3A_183 = arith.constant 0.000000e+00 : f32
      %max3A_184 = vector.broadcast %max3A_183 : f32 to vector<1x19xf32>
      %max3A_185 = arith.maximumf %add3A_182, %max3A_184 : vector<1x19xf32>
      %gt3A_186 = arith.constant 0.000000e+00 : f32
      %gt3A_187 = vector.broadcast %gt3A_186 : f32 to vector<1x19xf32>
      %gt3A_188 = arith.cmpf ogt, %broadcast_in_dim3A_138, %gt3A_187 : vector<1x19xf32>
      %jit3A_189 = arith.constant 1.000000e+00 : f32
      %broadcast_in_dim3A_190 = vector.broadcast %jit3A_189 : f32 to vector<1x19xf32>
      %select_n3A_191 = arith.select %gt3A_188, %max3A_185, %broadcast_in_dim3A_190 : vector<1x19xi1>, vector<1x19xf32>
      %sqrt3A = math.sqrt %select_n3A_191 : vector<1x19xf32>
      %mul3A_192 = arith.constant 2.560000e+02 : f32
      %mul3A_193 = vector.broadcast %mul3A_192 : f32 to vector<1x19xf32>
      %mul3A_194 = arith.mulf %broadcast_in_dim3A_138, %mul3A_193 : vector<1x19xf32>
      %max3A_195 = arith.constant 1.000000e+00 : f32
      %max3A_196 = vector.broadcast %max3A_195 : f32 to vector<1x19xf32>
      %max3A_197 = arith.maximumf %mul3A_194, %max3A_196 : vector<1x19xf32>
      %div3A_198 = arith.divf %sqrt3A, %max3A_197 : vector<1x19xf32>
      %jit3A_199 = arith.constant 1.000000e+00 : f32
      %jit3A_200 = arith.constant 0.000000e+00 : f32
      %broadcast_in_dim3A_201 = vector.broadcast %jit3A_199 : f32 to vector<1x19xf32>
      %broadcast_in_dim3A_202 = vector.broadcast %jit3A_200 : f32 to vector<1x19xf32>
      %select_n3A_203 = arith.select %gt3A_188, %broadcast_in_dim3A_201, %broadcast_in_dim3A_202 : vector<1x19xi1>, vector<1x19xf32>
      %reduce_sum3A_204 = vector.shape_cast %select_n3A_203 : vector<1x19xf32> to vector<1x1x19xf32>
      %reduce_sum3A_205 = arith.constant dense<0.000000e+00> : vector<1xf32>
      %reduce_sum3A_206 = vector.multi_reduction <add>, %reduce_sum3A_204, %reduce_sum3A_205 [1, 2] : vector<1x1x19xf32> to vector<1xf32>
      %reduce_sum3A_207 = vector.shape_cast %reduce_sum3A_206 : vector<1xf32> to vector<1x1x1xf32>
      %reduce_sum3A_208 = vector.extract %reduce_sum3A_207[0, 0, 0] : f32 from vector<1x1x1xf32>
      %jit3A_209 = arith.constant 0.000000e+00 : f32
      %broadcast_in_dim3A_210 = vector.broadcast %jit3A_209 : f32 to vector<1x19xf32>
      %select_n3A_211 = arith.select %gt3A_188, %div3A_198, %broadcast_in_dim3A_210 : vector<1x19xi1>, vector<1x19xf32>
      %reduce_sum3A_212 = vector.shape_cast %select_n3A_211 : vector<1x19xf32> to vector<1x1x19xf32>
      %reduce_sum3A_213 = arith.constant dense<0.000000e+00> : vector<1xf32>
      %reduce_sum3A_214 = vector.multi_reduction <add>, %reduce_sum3A_212, %reduce_sum3A_213 [1, 2] : vector<1x1x19xf32> to vector<1xf32>
      %reduce_sum3A_215 = vector.shape_cast %reduce_sum3A_214 : vector<1xf32> to vector<1x1x1xf32>
      %reduce_sum3A_216 = vector.extract %reduce_sum3A_215[0, 0, 0] : f32 from vector<1x1x1xf32>
      %max3A_217 = arith.constant 1.000000e+00 : f32
      %max3A_218 = arith.maximumf %reduce_sum3A_208, %max3A_217 : f32
      %div3A_219 = arith.divf %reduce_sum3A_216, %max3A_218 : f32
      %mul3A_220 = arith.mulf %div3A_169, %get3A_114 : vector<256x19xf32>
      %reduce_sum3A_221 = arith.constant dense<0.000000e+00> : vector<19xf32>
      %reduce_sum3A_222 = vector.multi_reduction <add>, %mul3A_220, %reduce_sum3A_221 [0] : vector<256x19xf32> to vector<19xf32>
      %broadcast_in_dim3A_223 = vector.shape_cast %reduce_sum3A_222 : vector<19xf32> to vector<1x19xf32>
      %mul3A_224 = arith.constant 2.000000e+00 : f32
      %mul3A_225 = vector.broadcast %mul3A_224 : f32 to vector<1x19xf32>
      %mul3A_226 = arith.mulf %mul3A_225, %broadcast_in_dim3A_223 : vector<1x19xf32>
      %sub3A_227 = arith.subf %broadcast_in_dim3A_150, %mul3A_226 : vector<1x19xf32>
      %mul3A_228 = arith.mulf %broadcast_in_dim3A_162, %broadcast_in_dim3A_173 : vector<1x19xf32>
      %add3A_229 = arith.addf %sub3A_227, %mul3A_228 : vector<1x19xf32>
      %max3A_230 = arith.constant 0.000000e+00 : f32
      %max3A_231 = vector.broadcast %max3A_230 : f32 to vector<1x19xf32>
      %max3A_232 = arith.maximumf %add3A_229, %max3A_231 : vector<1x19xf32>
      %gt3A_233 = arith.constant 0.000000e+00 : f32
      %gt3A_234 = vector.broadcast %gt3A_233 : f32 to vector<1x19xf32>
      %gt3A_235 = arith.cmpf ogt, %broadcast_in_dim3A_162, %gt3A_234 : vector<1x19xf32>
      %jit3A_236 = arith.constant 1.000000e+00 : f32
      %broadcast_in_dim3A_237 = vector.broadcast %jit3A_236 : f32 to vector<1x19xf32>
      %select_n3A_238 = arith.select %gt3A_235, %max3A_232, %broadcast_in_dim3A_237 : vector<1x19xi1>, vector<1x19xf32>
      %sqrt3A_239 = math.sqrt %select_n3A_238 : vector<1x19xf32>
      %mul3A_240 = arith.constant 2.560000e+02 : f32
      %mul3A_241 = vector.broadcast %mul3A_240 : f32 to vector<1x19xf32>
      %mul3A_242 = arith.mulf %broadcast_in_dim3A_162, %mul3A_241 : vector<1x19xf32>
      %max3A_243 = arith.constant 1.000000e+00 : f32
      %max3A_244 = vector.broadcast %max3A_243 : f32 to vector<1x19xf32>
      %max3A_245 = arith.maximumf %mul3A_242, %max3A_244 : vector<1x19xf32>
      %div3A_246 = arith.divf %sqrt3A_239, %max3A_245 : vector<1x19xf32>
      %jit3A_247 = arith.constant 1.000000e+00 : f32
      %jit3A_248 = arith.constant 0.000000e+00 : f32
      %broadcast_in_dim3A_249 = vector.broadcast %jit3A_247 : f32 to vector<1x19xf32>
      %broadcast_in_dim3A_250 = vector.broadcast %jit3A_248 : f32 to vector<1x19xf32>
      %select_n3A_251 = arith.select %gt3A_235, %broadcast_in_dim3A_249, %broadcast_in_dim3A_250 : vector<1x19xi1>, vector<1x19xf32>
      %reduce_sum3A_252 = vector.shape_cast %select_n3A_251 : vector<1x19xf32> to vector<1x1x19xf32>
      %reduce_sum3A_253 = arith.constant dense<0.000000e+00> : vector<1xf32>
      %reduce_sum3A_254 = vector.multi_reduction <add>, %reduce_sum3A_252, %reduce_sum3A_253 [1, 2] : vector<1x1x19xf32> to vector<1xf32>
      %reduce_sum3A_255 = vector.shape_cast %reduce_sum3A_254 : vector<1xf32> to vector<1x1x1xf32>
      %reduce_sum3A_256 = vector.extract %reduce_sum3A_255[0, 0, 0] : f32 from vector<1x1x1xf32>
      %jit3A_257 = arith.constant 0.000000e+00 : f32
      %broadcast_in_dim3A_258 = vector.broadcast %jit3A_257 : f32 to vector<1x19xf32>
      %select_n3A_259 = arith.select %gt3A_235, %div3A_246, %broadcast_in_dim3A_258 : vector<1x19xi1>, vector<1x19xf32>
      %reduce_sum3A_260 = vector.shape_cast %select_n3A_259 : vector<1x19xf32> to vector<1x1x19xf32>
      %reduce_sum3A_261 = arith.constant dense<0.000000e+00> : vector<1xf32>
      %reduce_sum3A_262 = vector.multi_reduction <add>, %reduce_sum3A_260, %reduce_sum3A_261 [1, 2] : vector<1x1x19xf32> to vector<1xf32>
      %reduce_sum3A_263 = vector.shape_cast %reduce_sum3A_262 : vector<1xf32> to vector<1x1x1xf32>
      %reduce_sum3A_264 = vector.extract %reduce_sum3A_263[0, 0, 0] : f32 from vector<1x1x1xf32>
      %max3A_265 = arith.constant 1.000000e+00 : f32
      %max3A_266 = arith.maximumf %reduce_sum3A_256, %max3A_265 : f32
      %div3A_267 = arith.divf %reduce_sum3A_264, %max3A_266 : f32
      %jit3A_268 = arith.constant 0.000000e+00 : f32
      %broadcast_in_dim3A_269 = vector.shape_cast %gt3A_165 : vector<1x19xi1> to vector<1x19xi1>
      %broadcast_in_dim3A_270 = vector.broadcast %broadcast_in_dim3A_269 : vector<1x19xi1> to vector<256x19xi1>
      %broadcast_in_dim3A_271 = vector.broadcast %jit3A_268 : f32 to vector<256x19xf32>
      %select_n3A_272 = arith.select %broadcast_in_dim3A_270, %div3A_169, %broadcast_in_dim3A_271 : vector<256x19xi1>, vector<256x19xf32>
      %mul3A_273 = arith.mulf %select_n3A_272, %select_n3A_272 : vector<256x19xf32>
      %reduce_sum3A_274 = arith.constant dense<0.000000e+00> : vector<19xf32>
      %reduce_sum3A_275 = vector.multi_reduction <add>, %mul3A_273, %reduce_sum3A_274 [0] : vector<256x19xf32> to vector<19xf32>
      %broadcast_in_dim3A_276 = vector.shape_cast %reduce_sum3A_275 : vector<19xf32> to vector<1x19xf32>
      %iota3A_277 = tpu.iota {dimensions = array<i32: 1>} : vector<1x19xi32>
      %iota3A_278 = tpu.iota {dimensions = array<i32: 1>} : vector<256x19xi32>
      %broadcast_in_dim3A_279 = arith.constant 0.000000e+00 : f32
      %broadcast_in_dim3A_280 = vector.broadcast %broadcast_in_dim3A_279 : f32 to vector<1x19xf32>
      %eq3A_281 = arith.constant 0 : i32
      %eq3A_282 = vector.broadcast %eq3A_281 : i32 to vector<256x19xi32>
      %eq3A_283 = arith.cmpi eq, %iota3A_278, %eq3A_282 : vector<256x19xi32>
      %jit3A_284 = arith.constant 0.000000e+00 : f32
      %broadcast_in_dim3A_285 = vector.broadcast %jit3A_284 : f32 to vector<256x19xf32>
      %select_n3A_286 = arith.select %eq3A_283, %select_n3A_272, %broadcast_in_dim3A_285 : vector<256x19xi1>, vector<256x19xf32>
      %reduce_sum3A_287 = arith.constant dense<0.000000e+00> : vector<256xf32>
      %reduce_sum3A_288 = vector.multi_reduction <add>, %select_n3A_286, %reduce_sum3A_287 [1] : vector<256x19xf32> to vector<256xf32>
      %broadcast_in_dim3A_289 = vector.shape_cast %reduce_sum3A_288 : vector<256xf32> to vector<256x1xf32>
      %mul3A_290 = vector.broadcast %broadcast_in_dim3A_289 : vector<256x1xf32> to vector<256x19xf32>
      %mul3A_291 = arith.mulf %mul3A_290, %select_n3A_272 : vector<256x19xf32>
      %reduce_sum3A_292 = arith.constant dense<0.000000e+00> : vector<19xf32>
      %reduce_sum3A_293 = vector.multi_reduction <add>, %mul3A_291, %reduce_sum3A_292 [0] : vector<256x19xf32> to vector<19xf32>
      %broadcast_in_dim3A_294 = vector.shape_cast %reduce_sum3A_293 : vector<19xf32> to vector<1x19xf32>
      %eq3A_295 = arith.constant 0 : i32
      %eq3A_296 = vector.broadcast %eq3A_295 : i32 to vector<1x19xi32>
      %eq3A_297 = arith.cmpi eq, %iota3A_277, %eq3A_296 : vector<1x19xi32>
      %jit3A_298 = arith.constant 0.000000e+00 : f32
      %broadcast_in_dim3A_299 = vector.broadcast %jit3A_298 : f32 to vector<1x19xf32>
      %select_n3A_300 = arith.select %eq3A_297, %broadcast_in_dim3A_276, %broadcast_in_dim3A_299 : vector<1x19xi1>, vector<1x19xf32>
      %reduce_sum3A_301 = vector.shape_cast %select_n3A_300 : vector<1x19xf32> to vector<1x1x19xf32>
      %reduce_sum3A_302 = arith.constant dense<0.000000e+00> : vector<1xf32>
      %reduce_sum3A_303 = vector.multi_reduction <add>, %reduce_sum3A_301, %reduce_sum3A_302 [1, 2] : vector<1x1x19xf32> to vector<1xf32>
      %reduce_sum3A_304 = vector.shape_cast %reduce_sum3A_303 : vector<1xf32> to vector<1x1x1xf32>
      %reduce_sum3A_305 = vector.extract %reduce_sum3A_304[0, 0, 0] : f32 from vector<1x1x1xf32>
      %add3A_306 = vector.broadcast %reduce_sum3A_305 : f32 to vector<1x19xf32>
      %add3A_307 = arith.addf %broadcast_in_dim3A_276, %add3A_306 : vector<1x19xf32>
      %mul3A_308 = arith.constant 2.000000e+00 : f32
      %mul3A_309 = vector.broadcast %mul3A_308 : f32 to vector<1x19xf32>
      %mul3A_310 = arith.mulf %mul3A_309, %broadcast_in_dim3A_294 : vector<1x19xf32>
      %sub3A_311 = arith.subf %add3A_307, %mul3A_310 : vector<1x19xf32>
      %ne3A = arith.constant 0 : i32
      %ne3A_312 = vector.broadcast %ne3A : i32 to vector<1x19xi32>
      %ne3A_313 = arith.cmpi ne, %iota3A_277, %ne3A_312 : vector<1x19xi32>
      %and3A_314 = arith.andi %ne3A_313, %gt3A_165 : vector<1x19xi1>
      %jit3A_315 = arith.constant 0.000000e+00 : f32
      %broadcast_in_dim3A_316 = vector.broadcast %jit3A_315 : f32 to vector<1x19xf32>
      %select_n3A_317 = arith.select %and3A_314, %sub3A_311, %broadcast_in_dim3A_316 : vector<1x19xi1>, vector<1x19xf32>
      %reduce_sum3A_318 = vector.shape_cast %select_n3A_317 : vector<1x19xf32> to vector<1x1x19xf32>
      %reduce_sum3A_319 = arith.constant dense<0.000000e+00> : vector<1xf32>
      %reduce_sum3A_320 = vector.multi_reduction <add>, %reduce_sum3A_318, %reduce_sum3A_319 [1, 2] : vector<1x1x19xf32> to vector<1xf32>
      %reduce_sum3A_321 = vector.shape_cast %reduce_sum3A_320 : vector<1xf32> to vector<1x1x1xf32>
      %reduce_sum3A_322 = vector.extract %reduce_sum3A_321[0, 0, 0] : f32 from vector<1x1x1xf32>
      %eq3A_323 = arith.constant 0 : i32
      %eq3A_324 = vector.broadcast %eq3A_323 : i32 to vector<1x19xi32>
      %eq3A_325 = arith.cmpi eq, %iota3A_277, %eq3A_324 : vector<1x19xi32>
      %jit3A_326 = arith.constant 0.000000e+00 : f32
      %broadcast_in_dim3A_327 = vector.broadcast %reduce_sum3A_322 : f32 to vector<1x19xf32>
      %broadcast_in_dim3A_328 = vector.broadcast %jit3A_326 : f32 to vector<1x19xf32>
      %select_n3A_329 = arith.select %eq3A_325, %broadcast_in_dim3A_327, %broadcast_in_dim3A_328 : vector<1x19xi1>, vector<1x19xf32>
      %add3A_330 = arith.addf %broadcast_in_dim3A_280, %select_n3A_329 : vector<1x19xf32>
      %eq3A_331 = arith.constant 1 : i32
      %eq3A_332 = vector.broadcast %eq3A_331 : i32 to vector<256x19xi32>
      %eq3A_333 = arith.cmpi eq, %iota3A_278, %eq3A_332 : vector<256x19xi32>
      %jit3A_334 = arith.constant 0.000000e+00 : f32
      %broadcast_in_dim3A_335 = vector.broadcast %jit3A_334 : f32 to vector<256x19xf32>
      %select_n3A_336 = arith.select %eq3A_333, %select_n3A_272, %broadcast_in_dim3A_335 : vector<256x19xi1>, vector<256x19xf32>
      %reduce_sum3A_337 = arith.constant dense<0.000000e+00> : vector<256xf32>
      %reduce_sum3A_338 = vector.multi_reduction <add>, %select_n3A_336, %reduce_sum3A_337 [1] : vector<256x19xf32> to vector<256xf32>
      %broadcast_in_dim3A_339 = vector.shape_cast %reduce_sum3A_338 : vector<256xf32> to vector<256x1xf32>
      %mul3A_340 = vector.broadcast %broadcast_in_dim3A_339 : vector<256x1xf32> to vector<256x19xf32>
      %mul3A_341 = arith.mulf %mul3A_340, %select_n3A_272 : vector<256x19xf32>
      %reduce_sum3A_342 = arith.constant dense<0.000000e+00> : vector<19xf32>
      %reduce_sum3A_343 = vector.multi_reduction <add>, %mul3A_341, %reduce_sum3A_342 [0] : vector<256x19xf32> to vector<19xf32>
      %broadcast_in_dim3A_344 = vector.shape_cast %reduce_sum3A_343 : vector<19xf32> to vector<1x19xf32>
      %eq3A_345 = arith.constant 1 : i32
      %eq3A_346 = vector.broadcast %eq3A_345 : i32 to vector<1x19xi32>
      %eq3A_347 = arith.cmpi eq, %iota3A_277, %eq3A_346 : vector<1x19xi32>
      %jit3A_348 = arith.constant 0.000000e+00 : f32
      %broadcast_in_dim3A_349 = vector.broadcast %jit3A_348 : f32 to vector<1x19xf32>
      %select_n3A_350 = arith.select %eq3A_347, %broadcast_in_dim3A_276, %broadcast_in_dim3A_349 : vector<1x19xi1>, vector<1x19xf32>
      %reduce_sum3A_351 = vector.shape_cast %select_n3A_350 : vector<1x19xf32> to vector<1x1x19xf32>
      %reduce_sum3A_352 = arith.constant dense<0.000000e+00> : vector<1xf32>
      %reduce_sum3A_353 = vector.multi_reduction <add>, %reduce_sum3A_351, %reduce_sum3A_352 [1, 2] : vector<1x1x19xf32> to vector<1xf32>
      %reduce_sum3A_354 = vector.shape_cast %reduce_sum3A_353 : vector<1xf32> to vector<1x1x1xf32>
      %reduce_sum3A_355 = vector.extract %reduce_sum3A_354[0, 0, 0] : f32 from vector<1x1x1xf32>
      %add3A_356 = vector.broadcast %reduce_sum3A_355 : f32 to vector<1x19xf32>
      %add3A_357 = arith.addf %broadcast_in_dim3A_276, %add3A_356 : vector<1x19xf32>
      %mul3A_358 = arith.constant 2.000000e+00 : f32
      %mul3A_359 = vector.broadcast %mul3A_358 : f32 to vector<1x19xf32>
      %mul3A_360 = arith.mulf %mul3A_359, %broadcast_in_dim3A_344 : vector<1x19xf32>
      %sub3A_361 = arith.subf %add3A_357, %mul3A_360 : vector<1x19xf32>
      %ne3A_362 = arith.constant 1 : i32
      %ne3A_363 = vector.broadcast %ne3A_362 : i32 to vector<1x19xi32>
      %ne3A_364 = arith.cmpi ne, %iota3A_277, %ne3A_363 : vector<1x19xi32>
      %and3A_365 = arith.andi %ne3A_364, %gt3A_165 : vector<1x19xi1>
      %jit3A_366 = arith.constant 0.000000e+00 : f32
      %broadcast_in_dim3A_367 = vector.broadcast %jit3A_366 : f32 to vector<1x19xf32>
      %select_n3A_368 = arith.select %and3A_365, %sub3A_361, %broadcast_in_dim3A_367 : vector<1x19xi1>, vector<1x19xf32>
      %reduce_sum3A_369 = vector.shape_cast %select_n3A_368 : vector<1x19xf32> to vector<1x1x19xf32>
      %reduce_sum3A_370 = arith.constant dense<0.000000e+00> : vector<1xf32>
      %reduce_sum3A_371 = vector.multi_reduction <add>, %reduce_sum3A_369, %reduce_sum3A_370 [1, 2] : vector<1x1x19xf32> to vector<1xf32>
      %reduce_sum3A_372 = vector.shape_cast %reduce_sum3A_371 : vector<1xf32> to vector<1x1x1xf32>
      %reduce_sum3A_373 = vector.extract %reduce_sum3A_372[0, 0, 0] : f32 from vector<1x1x1xf32>
      %eq3A_374 = arith.constant 1 : i32
      %eq3A_375 = vector.broadcast %eq3A_374 : i32 to vector<1x19xi32>
      %eq3A_376 = arith.cmpi eq, %iota3A_277, %eq3A_375 : vector<1x19xi32>
      %jit3A_377 = arith.constant 0.000000e+00 : f32
      %broadcast_in_dim3A_378 = vector.broadcast %reduce_sum3A_373 : f32 to vector<1x19xf32>
      %broadcast_in_dim3A_379 = vector.broadcast %jit3A_377 : f32 to vector<1x19xf32>
      %select_n3A_380 = arith.select %eq3A_376, %broadcast_in_dim3A_378, %broadcast_in_dim3A_379 : vector<1x19xi1>, vector<1x19xf32>
      %add3A_381 = arith.addf %add3A_330, %select_n3A_380 : vector<1x19xf32>
      %eq3A_382 = arith.constant 2 : i32
      %eq3A_383 = vector.broadcast %eq3A_382 : i32 to vector<256x19xi32>
      %eq3A_384 = arith.cmpi eq, %iota3A_278, %eq3A_383 : vector<256x19xi32>
      %jit3A_385 = arith.constant 0.000000e+00 : f32
      %broadcast_in_dim3A_386 = vector.broadcast %jit3A_385 : f32 to vector<256x19xf32>
      %select_n3A_387 = arith.select %eq3A_384, %select_n3A_272, %broadcast_in_dim3A_386 : vector<256x19xi1>, vector<256x19xf32>
      %reduce_sum3A_388 = arith.constant dense<0.000000e+00> : vector<256xf32>
      %reduce_sum3A_389 = vector.multi_reduction <add>, %select_n3A_387, %reduce_sum3A_388 [1] : vector<256x19xf32> to vector<256xf32>
      %broadcast_in_dim3A_390 = vector.shape_cast %reduce_sum3A_389 : vector<256xf32> to vector<256x1xf32>
      %mul3A_391 = vector.broadcast %broadcast_in_dim3A_390 : vector<256x1xf32> to vector<256x19xf32>
      %mul3A_392 = arith.mulf %mul3A_391, %select_n3A_272 : vector<256x19xf32>
      %reduce_sum3A_393 = arith.constant dense<0.000000e+00> : vector<19xf32>
      %reduce_sum3A_394 = vector.multi_reduction <add>, %mul3A_392, %reduce_sum3A_393 [0] : vector<256x19xf32> to vector<19xf32>
      %broadcast_in_dim3A_395 = vector.shape_cast %reduce_sum3A_394 : vector<19xf32> to vector<1x19xf32>
      %eq3A_396 = arith.constant 2 : i32
      %eq3A_397 = vector.broadcast %eq3A_396 : i32 to vector<1x19xi32>
      %eq3A_398 = arith.cmpi eq, %iota3A_277, %eq3A_397 : vector<1x19xi32>
      %jit3A_399 = arith.constant 0.000000e+00 : f32
      %broadcast_in_dim3A_400 = vector.broadcast %jit3A_399 : f32 to vector<1x19xf32>
      %select_n3A_401 = arith.select %eq3A_398, %broadcast_in_dim3A_276, %broadcast_in_dim3A_400 : vector<1x19xi1>, vector<1x19xf32>
      %reduce_sum3A_402 = vector.shape_cast %select_n3A_401 : vector<1x19xf32> to vector<1x1x19xf32>
      %reduce_sum3A_403 = arith.constant dense<0.000000e+00> : vector<1xf32>
      %reduce_sum3A_404 = vector.multi_reduction <add>, %reduce_sum3A_402, %reduce_sum3A_403 [1, 2] : vector<1x1x19xf32> to vector<1xf32>
      %reduce_sum3A_405 = vector.shape_cast %reduce_sum3A_404 : vector<1xf32> to vector<1x1x1xf32>
      %reduce_sum3A_406 = vector.extract %reduce_sum3A_405[0, 0, 0] : f32 from vector<1x1x1xf32>
      %add3A_407 = vector.broadcast %reduce_sum3A_406 : f32 to vector<1x19xf32>
      %add3A_408 = arith.addf %broadcast_in_dim3A_276, %add3A_407 : vector<1x19xf32>
      %mul3A_409 = arith.constant 2.000000e+00 : f32
      %mul3A_410 = vector.broadcast %mul3A_409 : f32 to vector<1x19xf32>
      %mul3A_411 = arith.mulf %mul3A_410, %broadcast_in_dim3A_395 : vector<1x19xf32>
      %sub3A_412 = arith.subf %add3A_408, %mul3A_411 : vector<1x19xf32>
      %ne3A_413 = arith.constant 2 : i32
      %ne3A_414 = vector.broadcast %ne3A_413 : i32 to vector<1x19xi32>
      %ne3A_415 = arith.cmpi ne, %iota3A_277, %ne3A_414 : vector<1x19xi32>
      %and3A_416 = arith.andi %ne3A_415, %gt3A_165 : vector<1x19xi1>
      %jit3A_417 = arith.constant 0.000000e+00 : f32
      %broadcast_in_dim3A_418 = vector.broadcast %jit3A_417 : f32 to vector<1x19xf32>
      %select_n3A_419 = arith.select %and3A_416, %sub3A_412, %broadcast_in_dim3A_418 : vector<1x19xi1>, vector<1x19xf32>
      %reduce_sum3A_420 = vector.shape_cast %select_n3A_419 : vector<1x19xf32> to vector<1x1x19xf32>
      %reduce_sum3A_421 = arith.constant dense<0.000000e+00> : vector<1xf32>
      %reduce_sum3A_422 = vector.multi_reduction <add>, %reduce_sum3A_420, %reduce_sum3A_421 [1, 2] : vector<1x1x19xf32> to vector<1xf32>
      %reduce_sum3A_423 = vector.shape_cast %reduce_sum3A_422 : vector<1xf32> to vector<1x1x1xf32>
      %reduce_sum3A_424 = vector.extract %reduce_sum3A_423[0, 0, 0] : f32 from vector<1x1x1xf32>
      %eq3A_425 = arith.constant 2 : i32
      %eq3A_426 = vector.broadcast %eq3A_425 : i32 to vector<1x19xi32>
      %eq3A_427 = arith.cmpi eq, %iota3A_277, %eq3A_426 : vector<1x19xi32>
      %jit3A_428 = arith.constant 0.000000e+00 : f32
      %broadcast_in_dim3A_429 = vector.broadcast %reduce_sum3A_424 : f32 to vector<1x19xf32>
      %broadcast_in_dim3A_430 = vector.broadcast %jit3A_428 : f32 to vector<1x19xf32>
      %select_n3A_431 = arith.select %eq3A_427, %broadcast_in_dim3A_429, %broadcast_in_dim3A_430 : vector<1x19xi1>, vector<1x19xf32>
      %add3A_432 = arith.addf %add3A_381, %select_n3A_431 : vector<1x19xf32>
      %eq3A_433 = arith.constant 3 : i32
      %eq3A_434 = vector.broadcast %eq3A_433 : i32 to vector<256x19xi32>
      %eq3A_435 = arith.cmpi eq, %iota3A_278, %eq3A_434 : vector<256x19xi32>
      %jit3A_436 = arith.constant 0.000000e+00 : f32
      %broadcast_in_dim3A_437 = vector.broadcast %jit3A_436 : f32 to vector<256x19xf32>
      %select_n3A_438 = arith.select %eq3A_435, %select_n3A_272, %broadcast_in_dim3A_437 : vector<256x19xi1>, vector<256x19xf32>
      %reduce_sum3A_439 = arith.constant dense<0.000000e+00> : vector<256xf32>
      %reduce_sum3A_440 = vector.multi_reduction <add>, %select_n3A_438, %reduce_sum3A_439 [1] : vector<256x19xf32> to vector<256xf32>
      %broadcast_in_dim3A_441 = vector.shape_cast %reduce_sum3A_440 : vector<256xf32> to vector<256x1xf32>
      %mul3A_442 = vector.broadcast %broadcast_in_dim3A_441 : vector<256x1xf32> to vector<256x19xf32>
      %mul3A_443 = arith.mulf %mul3A_442, %select_n3A_272 : vector<256x19xf32>
      %reduce_sum3A_444 = arith.constant dense<0.000000e+00> : vector<19xf32>
      %reduce_sum3A_445 = vector.multi_reduction <add>, %mul3A_443, %reduce_sum3A_444 [0] : vector<256x19xf32> to vector<19xf32>
      %broadcast_in_dim3A_446 = vector.shape_cast %reduce_sum3A_445 : vector<19xf32> to vector<1x19xf32>
      %eq3A_447 = arith.constant 3 : i32
      %eq3A_448 = vector.broadcast %eq3A_447 : i32 to vector<1x19xi32>
      %eq3A_449 = arith.cmpi eq, %iota3A_277, %eq3A_448 : vector<1x19xi32>
      %jit3A_450 = arith.constant 0.000000e+00 : f32
      %broadcast_in_dim3A_451 = vector.broadcast %jit3A_450 : f32 to vector<1x19xf32>
      %select_n3A_452 = arith.select %eq3A_449, %broadcast_in_dim3A_276, %broadcast_in_dim3A_451 : vector<1x19xi1>, vector<1x19xf32>
      %reduce_sum3A_453 = vector.shape_cast %select_n3A_452 : vector<1x19xf32> to vector<1x1x19xf32>
      %reduce_sum3A_454 = arith.constant dense<0.000000e+00> : vector<1xf32>
      %reduce_sum3A_455 = vector.multi_reduction <add>, %reduce_sum3A_453, %reduce_sum3A_454 [1, 2] : vector<1x1x19xf32> to vector<1xf32>
      %reduce_sum3A_456 = vector.shape_cast %reduce_sum3A_455 : vector<1xf32> to vector<1x1x1xf32>
      %reduce_sum3A_457 = vector.extract %reduce_sum3A_456[0, 0, 0] : f32 from vector<1x1x1xf32>
      %add3A_458 = vector.broadcast %reduce_sum3A_457 : f32 to vector<1x19xf32>
      %add3A_459 = arith.addf %broadcast_in_dim3A_276, %add3A_458 : vector<1x19xf32>
      %mul3A_460 = arith.constant 2.000000e+00 : f32
      %mul3A_461 = vector.broadcast %mul3A_460 : f32 to vector<1x19xf32>
      %mul3A_462 = arith.mulf %mul3A_461, %broadcast_in_dim3A_446 : vector<1x19xf32>
      %sub3A_463 = arith.subf %add3A_459, %mul3A_462 : vector<1x19xf32>
      %ne3A_464 = arith.constant 3 : i32
      %ne3A_465 = vector.broadcast %ne3A_464 : i32 to vector<1x19xi32>
      %ne3A_466 = arith.cmpi ne, %iota3A_277, %ne3A_465 : vector<1x19xi32>
      %and3A_467 = arith.andi %ne3A_466, %gt3A_165 : vector<1x19xi1>
      %jit3A_468 = arith.constant 0.000000e+00 : f32
      %broadcast_in_dim3A_469 = vector.broadcast %jit3A_468 : f32 to vector<1x19xf32>
      %select_n3A_470 = arith.select %and3A_467, %sub3A_463, %broadcast_in_dim3A_469 : vector<1x19xi1>, vector<1x19xf32>
      %reduce_sum3A_471 = vector.shape_cast %select_n3A_470 : vector<1x19xf32> to vector<1x1x19xf32>
      %reduce_sum3A_472 = arith.constant dense<0.000000e+00> : vector<1xf32>
      %reduce_sum3A_473 = vector.multi_reduction <add>, %reduce_sum3A_471, %reduce_sum3A_472 [1, 2] : vector<1x1x19xf32> to vector<1xf32>
      %reduce_sum3A_474 = vector.shape_cast %reduce_sum3A_473 : vector<1xf32> to vector<1x1x1xf32>
      %reduce_sum3A_475 = vector.extract %reduce_sum3A_474[0, 0, 0] : f32 from vector<1x1x1xf32>
      %eq3A_476 = arith.constant 3 : i32
      %eq3A_477 = vector.broadcast %eq3A_476 : i32 to vector<1x19xi32>
      %eq3A_478 = arith.cmpi eq, %iota3A_277, %eq3A_477 : vector<1x19xi32>
      %jit3A_479 = arith.constant 0.000000e+00 : f32
      %broadcast_in_dim3A_480 = vector.broadcast %reduce_sum3A_475 : f32 to vector<1x19xf32>
      %broadcast_in_dim3A_481 = vector.broadcast %jit3A_479 : f32 to vector<1x19xf32>
      %select_n3A_482 = arith.select %eq3A_478, %broadcast_in_dim3A_480, %broadcast_in_dim3A_481 : vector<1x19xi1>, vector<1x19xf32>
      %add3A_483 = arith.addf %add3A_432, %select_n3A_482 : vector<1x19xf32>
      %eq3A_484 = arith.constant 4 : i32
      %eq3A_485 = vector.broadcast %eq3A_484 : i32 to vector<256x19xi32>
      %eq3A_486 = arith.cmpi eq, %iota3A_278, %eq3A_485 : vector<256x19xi32>
      %jit3A_487 = arith.constant 0.000000e+00 : f32
      %broadcast_in_dim3A_488 = vector.broadcast %jit3A_487 : f32 to vector<256x19xf32>
      %select_n3A_489 = arith.select %eq3A_486, %select_n3A_272, %broadcast_in_dim3A_488 : vector<256x19xi1>, vector<256x19xf32>
      %reduce_sum3A_490 = arith.constant dense<0.000000e+00> : vector<256xf32>
      %reduce_sum3A_491 = vector.multi_reduction <add>, %select_n3A_489, %reduce_sum3A_490 [1] : vector<256x19xf32> to vector<256xf32>
      %broadcast_in_dim3A_492 = vector.shape_cast %reduce_sum3A_491 : vector<256xf32> to vector<256x1xf32>
      %mul3A_493 = vector.broadcast %broadcast_in_dim3A_492 : vector<256x1xf32> to vector<256x19xf32>
      %mul3A_494 = arith.mulf %mul3A_493, %select_n3A_272 : vector<256x19xf32>
      %reduce_sum3A_495 = arith.constant dense<0.000000e+00> : vector<19xf32>
      %reduce_sum3A_496 = vector.multi_reduction <add>, %mul3A_494, %reduce_sum3A_495 [0] : vector<256x19xf32> to vector<19xf32>
      %broadcast_in_dim3A_497 = vector.shape_cast %reduce_sum3A_496 : vector<19xf32> to vector<1x19xf32>
      %eq3A_498 = arith.constant 4 : i32
      %eq3A_499 = vector.broadcast %eq3A_498 : i32 to vector<1x19xi32>
      %eq3A_500 = arith.cmpi eq, %iota3A_277, %eq3A_499 : vector<1x19xi32>
      %jit3A_501 = arith.constant 0.000000e+00 : f32
      %broadcast_in_dim3A_502 = vector.broadcast %jit3A_501 : f32 to vector<1x19xf32>
      %select_n3A_503 = arith.select %eq3A_500, %broadcast_in_dim3A_276, %broadcast_in_dim3A_502 : vector<1x19xi1>, vector<1x19xf32>
      %reduce_sum3A_504 = vector.shape_cast %select_n3A_503 : vector<1x19xf32> to vector<1x1x19xf32>
      %reduce_sum3A_505 = arith.constant dense<0.000000e+00> : vector<1xf32>
      %reduce_sum3A_506 = vector.multi_reduction <add>, %reduce_sum3A_504, %reduce_sum3A_505 [1, 2] : vector<1x1x19xf32> to vector<1xf32>
      %reduce_sum3A_507 = vector.shape_cast %reduce_sum3A_506 : vector<1xf32> to vector<1x1x1xf32>
      %reduce_sum3A_508 = vector.extract %reduce_sum3A_507[0, 0, 0] : f32 from vector<1x1x1xf32>
      %add3A_509 = vector.broadcast %reduce_sum3A_508 : f32 to vector<1x19xf32>
      %add3A_510 = arith.addf %broadcast_in_dim3A_276, %add3A_509 : vector<1x19xf32>
      %mul3A_511 = arith.constant 2.000000e+00 : f32
      %mul3A_512 = vector.broadcast %mul3A_511 : f32 to vector<1x19xf32>
      %mul3A_513 = arith.mulf %mul3A_512, %broadcast_in_dim3A_497 : vector<1x19xf32>
      %sub3A_514 = arith.subf %add3A_510, %mul3A_513 : vector<1x19xf32>
      %ne3A_515 = arith.constant 4 : i32
      %ne3A_516 = vector.broadcast %ne3A_515 : i32 to vector<1x19xi32>
      %ne3A_517 = arith.cmpi ne, %iota3A_277, %ne3A_516 : vector<1x19xi32>
      %and3A_518 = arith.andi %ne3A_517, %gt3A_165 : vector<1x19xi1>
      %jit3A_519 = arith.constant 0.000000e+00 : f32
      %broadcast_in_dim3A_520 = vector.broadcast %jit3A_519 : f32 to vector<1x19xf32>
      %select_n3A_521 = arith.select %and3A_518, %sub3A_514, %broadcast_in_dim3A_520 : vector<1x19xi1>, vector<1x19xf32>
      %reduce_sum3A_522 = vector.shape_cast %select_n3A_521 : vector<1x19xf32> to vector<1x1x19xf32>
      %reduce_sum3A_523 = arith.constant dense<0.000000e+00> : vector<1xf32>
      %reduce_sum3A_524 = vector.multi_reduction <add>, %reduce_sum3A_522, %reduce_sum3A_523 [1, 2] : vector<1x1x19xf32> to vector<1xf32>
      %reduce_sum3A_525 = vector.shape_cast %reduce_sum3A_524 : vector<1xf32> to vector<1x1x1xf32>
      %reduce_sum3A_526 = vector.extract %reduce_sum3A_525[0, 0, 0] : f32 from vector<1x1x1xf32>
      %eq3A_527 = arith.constant 4 : i32
      %eq3A_528 = vector.broadcast %eq3A_527 : i32 to vector<1x19xi32>
      %eq3A_529 = arith.cmpi eq, %iota3A_277, %eq3A_528 : vector<1x19xi32>
      %jit3A_530 = arith.constant 0.000000e+00 : f32
      %broadcast_in_dim3A_531 = vector.broadcast %reduce_sum3A_526 : f32 to vector<1x19xf32>
      %broadcast_in_dim3A_532 = vector.broadcast %jit3A_530 : f32 to vector<1x19xf32>
      %select_n3A_533 = arith.select %eq3A_529, %broadcast_in_dim3A_531, %broadcast_in_dim3A_532 : vector<1x19xi1>, vector<1x19xf32>
      %add3A_534 = arith.addf %add3A_483, %select_n3A_533 : vector<1x19xf32>
      %eq3A_535 = arith.constant 5 : i32
      %eq3A_536 = vector.broadcast %eq3A_535 : i32 to vector<256x19xi32>
      %eq3A_537 = arith.cmpi eq, %iota3A_278, %eq3A_536 : vector<256x19xi32>
      %jit3A_538 = arith.constant 0.000000e+00 : f32
      %broadcast_in_dim3A_539 = vector.broadcast %jit3A_538 : f32 to vector<256x19xf32>
      %select_n3A_540 = arith.select %eq3A_537, %select_n3A_272, %broadcast_in_dim3A_539 : vector<256x19xi1>, vector<256x19xf32>
      %reduce_sum3A_541 = arith.constant dense<0.000000e+00> : vector<256xf32>
      %reduce_sum3A_542 = vector.multi_reduction <add>, %select_n3A_540, %reduce_sum3A_541 [1] : vector<256x19xf32> to vector<256xf32>
      %broadcast_in_dim3A_543 = vector.shape_cast %reduce_sum3A_542 : vector<256xf32> to vector<256x1xf32>
      %mul3A_544 = vector.broadcast %broadcast_in_dim3A_543 : vector<256x1xf32> to vector<256x19xf32>
      %mul3A_545 = arith.mulf %mul3A_544, %select_n3A_272 : vector<256x19xf32>
      %reduce_sum3A_546 = arith.constant dense<0.000000e+00> : vector<19xf32>
      %reduce_sum3A_547 = vector.multi_reduction <add>, %mul3A_545, %reduce_sum3A_546 [0] : vector<256x19xf32> to vector<19xf32>
      %broadcast_in_dim3A_548 = vector.shape_cast %reduce_sum3A_547 : vector<19xf32> to vector<1x19xf32>
      %eq3A_549 = arith.constant 5 : i32
      %eq3A_550 = vector.broadcast %eq3A_549 : i32 to vector<1x19xi32>
      %eq3A_551 = arith.cmpi eq, %iota3A_277, %eq3A_550 : vector<1x19xi32>
      %jit3A_552 = arith.constant 0.000000e+00 : f32
      %broadcast_in_dim3A_553 = vector.broadcast %jit3A_552 : f32 to vector<1x19xf32>
      %select_n3A_554 = arith.select %eq3A_551, %broadcast_in_dim3A_276, %broadcast_in_dim3A_553 : vector<1x19xi1>, vector<1x19xf32>
      %reduce_sum3A_555 = vector.shape_cast %select_n3A_554 : vector<1x19xf32> to vector<1x1x19xf32>
      %reduce_sum3A_556 = arith.constant dense<0.000000e+00> : vector<1xf32>
      %reduce_sum3A_557 = vector.multi_reduction <add>, %reduce_sum3A_555, %reduce_sum3A_556 [1, 2] : vector<1x1x19xf32> to vector<1xf32>
      %reduce_sum3A_558 = vector.shape_cast %reduce_sum3A_557 : vector<1xf32> to vector<1x1x1xf32>
      %reduce_sum3A_559 = vector.extract %reduce_sum3A_558[0, 0, 0] : f32 from vector<1x1x1xf32>
      %add3A_560 = vector.broadcast %reduce_sum3A_559 : f32 to vector<1x19xf32>
      %add3A_561 = arith.addf %broadcast_in_dim3A_276, %add3A_560 : vector<1x19xf32>
      %mul3A_562 = arith.constant 2.000000e+00 : f32
      %mul3A_563 = vector.broadcast %mul3A_562 : f32 to vector<1x19xf32>
      %mul3A_564 = arith.mulf %mul3A_563, %broadcast_in_dim3A_548 : vector<1x19xf32>
      %sub3A_565 = arith.subf %add3A_561, %mul3A_564 : vector<1x19xf32>
      %ne3A_566 = arith.constant 5 : i32
      %ne3A_567 = vector.broadcast %ne3A_566 : i32 to vector<1x19xi32>
      %ne3A_568 = arith.cmpi ne, %iota3A_277, %ne3A_567 : vector<1x19xi32>
      %and3A_569 = arith.andi %ne3A_568, %gt3A_165 : vector<1x19xi1>
      %jit3A_570 = arith.constant 0.000000e+00 : f32
      %broadcast_in_dim3A_571 = vector.broadcast %jit3A_570 : f32 to vector<1x19xf32>
      %select_n3A_572 = arith.select %and3A_569, %sub3A_565, %broadcast_in_dim3A_571 : vector<1x19xi1>, vector<1x19xf32>
      %reduce_sum3A_573 = vector.shape_cast %select_n3A_572 : vector<1x19xf32> to vector<1x1x19xf32>
      %reduce_sum3A_574 = arith.constant dense<0.000000e+00> : vector<1xf32>
      %reduce_sum3A_575 = vector.multi_reduction <add>, %reduce_sum3A_573, %reduce_sum3A_574 [1, 2] : vector<1x1x19xf32> to vector<1xf32>
      %reduce_sum3A_576 = vector.shape_cast %reduce_sum3A_575 : vector<1xf32> to vector<1x1x1xf32>
      %reduce_sum3A_577 = vector.extract %reduce_sum3A_576[0, 0, 0] : f32 from vector<1x1x1xf32>
      %eq3A_578 = arith.constant 5 : i32
      %eq3A_579 = vector.broadcast %eq3A_578 : i32 to vector<1x19xi32>
      %eq3A_580 = arith.cmpi eq, %iota3A_277, %eq3A_579 : vector<1x19xi32>
      %jit3A_581 = arith.constant 0.000000e+00 : f32
      %broadcast_in_dim3A_582 = vector.broadcast %reduce_sum3A_577 : f32 to vector<1x19xf32>
      %broadcast_in_dim3A_583 = vector.broadcast %jit3A_581 : f32 to vector<1x19xf32>
      %select_n3A_584 = arith.select %eq3A_580, %broadcast_in_dim3A_582, %broadcast_in_dim3A_583 : vector<1x19xi1>, vector<1x19xf32>
      %add3A_585 = arith.addf %add3A_534, %select_n3A_584 : vector<1x19xf32>
      %eq3A_586 = arith.constant 6 : i32
      %eq3A_587 = vector.broadcast %eq3A_586 : i32 to vector<256x19xi32>
      %eq3A_588 = arith.cmpi eq, %iota3A_278, %eq3A_587 : vector<256x19xi32>
      %jit3A_589 = arith.constant 0.000000e+00 : f32
      %broadcast_in_dim3A_590 = vector.broadcast %jit3A_589 : f32 to vector<256x19xf32>
      %select_n3A_591 = arith.select %eq3A_588, %select_n3A_272, %broadcast_in_dim3A_590 : vector<256x19xi1>, vector<256x19xf32>
      %reduce_sum3A_592 = arith.constant dense<0.000000e+00> : vector<256xf32>
      %reduce_sum3A_593 = vector.multi_reduction <add>, %select_n3A_591, %reduce_sum3A_592 [1] : vector<256x19xf32> to vector<256xf32>
      %broadcast_in_dim3A_594 = vector.shape_cast %reduce_sum3A_593 : vector<256xf32> to vector<256x1xf32>
      %mul3A_595 = vector.broadcast %broadcast_in_dim3A_594 : vector<256x1xf32> to vector<256x19xf32>
      %mul3A_596 = arith.mulf %mul3A_595, %select_n3A_272 : vector<256x19xf32>
      %reduce_sum3A_597 = arith.constant dense<0.000000e+00> : vector<19xf32>
      %reduce_sum3A_598 = vector.multi_reduction <add>, %mul3A_596, %reduce_sum3A_597 [0] : vector<256x19xf32> to vector<19xf32>
      %broadcast_in_dim3A_599 = vector.shape_cast %reduce_sum3A_598 : vector<19xf32> to vector<1x19xf32>
      %eq3A_600 = arith.constant 6 : i32
      %eq3A_601 = vector.broadcast %eq3A_600 : i32 to vector<1x19xi32>
      %eq3A_602 = arith.cmpi eq, %iota3A_277, %eq3A_601 : vector<1x19xi32>
      %jit3A_603 = arith.constant 0.000000e+00 : f32
      %broadcast_in_dim3A_604 = vector.broadcast %jit3A_603 : f32 to vector<1x19xf32>
      %select_n3A_605 = arith.select %eq3A_602, %broadcast_in_dim3A_276, %broadcast_in_dim3A_604 : vector<1x19xi1>, vector<1x19xf32>
      %reduce_sum3A_606 = vector.shape_cast %select_n3A_605 : vector<1x19xf32> to vector<1x1x19xf32>
      %reduce_sum3A_607 = arith.constant dense<0.000000e+00> : vector<1xf32>
      %reduce_sum3A_608 = vector.multi_reduction <add>, %reduce_sum3A_606, %reduce_sum3A_607 [1, 2] : vector<1x1x19xf32> to vector<1xf32>
      %reduce_sum3A_609 = vector.shape_cast %reduce_sum3A_608 : vector<1xf32> to vector<1x1x1xf32>
      %reduce_sum3A_610 = vector.extract %reduce_sum3A_609[0, 0, 0] : f32 from vector<1x1x1xf32>
      %add3A_611 = vector.broadcast %reduce_sum3A_610 : f32 to vector<1x19xf32>
      %add3A_612 = arith.addf %broadcast_in_dim3A_276, %add3A_611 : vector<1x19xf32>
      %mul3A_613 = arith.constant 2.000000e+00 : f32
      %mul3A_614 = vector.broadcast %mul3A_613 : f32 to vector<1x19xf32>
      %mul3A_615 = arith.mulf %mul3A_614, %broadcast_in_dim3A_599 : vector<1x19xf32>
      %sub3A_616 = arith.subf %add3A_612, %mul3A_615 : vector<1x19xf32>
      %ne3A_617 = arith.constant 6 : i32
      %ne3A_618 = vector.broadcast %ne3A_617 : i32 to vector<1x19xi32>
      %ne3A_619 = arith.cmpi ne, %iota3A_277, %ne3A_618 : vector<1x19xi32>
      %and3A_620 = arith.andi %ne3A_619, %gt3A_165 : vector<1x19xi1>
      %jit3A_621 = arith.constant 0.000000e+00 : f32
      %broadcast_in_dim3A_622 = vector.broadcast %jit3A_621 : f32 to vector<1x19xf32>
      %select_n3A_623 = arith.select %and3A_620, %sub3A_616, %broadcast_in_dim3A_622 : vector<1x19xi1>, vector<1x19xf32>
      %reduce_sum3A_624 = vector.shape_cast %select_n3A_623 : vector<1x19xf32> to vector<1x1x19xf32>
      %reduce_sum3A_625 = arith.constant dense<0.000000e+00> : vector<1xf32>
      %reduce_sum3A_626 = vector.multi_reduction <add>, %reduce_sum3A_624, %reduce_sum3A_625 [1, 2] : vector<1x1x19xf32> to vector<1xf32>
      %reduce_sum3A_627 = vector.shape_cast %reduce_sum3A_626 : vector<1xf32> to vector<1x1x1xf32>
      %reduce_sum3A_628 = vector.extract %reduce_sum3A_627[0, 0, 0] : f32 from vector<1x1x1xf32>
      %eq3A_629 = arith.constant 6 : i32
      %eq3A_630 = vector.broadcast %eq3A_629 : i32 to vector<1x19xi32>
      %eq3A_631 = arith.cmpi eq, %iota3A_277, %eq3A_630 : vector<1x19xi32>
      %jit3A_632 = arith.constant 0.000000e+00 : f32
      %broadcast_in_dim3A_633 = vector.broadcast %reduce_sum3A_628 : f32 to vector<1x19xf32>
      %broadcast_in_dim3A_634 = vector.broadcast %jit3A_632 : f32 to vector<1x19xf32>
      %select_n3A_635 = arith.select %eq3A_631, %broadcast_in_dim3A_633, %broadcast_in_dim3A_634 : vector<1x19xi1>, vector<1x19xf32>
      %add3A_636 = arith.addf %add3A_585, %select_n3A_635 : vector<1x19xf32>
      %eq3A_637 = arith.constant 7 : i32
      %eq3A_638 = vector.broadcast %eq3A_637 : i32 to vector<256x19xi32>
      %eq3A_639 = arith.cmpi eq, %iota3A_278, %eq3A_638 : vector<256x19xi32>
      %jit3A_640 = arith.constant 0.000000e+00 : f32
      %broadcast_in_dim3A_641 = vector.broadcast %jit3A_640 : f32 to vector<256x19xf32>
      %select_n3A_642 = arith.select %eq3A_639, %select_n3A_272, %broadcast_in_dim3A_641 : vector<256x19xi1>, vector<256x19xf32>
      %reduce_sum3A_643 = arith.constant dense<0.000000e+00> : vector<256xf32>
      %reduce_sum3A_644 = vector.multi_reduction <add>, %select_n3A_642, %reduce_sum3A_643 [1] : vector<256x19xf32> to vector<256xf32>
      %broadcast_in_dim3A_645 = vector.shape_cast %reduce_sum3A_644 : vector<256xf32> to vector<256x1xf32>
      %mul3A_646 = vector.broadcast %broadcast_in_dim3A_645 : vector<256x1xf32> to vector<256x19xf32>
      %mul3A_647 = arith.mulf %mul3A_646, %select_n3A_272 : vector<256x19xf32>
      %reduce_sum3A_648 = arith.constant dense<0.000000e+00> : vector<19xf32>
      %reduce_sum3A_649 = vector.multi_reduction <add>, %mul3A_647, %reduce_sum3A_648 [0] : vector<256x19xf32> to vector<19xf32>
      %broadcast_in_dim3A_650 = vector.shape_cast %reduce_sum3A_649 : vector<19xf32> to vector<1x19xf32>
      %eq3A_651 = arith.constant 7 : i32
      %eq3A_652 = vector.broadcast %eq3A_651 : i32 to vector<1x19xi32>
      %eq3A_653 = arith.cmpi eq, %iota3A_277, %eq3A_652 : vector<1x19xi32>
      %jit3A_654 = arith.constant 0.000000e+00 : f32
      %broadcast_in_dim3A_655 = vector.broadcast %jit3A_654 : f32 to vector<1x19xf32>
      %select_n3A_656 = arith.select %eq3A_653, %broadcast_in_dim3A_276, %broadcast_in_dim3A_655 : vector<1x19xi1>, vector<1x19xf32>
      %reduce_sum3A_657 = vector.shape_cast %select_n3A_656 : vector<1x19xf32> to vector<1x1x19xf32>
      %reduce_sum3A_658 = arith.constant dense<0.000000e+00> : vector<1xf32>
      %reduce_sum3A_659 = vector.multi_reduction <add>, %reduce_sum3A_657, %reduce_sum3A_658 [1, 2] : vector<1x1x19xf32> to vector<1xf32>
      %reduce_sum3A_660 = vector.shape_cast %reduce_sum3A_659 : vector<1xf32> to vector<1x1x1xf32>
      %reduce_sum3A_661 = vector.extract %reduce_sum3A_660[0, 0, 0] : f32 from vector<1x1x1xf32>
      %add3A_662 = vector.broadcast %reduce_sum3A_661 : f32 to vector<1x19xf32>
      %add3A_663 = arith.addf %broadcast_in_dim3A_276, %add3A_662 : vector<1x19xf32>
      %mul3A_664 = arith.constant 2.000000e+00 : f32
      %mul3A_665 = vector.broadcast %mul3A_664 : f32 to vector<1x19xf32>
      %mul3A_666 = arith.mulf %mul3A_665, %broadcast_in_dim3A_650 : vector<1x19xf32>
      %sub3A_667 = arith.subf %add3A_663, %mul3A_666 : vector<1x19xf32>
      %ne3A_668 = arith.constant 7 : i32
      %ne3A_669 = vector.broadcast %ne3A_668 : i32 to vector<1x19xi32>
      %ne3A_670 = arith.cmpi ne, %iota3A_277, %ne3A_669 : vector<1x19xi32>
      %and3A_671 = arith.andi %ne3A_670, %gt3A_165 : vector<1x19xi1>
      %jit3A_672 = arith.constant 0.000000e+00 : f32
      %broadcast_in_dim3A_673 = vector.broadcast %jit3A_672 : f32 to vector<1x19xf32>
      %select_n3A_674 = arith.select %and3A_671, %sub3A_667, %broadcast_in_dim3A_673 : vector<1x19xi1>, vector<1x19xf32>
      %reduce_sum3A_675 = vector.shape_cast %select_n3A_674 : vector<1x19xf32> to vector<1x1x19xf32>
      %reduce_sum3A_676 = arith.constant dense<0.000000e+00> : vector<1xf32>
      %reduce_sum3A_677 = vector.multi_reduction <add>, %reduce_sum3A_675, %reduce_sum3A_676 [1, 2] : vector<1x1x19xf32> to vector<1xf32>
      %reduce_sum3A_678 = vector.shape_cast %reduce_sum3A_677 : vector<1xf32> to vector<1x1x1xf32>
      %reduce_sum3A_679 = vector.extract %reduce_sum3A_678[0, 0, 0] : f32 from vector<1x1x1xf32>
      %eq3A_680 = arith.constant 7 : i32
      %eq3A_681 = vector.broadcast %eq3A_680 : i32 to vector<1x19xi32>
      %eq3A_682 = arith.cmpi eq, %iota3A_277, %eq3A_681 : vector<1x19xi32>
      %jit3A_683 = arith.constant 0.000000e+00 : f32
      %broadcast_in_dim3A_684 = vector.broadcast %reduce_sum3A_679 : f32 to vector<1x19xf32>
      %broadcast_in_dim3A_685 = vector.broadcast %jit3A_683 : f32 to vector<1x19xf32>
      %select_n3A_686 = arith.select %eq3A_682, %broadcast_in_dim3A_684, %broadcast_in_dim3A_685 : vector<1x19xi1>, vector<1x19xf32>
      %add3A_687 = arith.addf %add3A_636, %select_n3A_686 : vector<1x19xf32>
      %eq3A_688 = arith.constant 8 : i32
      %eq3A_689 = vector.broadcast %eq3A_688 : i32 to vector<256x19xi32>
      %eq3A_690 = arith.cmpi eq, %iota3A_278, %eq3A_689 : vector<256x19xi32>
      %jit3A_691 = arith.constant 0.000000e+00 : f32
      %broadcast_in_dim3A_692 = vector.broadcast %jit3A_691 : f32 to vector<256x19xf32>
      %select_n3A_693 = arith.select %eq3A_690, %select_n3A_272, %broadcast_in_dim3A_692 : vector<256x19xi1>, vector<256x19xf32>
      %reduce_sum3A_694 = arith.constant dense<0.000000e+00> : vector<256xf32>
      %reduce_sum3A_695 = vector.multi_reduction <add>, %select_n3A_693, %reduce_sum3A_694 [1] : vector<256x19xf32> to vector<256xf32>
      %broadcast_in_dim3A_696 = vector.shape_cast %reduce_sum3A_695 : vector<256xf32> to vector<256x1xf32>
      %mul3A_697 = vector.broadcast %broadcast_in_dim3A_696 : vector<256x1xf32> to vector<256x19xf32>
      %mul3A_698 = arith.mulf %mul3A_697, %select_n3A_272 : vector<256x19xf32>
      %reduce_sum3A_699 = arith.constant dense<0.000000e+00> : vector<19xf32>
      %reduce_sum3A_700 = vector.multi_reduction <add>, %mul3A_698, %reduce_sum3A_699 [0] : vector<256x19xf32> to vector<19xf32>
      %broadcast_in_dim3A_701 = vector.shape_cast %reduce_sum3A_700 : vector<19xf32> to vector<1x19xf32>
      %eq3A_702 = arith.constant 8 : i32
      %eq3A_703 = vector.broadcast %eq3A_702 : i32 to vector<1x19xi32>
      %eq3A_704 = arith.cmpi eq, %iota3A_277, %eq3A_703 : vector<1x19xi32>
      %jit3A_705 = arith.constant 0.000000e+00 : f32
      %broadcast_in_dim3A_706 = vector.broadcast %jit3A_705 : f32 to vector<1x19xf32>
      %select_n3A_707 = arith.select %eq3A_704, %broadcast_in_dim3A_276, %broadcast_in_dim3A_706 : vector<1x19xi1>, vector<1x19xf32>
      %reduce_sum3A_708 = vector.shape_cast %select_n3A_707 : vector<1x19xf32> to vector<1x1x19xf32>
      %reduce_sum3A_709 = arith.constant dense<0.000000e+00> : vector<1xf32>
      %reduce_sum3A_710 = vector.multi_reduction <add>, %reduce_sum3A_708, %reduce_sum3A_709 [1, 2] : vector<1x1x19xf32> to vector<1xf32>
      %reduce_sum3A_711 = vector.shape_cast %reduce_sum3A_710 : vector<1xf32> to vector<1x1x1xf32>
      %reduce_sum3A_712 = vector.extract %reduce_sum3A_711[0, 0, 0] : f32 from vector<1x1x1xf32>
      %add3A_713 = vector.broadcast %reduce_sum3A_712 : f32 to vector<1x19xf32>
      %add3A_714 = arith.addf %broadcast_in_dim3A_276, %add3A_713 : vector<1x19xf32>
      %mul3A_715 = arith.constant 2.000000e+00 : f32
      %mul3A_716 = vector.broadcast %mul3A_715 : f32 to vector<1x19xf32>
      %mul3A_717 = arith.mulf %mul3A_716, %broadcast_in_dim3A_701 : vector<1x19xf32>
      %sub3A_718 = arith.subf %add3A_714, %mul3A_717 : vector<1x19xf32>
      %ne3A_719 = arith.constant 8 : i32
      %ne3A_720 = vector.broadcast %ne3A_719 : i32 to vector<1x19xi32>
      %ne3A_721 = arith.cmpi ne, %iota3A_277, %ne3A_720 : vector<1x19xi32>
      %and3A_722 = arith.andi %ne3A_721, %gt3A_165 : vector<1x19xi1>
      %jit3A_723 = arith.constant 0.000000e+00 : f32
      %broadcast_in_dim3A_724 = vector.broadcast %jit3A_723 : f32 to vector<1x19xf32>
      %select_n3A_725 = arith.select %and3A_722, %sub3A_718, %broadcast_in_dim3A_724 : vector<1x19xi1>, vector<1x19xf32>
      %reduce_sum3A_726 = vector.shape_cast %select_n3A_725 : vector<1x19xf32> to vector<1x1x19xf32>
      %reduce_sum3A_727 = arith.constant dense<0.000000e+00> : vector<1xf32>
      %reduce_sum3A_728 = vector.multi_reduction <add>, %reduce_sum3A_726, %reduce_sum3A_727 [1, 2] : vector<1x1x19xf32> to vector<1xf32>
      %reduce_sum3A_729 = vector.shape_cast %reduce_sum3A_728 : vector<1xf32> to vector<1x1x1xf32>
      %reduce_sum3A_730 = vector.extract %reduce_sum3A_729[0, 0, 0] : f32 from vector<1x1x1xf32>
      %eq3A_731 = arith.constant 8 : i32
      %eq3A_732 = vector.broadcast %eq3A_731 : i32 to vector<1x19xi32>
      %eq3A_733 = arith.cmpi eq, %iota3A_277, %eq3A_732 : vector<1x19xi32>
      %jit3A_734 = arith.constant 0.000000e+00 : f32
      %broadcast_in_dim3A_735 = vector.broadcast %reduce_sum3A_730 : f32 to vector<1x19xf32>
      %broadcast_in_dim3A_736 = vector.broadcast %jit3A_734 : f32 to vector<1x19xf32>
      %select_n3A_737 = arith.select %eq3A_733, %broadcast_in_dim3A_735, %broadcast_in_dim3A_736 : vector<1x19xi1>, vector<1x19xf32>
      %add3A_738 = arith.addf %add3A_687, %select_n3A_737 : vector<1x19xf32>
      %eq3A_739 = arith.constant 9 : i32
      %eq3A_740 = vector.broadcast %eq3A_739 : i32 to vector<256x19xi32>
      %eq3A_741 = arith.cmpi eq, %iota3A_278, %eq3A_740 : vector<256x19xi32>
      %jit3A_742 = arith.constant 0.000000e+00 : f32
      %broadcast_in_dim3A_743 = vector.broadcast %jit3A_742 : f32 to vector<256x19xf32>
      %select_n3A_744 = arith.select %eq3A_741, %select_n3A_272, %broadcast_in_dim3A_743 : vector<256x19xi1>, vector<256x19xf32>
      %reduce_sum3A_745 = arith.constant dense<0.000000e+00> : vector<256xf32>
      %reduce_sum3A_746 = vector.multi_reduction <add>, %select_n3A_744, %reduce_sum3A_745 [1] : vector<256x19xf32> to vector<256xf32>
      %broadcast_in_dim3A_747 = vector.shape_cast %reduce_sum3A_746 : vector<256xf32> to vector<256x1xf32>
      %mul3A_748 = vector.broadcast %broadcast_in_dim3A_747 : vector<256x1xf32> to vector<256x19xf32>
      %mul3A_749 = arith.mulf %mul3A_748, %select_n3A_272 : vector<256x19xf32>
      %reduce_sum3A_750 = arith.constant dense<0.000000e+00> : vector<19xf32>
      %reduce_sum3A_751 = vector.multi_reduction <add>, %mul3A_749, %reduce_sum3A_750 [0] : vector<256x19xf32> to vector<19xf32>
      %broadcast_in_dim3A_752 = vector.shape_cast %reduce_sum3A_751 : vector<19xf32> to vector<1x19xf32>
      %eq3A_753 = arith.constant 9 : i32
      %eq3A_754 = vector.broadcast %eq3A_753 : i32 to vector<1x19xi32>
      %eq3A_755 = arith.cmpi eq, %iota3A_277, %eq3A_754 : vector<1x19xi32>
      %jit3A_756 = arith.constant 0.000000e+00 : f32
      %broadcast_in_dim3A_757 = vector.broadcast %jit3A_756 : f32 to vector<1x19xf32>
      %select_n3A_758 = arith.select %eq3A_755, %broadcast_in_dim3A_276, %broadcast_in_dim3A_757 : vector<1x19xi1>, vector<1x19xf32>
      %reduce_sum3A_759 = vector.shape_cast %select_n3A_758 : vector<1x19xf32> to vector<1x1x19xf32>
      %reduce_sum3A_760 = arith.constant dense<0.000000e+00> : vector<1xf32>
      %reduce_sum3A_761 = vector.multi_reduction <add>, %reduce_sum3A_759, %reduce_sum3A_760 [1, 2] : vector<1x1x19xf32> to vector<1xf32>
      %reduce_sum3A_762 = vector.shape_cast %reduce_sum3A_761 : vector<1xf32> to vector<1x1x1xf32>
      %reduce_sum3A_763 = vector.extract %reduce_sum3A_762[0, 0, 0] : f32 from vector<1x1x1xf32>
      %add3A_764 = vector.broadcast %reduce_sum3A_763 : f32 to vector<1x19xf32>
      %add3A_765 = arith.addf %broadcast_in_dim3A_276, %add3A_764 : vector<1x19xf32>
      %mul3A_766 = arith.constant 2.000000e+00 : f32
      %mul3A_767 = vector.broadcast %mul3A_766 : f32 to vector<1x19xf32>
      %mul3A_768 = arith.mulf %mul3A_767, %broadcast_in_dim3A_752 : vector<1x19xf32>
      %sub3A_769 = arith.subf %add3A_765, %mul3A_768 : vector<1x19xf32>
      %ne3A_770 = arith.constant 9 : i32
      %ne3A_771 = vector.broadcast %ne3A_770 : i32 to vector<1x19xi32>
      %ne3A_772 = arith.cmpi ne, %iota3A_277, %ne3A_771 : vector<1x19xi32>
      %and3A_773 = arith.andi %ne3A_772, %gt3A_165 : vector<1x19xi1>
      %jit3A_774 = arith.constant 0.000000e+00 : f32
      %broadcast_in_dim3A_775 = vector.broadcast %jit3A_774 : f32 to vector<1x19xf32>
      %select_n3A_776 = arith.select %and3A_773, %sub3A_769, %broadcast_in_dim3A_775 : vector<1x19xi1>, vector<1x19xf32>
      %reduce_sum3A_777 = vector.shape_cast %select_n3A_776 : vector<1x19xf32> to vector<1x1x19xf32>
      %reduce_sum3A_778 = arith.constant dense<0.000000e+00> : vector<1xf32>
      %reduce_sum3A_779 = vector.multi_reduction <add>, %reduce_sum3A_777, %reduce_sum3A_778 [1, 2] : vector<1x1x19xf32> to vector<1xf32>
      %reduce_sum3A_780 = vector.shape_cast %reduce_sum3A_779 : vector<1xf32> to vector<1x1x1xf32>
      %reduce_sum3A_781 = vector.extract %reduce_sum3A_780[0, 0, 0] : f32 from vector<1x1x1xf32>
      %eq3A_782 = arith.constant 9 : i32
      %eq3A_783 = vector.broadcast %eq3A_782 : i32 to vector<1x19xi32>
      %eq3A_784 = arith.cmpi eq, %iota3A_277, %eq3A_783 : vector<1x19xi32>
      %jit3A_785 = arith.constant 0.000000e+00 : f32
      %broadcast_in_dim3A_786 = vector.broadcast %reduce_sum3A_781 : f32 to vector<1x19xf32>
      %broadcast_in_dim3A_787 = vector.broadcast %jit3A_785 : f32 to vector<1x19xf32>
      %select_n3A_788 = arith.select %eq3A_784, %broadcast_in_dim3A_786, %broadcast_in_dim3A_787 : vector<1x19xi1>, vector<1x19xf32>
      %add3A_789 = arith.addf %add3A_738, %select_n3A_788 : vector<1x19xf32>
      %eq3A_790 = arith.constant 10 : i32
      %eq3A_791 = vector.broadcast %eq3A_790 : i32 to vector<256x19xi32>
      %eq3A_792 = arith.cmpi eq, %iota3A_278, %eq3A_791 : vector<256x19xi32>
      %jit3A_793 = arith.constant 0.000000e+00 : f32
      %broadcast_in_dim3A_794 = vector.broadcast %jit3A_793 : f32 to vector<256x19xf32>
      %select_n3A_795 = arith.select %eq3A_792, %select_n3A_272, %broadcast_in_dim3A_794 : vector<256x19xi1>, vector<256x19xf32>
      %reduce_sum3A_796 = arith.constant dense<0.000000e+00> : vector<256xf32>
      %reduce_sum3A_797 = vector.multi_reduction <add>, %select_n3A_795, %reduce_sum3A_796 [1] : vector<256x19xf32> to vector<256xf32>
      %broadcast_in_dim3A_798 = vector.shape_cast %reduce_sum3A_797 : vector<256xf32> to vector<256x1xf32>
      %mul3A_799 = vector.broadcast %broadcast_in_dim3A_798 : vector<256x1xf32> to vector<256x19xf32>
      %mul3A_800 = arith.mulf %mul3A_799, %select_n3A_272 : vector<256x19xf32>
      %reduce_sum3A_801 = arith.constant dense<0.000000e+00> : vector<19xf32>
      %reduce_sum3A_802 = vector.multi_reduction <add>, %mul3A_800, %reduce_sum3A_801 [0] : vector<256x19xf32> to vector<19xf32>
      %broadcast_in_dim3A_803 = vector.shape_cast %reduce_sum3A_802 : vector<19xf32> to vector<1x19xf32>
      %eq3A_804 = arith.constant 10 : i32
      %eq3A_805 = vector.broadcast %eq3A_804 : i32 to vector<1x19xi32>
      %eq3A_806 = arith.cmpi eq, %iota3A_277, %eq3A_805 : vector<1x19xi32>
      %jit3A_807 = arith.constant 0.000000e+00 : f32
      %broadcast_in_dim3A_808 = vector.broadcast %jit3A_807 : f32 to vector<1x19xf32>
      %select_n3A_809 = arith.select %eq3A_806, %broadcast_in_dim3A_276, %broadcast_in_dim3A_808 : vector<1x19xi1>, vector<1x19xf32>
      %reduce_sum3A_810 = vector.shape_cast %select_n3A_809 : vector<1x19xf32> to vector<1x1x19xf32>
      %reduce_sum3A_811 = arith.constant dense<0.000000e+00> : vector<1xf32>
      %reduce_sum3A_812 = vector.multi_reduction <add>, %reduce_sum3A_810, %reduce_sum3A_811 [1, 2] : vector<1x1x19xf32> to vector<1xf32>
      %reduce_sum3A_813 = vector.shape_cast %reduce_sum3A_812 : vector<1xf32> to vector<1x1x1xf32>
      %reduce_sum3A_814 = vector.extract %reduce_sum3A_813[0, 0, 0] : f32 from vector<1x1x1xf32>
      %add3A_815 = vector.broadcast %reduce_sum3A_814 : f32 to vector<1x19xf32>
      %add3A_816 = arith.addf %broadcast_in_dim3A_276, %add3A_815 : vector<1x19xf32>
      %mul3A_817 = arith.constant 2.000000e+00 : f32
      %mul3A_818 = vector.broadcast %mul3A_817 : f32 to vector<1x19xf32>
      %mul3A_819 = arith.mulf %mul3A_818, %broadcast_in_dim3A_803 : vector<1x19xf32>
      %sub3A_820 = arith.subf %add3A_816, %mul3A_819 : vector<1x19xf32>
      %ne3A_821 = arith.constant 10 : i32
      %ne3A_822 = vector.broadcast %ne3A_821 : i32 to vector<1x19xi32>
      %ne3A_823 = arith.cmpi ne, %iota3A_277, %ne3A_822 : vector<1x19xi32>
      %and3A_824 = arith.andi %ne3A_823, %gt3A_165 : vector<1x19xi1>
      %jit3A_825 = arith.constant 0.000000e+00 : f32
      %broadcast_in_dim3A_826 = vector.broadcast %jit3A_825 : f32 to vector<1x19xf32>
      %select_n3A_827 = arith.select %and3A_824, %sub3A_820, %broadcast_in_dim3A_826 : vector<1x19xi1>, vector<1x19xf32>
      %reduce_sum3A_828 = vector.shape_cast %select_n3A_827 : vector<1x19xf32> to vector<1x1x19xf32>
      %reduce_sum3A_829 = arith.constant dense<0.000000e+00> : vector<1xf32>
      %reduce_sum3A_830 = vector.multi_reduction <add>, %reduce_sum3A_828, %reduce_sum3A_829 [1, 2] : vector<1x1x19xf32> to vector<1xf32>
      %reduce_sum3A_831 = vector.shape_cast %reduce_sum3A_830 : vector<1xf32> to vector<1x1x1xf32>
      %reduce_sum3A_832 = vector.extract %reduce_sum3A_831[0, 0, 0] : f32 from vector<1x1x1xf32>
      %eq3A_833 = arith.constant 10 : i32
      %eq3A_834 = vector.broadcast %eq3A_833 : i32 to vector<1x19xi32>
      %eq3A_835 = arith.cmpi eq, %iota3A_277, %eq3A_834 : vector<1x19xi32>
      %jit3A_836 = arith.constant 0.000000e+00 : f32
      %broadcast_in_dim3A_837 = vector.broadcast %reduce_sum3A_832 : f32 to vector<1x19xf32>
      %broadcast_in_dim3A_838 = vector.broadcast %jit3A_836 : f32 to vector<1x19xf32>
      %select_n3A_839 = arith.select %eq3A_835, %broadcast_in_dim3A_837, %broadcast_in_dim3A_838 : vector<1x19xi1>, vector<1x19xf32>
      %add3A_840 = arith.addf %add3A_789, %select_n3A_839 : vector<1x19xf32>
      %eq3A_841 = arith.constant 11 : i32
      %eq3A_842 = vector.broadcast %eq3A_841 : i32 to vector<256x19xi32>
      %eq3A_843 = arith.cmpi eq, %iota3A_278, %eq3A_842 : vector<256x19xi32>
      %jit3A_844 = arith.constant 0.000000e+00 : f32
      %broadcast_in_dim3A_845 = vector.broadcast %jit3A_844 : f32 to vector<256x19xf32>
      %select_n3A_846 = arith.select %eq3A_843, %select_n3A_272, %broadcast_in_dim3A_845 : vector<256x19xi1>, vector<256x19xf32>
      %reduce_sum3A_847 = arith.constant dense<0.000000e+00> : vector<256xf32>
      %reduce_sum3A_848 = vector.multi_reduction <add>, %select_n3A_846, %reduce_sum3A_847 [1] : vector<256x19xf32> to vector<256xf32>
      %broadcast_in_dim3A_849 = vector.shape_cast %reduce_sum3A_848 : vector<256xf32> to vector<256x1xf32>
      %mul3A_850 = vector.broadcast %broadcast_in_dim3A_849 : vector<256x1xf32> to vector<256x19xf32>
      %mul3A_851 = arith.mulf %mul3A_850, %select_n3A_272 : vector<256x19xf32>
      %reduce_sum3A_852 = arith.constant dense<0.000000e+00> : vector<19xf32>
      %reduce_sum3A_853 = vector.multi_reduction <add>, %mul3A_851, %reduce_sum3A_852 [0] : vector<256x19xf32> to vector<19xf32>
      %broadcast_in_dim3A_854 = vector.shape_cast %reduce_sum3A_853 : vector<19xf32> to vector<1x19xf32>
      %eq3A_855 = arith.constant 11 : i32
      %eq3A_856 = vector.broadcast %eq3A_855 : i32 to vector<1x19xi32>
      %eq3A_857 = arith.cmpi eq, %iota3A_277, %eq3A_856 : vector<1x19xi32>
      %jit3A_858 = arith.constant 0.000000e+00 : f32
      %broadcast_in_dim3A_859 = vector.broadcast %jit3A_858 : f32 to vector<1x19xf32>
      %select_n3A_860 = arith.select %eq3A_857, %broadcast_in_dim3A_276, %broadcast_in_dim3A_859 : vector<1x19xi1>, vector<1x19xf32>
      %reduce_sum3A_861 = vector.shape_cast %select_n3A_860 : vector<1x19xf32> to vector<1x1x19xf32>
      %reduce_sum3A_862 = arith.constant dense<0.000000e+00> : vector<1xf32>
      %reduce_sum3A_863 = vector.multi_reduction <add>, %reduce_sum3A_861, %reduce_sum3A_862 [1, 2] : vector<1x1x19xf32> to vector<1xf32>
      %reduce_sum3A_864 = vector.shape_cast %reduce_sum3A_863 : vector<1xf32> to vector<1x1x1xf32>
      %reduce_sum3A_865 = vector.extract %reduce_sum3A_864[0, 0, 0] : f32 from vector<1x1x1xf32>
      %add3A_866 = vector.broadcast %reduce_sum3A_865 : f32 to vector<1x19xf32>
      %add3A_867 = arith.addf %broadcast_in_dim3A_276, %add3A_866 : vector<1x19xf32>
      %mul3A_868 = arith.constant 2.000000e+00 : f32
      %mul3A_869 = vector.broadcast %mul3A_868 : f32 to vector<1x19xf32>
      %mul3A_870 = arith.mulf %mul3A_869, %broadcast_in_dim3A_854 : vector<1x19xf32>
      %sub3A_871 = arith.subf %add3A_867, %mul3A_870 : vector<1x19xf32>
      %ne3A_872 = arith.constant 11 : i32
      %ne3A_873 = vector.broadcast %ne3A_872 : i32 to vector<1x19xi32>
      %ne3A_874 = arith.cmpi ne, %iota3A_277, %ne3A_873 : vector<1x19xi32>
      %and3A_875 = arith.andi %ne3A_874, %gt3A_165 : vector<1x19xi1>
      %jit3A_876 = arith.constant 0.000000e+00 : f32
      %broadcast_in_dim3A_877 = vector.broadcast %jit3A_876 : f32 to vector<1x19xf32>
      %select_n3A_878 = arith.select %and3A_875, %sub3A_871, %broadcast_in_dim3A_877 : vector<1x19xi1>, vector<1x19xf32>
      %reduce_sum3A_879 = vector.shape_cast %select_n3A_878 : vector<1x19xf32> to vector<1x1x19xf32>
      %reduce_sum3A_880 = arith.constant dense<0.000000e+00> : vector<1xf32>
      %reduce_sum3A_881 = vector.multi_reduction <add>, %reduce_sum3A_879, %reduce_sum3A_880 [1, 2] : vector<1x1x19xf32> to vector<1xf32>
      %reduce_sum3A_882 = vector.shape_cast %reduce_sum3A_881 : vector<1xf32> to vector<1x1x1xf32>
      %reduce_sum3A_883 = vector.extract %reduce_sum3A_882[0, 0, 0] : f32 from vector<1x1x1xf32>
      %eq3A_884 = arith.constant 11 : i32
      %eq3A_885 = vector.broadcast %eq3A_884 : i32 to vector<1x19xi32>
      %eq3A_886 = arith.cmpi eq, %iota3A_277, %eq3A_885 : vector<1x19xi32>
      %jit3A_887 = arith.constant 0.000000e+00 : f32
      %broadcast_in_dim3A_888 = vector.broadcast %reduce_sum3A_883 : f32 to vector<1x19xf32>
      %broadcast_in_dim3A_889 = vector.broadcast %jit3A_887 : f32 to vector<1x19xf32>
      %select_n3A_890 = arith.select %eq3A_886, %broadcast_in_dim3A_888, %broadcast_in_dim3A_889 : vector<1x19xi1>, vector<1x19xf32>
      %add3A_891 = arith.addf %add3A_840, %select_n3A_890 : vector<1x19xf32>
      %eq3A_892 = arith.constant 12 : i32
      %eq3A_893 = vector.broadcast %eq3A_892 : i32 to vector<256x19xi32>
      %eq3A_894 = arith.cmpi eq, %iota3A_278, %eq3A_893 : vector<256x19xi32>
      %jit3A_895 = arith.constant 0.000000e+00 : f32
      %broadcast_in_dim3A_896 = vector.broadcast %jit3A_895 : f32 to vector<256x19xf32>
      %select_n3A_897 = arith.select %eq3A_894, %select_n3A_272, %broadcast_in_dim3A_896 : vector<256x19xi1>, vector<256x19xf32>
      %reduce_sum3A_898 = arith.constant dense<0.000000e+00> : vector<256xf32>
      %reduce_sum3A_899 = vector.multi_reduction <add>, %select_n3A_897, %reduce_sum3A_898 [1] : vector<256x19xf32> to vector<256xf32>
      %broadcast_in_dim3A_900 = vector.shape_cast %reduce_sum3A_899 : vector<256xf32> to vector<256x1xf32>
      %mul3A_901 = vector.broadcast %broadcast_in_dim3A_900 : vector<256x1xf32> to vector<256x19xf32>
      %mul3A_902 = arith.mulf %mul3A_901, %select_n3A_272 : vector<256x19xf32>
      %reduce_sum3A_903 = arith.constant dense<0.000000e+00> : vector<19xf32>
      %reduce_sum3A_904 = vector.multi_reduction <add>, %mul3A_902, %reduce_sum3A_903 [0] : vector<256x19xf32> to vector<19xf32>
      %broadcast_in_dim3A_905 = vector.shape_cast %reduce_sum3A_904 : vector<19xf32> to vector<1x19xf32>
      %eq3A_906 = arith.constant 12 : i32
      %eq3A_907 = vector.broadcast %eq3A_906 : i32 to vector<1x19xi32>
      %eq3A_908 = arith.cmpi eq, %iota3A_277, %eq3A_907 : vector<1x19xi32>
      %jit3A_909 = arith.constant 0.000000e+00 : f32
      %broadcast_in_dim3A_910 = vector.broadcast %jit3A_909 : f32 to vector<1x19xf32>
      %select_n3A_911 = arith.select %eq3A_908, %broadcast_in_dim3A_276, %broadcast_in_dim3A_910 : vector<1x19xi1>, vector<1x19xf32>
      %reduce_sum3A_912 = vector.shape_cast %select_n3A_911 : vector<1x19xf32> to vector<1x1x19xf32>
      %reduce_sum3A_913 = arith.constant dense<0.000000e+00> : vector<1xf32>
      %reduce_sum3A_914 = vector.multi_reduction <add>, %reduce_sum3A_912, %reduce_sum3A_913 [1, 2] : vector<1x1x19xf32> to vector<1xf32>
      %reduce_sum3A_915 = vector.shape_cast %reduce_sum3A_914 : vector<1xf32> to vector<1x1x1xf32>
      %reduce_sum3A_916 = vector.extract %reduce_sum3A_915[0, 0, 0] : f32 from vector<1x1x1xf32>
      %add3A_917 = vector.broadcast %reduce_sum3A_916 : f32 to vector<1x19xf32>
      %add3A_918 = arith.addf %broadcast_in_dim3A_276, %add3A_917 : vector<1x19xf32>
      %mul3A_919 = arith.constant 2.000000e+00 : f32
      %mul3A_920 = vector.broadcast %mul3A_919 : f32 to vector<1x19xf32>
      %mul3A_921 = arith.mulf %mul3A_920, %broadcast_in_dim3A_905 : vector<1x19xf32>
      %sub3A_922 = arith.subf %add3A_918, %mul3A_921 : vector<1x19xf32>
      %ne3A_923 = arith.constant 12 : i32
      %ne3A_924 = vector.broadcast %ne3A_923 : i32 to vector<1x19xi32>
      %ne3A_925 = arith.cmpi ne, %iota3A_277, %ne3A_924 : vector<1x19xi32>
      %and3A_926 = arith.andi %ne3A_925, %gt3A_165 : vector<1x19xi1>
      %jit3A_927 = arith.constant 0.000000e+00 : f32
      %broadcast_in_dim3A_928 = vector.broadcast %jit3A_927 : f32 to vector<1x19xf32>
      %select_n3A_929 = arith.select %and3A_926, %sub3A_922, %broadcast_in_dim3A_928 : vector<1x19xi1>, vector<1x19xf32>
      %reduce_sum3A_930 = vector.shape_cast %select_n3A_929 : vector<1x19xf32> to vector<1x1x19xf32>
      %reduce_sum3A_931 = arith.constant dense<0.000000e+00> : vector<1xf32>
      %reduce_sum3A_932 = vector.multi_reduction <add>, %reduce_sum3A_930, %reduce_sum3A_931 [1, 2] : vector<1x1x19xf32> to vector<1xf32>
      %reduce_sum3A_933 = vector.shape_cast %reduce_sum3A_932 : vector<1xf32> to vector<1x1x1xf32>
      %reduce_sum3A_934 = vector.extract %reduce_sum3A_933[0, 0, 0] : f32 from vector<1x1x1xf32>
      %eq3A_935 = arith.constant 12 : i32
      %eq3A_936 = vector.broadcast %eq3A_935 : i32 to vector<1x19xi32>
      %eq3A_937 = arith.cmpi eq, %iota3A_277, %eq3A_936 : vector<1x19xi32>
      %jit3A_938 = arith.constant 0.000000e+00 : f32
      %broadcast_in_dim3A_939 = vector.broadcast %reduce_sum3A_934 : f32 to vector<1x19xf32>
      %broadcast_in_dim3A_940 = vector.broadcast %jit3A_938 : f32 to vector<1x19xf32>
      %select_n3A_941 = arith.select %eq3A_937, %broadcast_in_dim3A_939, %broadcast_in_dim3A_940 : vector<1x19xi1>, vector<1x19xf32>
      %add3A_942 = arith.addf %add3A_891, %select_n3A_941 : vector<1x19xf32>
      %eq3A_943 = arith.constant 13 : i32
      %eq3A_944 = vector.broadcast %eq3A_943 : i32 to vector<256x19xi32>
      %eq3A_945 = arith.cmpi eq, %iota3A_278, %eq3A_944 : vector<256x19xi32>
      %jit3A_946 = arith.constant 0.000000e+00 : f32
      %broadcast_in_dim3A_947 = vector.broadcast %jit3A_946 : f32 to vector<256x19xf32>
      %select_n3A_948 = arith.select %eq3A_945, %select_n3A_272, %broadcast_in_dim3A_947 : vector<256x19xi1>, vector<256x19xf32>
      %reduce_sum3A_949 = arith.constant dense<0.000000e+00> : vector<256xf32>
      %reduce_sum3A_950 = vector.multi_reduction <add>, %select_n3A_948, %reduce_sum3A_949 [1] : vector<256x19xf32> to vector<256xf32>
      %broadcast_in_dim3A_951 = vector.shape_cast %reduce_sum3A_950 : vector<256xf32> to vector<256x1xf32>
      %mul3A_952 = vector.broadcast %broadcast_in_dim3A_951 : vector<256x1xf32> to vector<256x19xf32>
      %mul3A_953 = arith.mulf %mul3A_952, %select_n3A_272 : vector<256x19xf32>
      %reduce_sum3A_954 = arith.constant dense<0.000000e+00> : vector<19xf32>
      %reduce_sum3A_955 = vector.multi_reduction <add>, %mul3A_953, %reduce_sum3A_954 [0] : vector<256x19xf32> to vector<19xf32>
      %broadcast_in_dim3A_956 = vector.shape_cast %reduce_sum3A_955 : vector<19xf32> to vector<1x19xf32>
      %eq3A_957 = arith.constant 13 : i32
      %eq3A_958 = vector.broadcast %eq3A_957 : i32 to vector<1x19xi32>
      %eq3A_959 = arith.cmpi eq, %iota3A_277, %eq3A_958 : vector<1x19xi32>
      %jit3A_960 = arith.constant 0.000000e+00 : f32
      %broadcast_in_dim3A_961 = vector.broadcast %jit3A_960 : f32 to vector<1x19xf32>
      %select_n3A_962 = arith.select %eq3A_959, %broadcast_in_dim3A_276, %broadcast_in_dim3A_961 : vector<1x19xi1>, vector<1x19xf32>
      %reduce_sum3A_963 = vector.shape_cast %select_n3A_962 : vector<1x19xf32> to vector<1x1x19xf32>
      %reduce_sum3A_964 = arith.constant dense<0.000000e+00> : vector<1xf32>
      %reduce_sum3A_965 = vector.multi_reduction <add>, %reduce_sum3A_963, %reduce_sum3A_964 [1, 2] : vector<1x1x19xf32> to vector<1xf32>
      %reduce_sum3A_966 = vector.shape_cast %reduce_sum3A_965 : vector<1xf32> to vector<1x1x1xf32>
      %reduce_sum3A_967 = vector.extract %reduce_sum3A_966[0, 0, 0] : f32 from vector<1x1x1xf32>
      %add3A_968 = vector.broadcast %reduce_sum3A_967 : f32 to vector<1x19xf32>
      %add3A_969 = arith.addf %broadcast_in_dim3A_276, %add3A_968 : vector<1x19xf32>
      %mul3A_970 = arith.constant 2.000000e+00 : f32
      %mul3A_971 = vector.broadcast %mul3A_970 : f32 to vector<1x19xf32>
      %mul3A_972 = arith.mulf %mul3A_971, %broadcast_in_dim3A_956 : vector<1x19xf32>
      %sub3A_973 = arith.subf %add3A_969, %mul3A_972 : vector<1x19xf32>
      %ne3A_974 = arith.constant 13 : i32
      %ne3A_975 = vector.broadcast %ne3A_974 : i32 to vector<1x19xi32>
      %ne3A_976 = arith.cmpi ne, %iota3A_277, %ne3A_975 : vector<1x19xi32>
      %and3A_977 = arith.andi %ne3A_976, %gt3A_165 : vector<1x19xi1>
      %jit3A_978 = arith.constant 0.000000e+00 : f32
      %broadcast_in_dim3A_979 = vector.broadcast %jit3A_978 : f32 to vector<1x19xf32>
      %select_n3A_980 = arith.select %and3A_977, %sub3A_973, %broadcast_in_dim3A_979 : vector<1x19xi1>, vector<1x19xf32>
      %reduce_sum3A_981 = vector.shape_cast %select_n3A_980 : vector<1x19xf32> to vector<1x1x19xf32>
      %reduce_sum3A_982 = arith.constant dense<0.000000e+00> : vector<1xf32>
      %reduce_sum3A_983 = vector.multi_reduction <add>, %reduce_sum3A_981, %reduce_sum3A_982 [1, 2] : vector<1x1x19xf32> to vector<1xf32>
      %reduce_sum3A_984 = vector.shape_cast %reduce_sum3A_983 : vector<1xf32> to vector<1x1x1xf32>
      %reduce_sum3A_985 = vector.extract %reduce_sum3A_984[0, 0, 0] : f32 from vector<1x1x1xf32>
      %eq3A_986 = arith.constant 13 : i32
      %eq3A_987 = vector.broadcast %eq3A_986 : i32 to vector<1x19xi32>
      %eq3A_988 = arith.cmpi eq, %iota3A_277, %eq3A_987 : vector<1x19xi32>
      %jit3A_989 = arith.constant 0.000000e+00 : f32
      %broadcast_in_dim3A_990 = vector.broadcast %reduce_sum3A_985 : f32 to vector<1x19xf32>
      %broadcast_in_dim3A_991 = vector.broadcast %jit3A_989 : f32 to vector<1x19xf32>
      %select_n3A_992 = arith.select %eq3A_988, %broadcast_in_dim3A_990, %broadcast_in_dim3A_991 : vector<1x19xi1>, vector<1x19xf32>
      %add3A_993 = arith.addf %add3A_942, %select_n3A_992 : vector<1x19xf32>
      %eq3A_994 = arith.constant 14 : i32
      %eq3A_995 = vector.broadcast %eq3A_994 : i32 to vector<256x19xi32>
      %eq3A_996 = arith.cmpi eq, %iota3A_278, %eq3A_995 : vector<256x19xi32>
      %jit3A_997 = arith.constant 0.000000e+00 : f32
      %broadcast_in_dim3A_998 = vector.broadcast %jit3A_997 : f32 to vector<256x19xf32>
      %select_n3A_999 = arith.select %eq3A_996, %select_n3A_272, %broadcast_in_dim3A_998 : vector<256x19xi1>, vector<256x19xf32>
      %reduce_sum3A_1000 = arith.constant dense<0.000000e+00> : vector<256xf32>
      %reduce_sum3A_1001 = vector.multi_reduction <add>, %select_n3A_999, %reduce_sum3A_1000 [1] : vector<256x19xf32> to vector<256xf32>
      %broadcast_in_dim3A_1002 = vector.shape_cast %reduce_sum3A_1001 : vector<256xf32> to vector<256x1xf32>
      %mul3A_1003 = vector.broadcast %broadcast_in_dim3A_1002 : vector<256x1xf32> to vector<256x19xf32>
      %mul3A_1004 = arith.mulf %mul3A_1003, %select_n3A_272 : vector<256x19xf32>
      %reduce_sum3A_1005 = arith.constant dense<0.000000e+00> : vector<19xf32>
      %reduce_sum3A_1006 = vector.multi_reduction <add>, %mul3A_1004, %reduce_sum3A_1005 [0] : vector<256x19xf32> to vector<19xf32>
      %broadcast_in_dim3A_1007 = vector.shape_cast %reduce_sum3A_1006 : vector<19xf32> to vector<1x19xf32>
      %eq3A_1008 = arith.constant 14 : i32
      %eq3A_1009 = vector.broadcast %eq3A_1008 : i32 to vector<1x19xi32>
      %eq3A_1010 = arith.cmpi eq, %iota3A_277, %eq3A_1009 : vector<1x19xi32>
      %jit3A_1011 = arith.constant 0.000000e+00 : f32
      %broadcast_in_dim3A_1012 = vector.broadcast %jit3A_1011 : f32 to vector<1x19xf32>
      %select_n3A_1013 = arith.select %eq3A_1010, %broadcast_in_dim3A_276, %broadcast_in_dim3A_1012 : vector<1x19xi1>, vector<1x19xf32>
      %reduce_sum3A_1014 = vector.shape_cast %select_n3A_1013 : vector<1x19xf32> to vector<1x1x19xf32>
      %reduce_sum3A_1015 = arith.constant dense<0.000000e+00> : vector<1xf32>
      %reduce_sum3A_1016 = vector.multi_reduction <add>, %reduce_sum3A_1014, %reduce_sum3A_1015 [1, 2] : vector<1x1x19xf32> to vector<1xf32>
      %reduce_sum3A_1017 = vector.shape_cast %reduce_sum3A_1016 : vector<1xf32> to vector<1x1x1xf32>
      %reduce_sum3A_1018 = vector.extract %reduce_sum3A_1017[0, 0, 0] : f32 from vector<1x1x1xf32>
      %add3A_1019 = vector.broadcast %reduce_sum3A_1018 : f32 to vector<1x19xf32>
      %add3A_1020 = arith.addf %broadcast_in_dim3A_276, %add3A_1019 : vector<1x19xf32>
      %mul3A_1021 = arith.constant 2.000000e+00 : f32
      %mul3A_1022 = vector.broadcast %mul3A_1021 : f32 to vector<1x19xf32>
      %mul3A_1023 = arith.mulf %mul3A_1022, %broadcast_in_dim3A_1007 : vector<1x19xf32>
      %sub3A_1024 = arith.subf %add3A_1020, %mul3A_1023 : vector<1x19xf32>
      %ne3A_1025 = arith.constant 14 : i32
      %ne3A_1026 = vector.broadcast %ne3A_1025 : i32 to vector<1x19xi32>
      %ne3A_1027 = arith.cmpi ne, %iota3A_277, %ne3A_1026 : vector<1x19xi32>
      %and3A_1028 = arith.andi %ne3A_1027, %gt3A_165 : vector<1x19xi1>
      %jit3A_1029 = arith.constant 0.000000e+00 : f32
      %broadcast_in_dim3A_1030 = vector.broadcast %jit3A_1029 : f32 to vector<1x19xf32>
      %select_n3A_1031 = arith.select %and3A_1028, %sub3A_1024, %broadcast_in_dim3A_1030 : vector<1x19xi1>, vector<1x19xf32>
      %reduce_sum3A_1032 = vector.shape_cast %select_n3A_1031 : vector<1x19xf32> to vector<1x1x19xf32>
      %reduce_sum3A_1033 = arith.constant dense<0.000000e+00> : vector<1xf32>
      %reduce_sum3A_1034 = vector.multi_reduction <add>, %reduce_sum3A_1032, %reduce_sum3A_1033 [1, 2] : vector<1x1x19xf32> to vector<1xf32>
      %reduce_sum3A_1035 = vector.shape_cast %reduce_sum3A_1034 : vector<1xf32> to vector<1x1x1xf32>
      %reduce_sum3A_1036 = vector.extract %reduce_sum3A_1035[0, 0, 0] : f32 from vector<1x1x1xf32>
      %eq3A_1037 = arith.constant 14 : i32
      %eq3A_1038 = vector.broadcast %eq3A_1037 : i32 to vector<1x19xi32>
      %eq3A_1039 = arith.cmpi eq, %iota3A_277, %eq3A_1038 : vector<1x19xi32>
      %jit3A_1040 = arith.constant 0.000000e+00 : f32
      %broadcast_in_dim3A_1041 = vector.broadcast %reduce_sum3A_1036 : f32 to vector<1x19xf32>
      %broadcast_in_dim3A_1042 = vector.broadcast %jit3A_1040 : f32 to vector<1x19xf32>
      %select_n3A_1043 = arith.select %eq3A_1039, %broadcast_in_dim3A_1041, %broadcast_in_dim3A_1042 : vector<1x19xi1>, vector<1x19xf32>
      %add3A_1044 = arith.addf %add3A_993, %select_n3A_1043 : vector<1x19xf32>
      %eq3A_1045 = arith.constant 15 : i32
      %eq3A_1046 = vector.broadcast %eq3A_1045 : i32 to vector<256x19xi32>
      %eq3A_1047 = arith.cmpi eq, %iota3A_278, %eq3A_1046 : vector<256x19xi32>
      %jit3A_1048 = arith.constant 0.000000e+00 : f32
      %broadcast_in_dim3A_1049 = vector.broadcast %jit3A_1048 : f32 to vector<256x19xf32>
      %select_n3A_1050 = arith.select %eq3A_1047, %select_n3A_272, %broadcast_in_dim3A_1049 : vector<256x19xi1>, vector<256x19xf32>
      %reduce_sum3A_1051 = arith.constant dense<0.000000e+00> : vector<256xf32>
      %reduce_sum3A_1052 = vector.multi_reduction <add>, %select_n3A_1050, %reduce_sum3A_1051 [1] : vector<256x19xf32> to vector<256xf32>
      %broadcast_in_dim3A_1053 = vector.shape_cast %reduce_sum3A_1052 : vector<256xf32> to vector<256x1xf32>
      %mul3A_1054 = vector.broadcast %broadcast_in_dim3A_1053 : vector<256x1xf32> to vector<256x19xf32>
      %mul3A_1055 = arith.mulf %mul3A_1054, %select_n3A_272 : vector<256x19xf32>
      %reduce_sum3A_1056 = arith.constant dense<0.000000e+00> : vector<19xf32>
      %reduce_sum3A_1057 = vector.multi_reduction <add>, %mul3A_1055, %reduce_sum3A_1056 [0] : vector<256x19xf32> to vector<19xf32>
      %broadcast_in_dim3A_1058 = vector.shape_cast %reduce_sum3A_1057 : vector<19xf32> to vector<1x19xf32>
      %eq3A_1059 = arith.constant 15 : i32
      %eq3A_1060 = vector.broadcast %eq3A_1059 : i32 to vector<1x19xi32>
      %eq3A_1061 = arith.cmpi eq, %iota3A_277, %eq3A_1060 : vector<1x19xi32>
      %jit3A_1062 = arith.constant 0.000000e+00 : f32
      %broadcast_in_dim3A_1063 = vector.broadcast %jit3A_1062 : f32 to vector<1x19xf32>
      %select_n3A_1064 = arith.select %eq3A_1061, %broadcast_in_dim3A_276, %broadcast_in_dim3A_1063 : vector<1x19xi1>, vector<1x19xf32>
      %reduce_sum3A_1065 = vector.shape_cast %select_n3A_1064 : vector<1x19xf32> to vector<1x1x19xf32>
      %reduce_sum3A_1066 = arith.constant dense<0.000000e+00> : vector<1xf32>
      %reduce_sum3A_1067 = vector.multi_reduction <add>, %reduce_sum3A_1065, %reduce_sum3A_1066 [1, 2] : vector<1x1x19xf32> to vector<1xf32>
      %reduce_sum3A_1068 = vector.shape_cast %reduce_sum3A_1067 : vector<1xf32> to vector<1x1x1xf32>
      %reduce_sum3A_1069 = vector.extract %reduce_sum3A_1068[0, 0, 0] : f32 from vector<1x1x1xf32>
      %add3A_1070 = vector.broadcast %reduce_sum3A_1069 : f32 to vector<1x19xf32>
      %add3A_1071 = arith.addf %broadcast_in_dim3A_276, %add3A_1070 : vector<1x19xf32>
      %mul3A_1072 = arith.constant 2.000000e+00 : f32
      %mul3A_1073 = vector.broadcast %mul3A_1072 : f32 to vector<1x19xf32>
      %mul3A_1074 = arith.mulf %mul3A_1073, %broadcast_in_dim3A_1058 : vector<1x19xf32>
      %sub3A_1075 = arith.subf %add3A_1071, %mul3A_1074 : vector<1x19xf32>
      %ne3A_1076 = arith.constant 15 : i32
      %ne3A_1077 = vector.broadcast %ne3A_1076 : i32 to vector<1x19xi32>
      %ne3A_1078 = arith.cmpi ne, %iota3A_277, %ne3A_1077 : vector<1x19xi32>
      %and3A_1079 = arith.andi %ne3A_1078, %gt3A_165 : vector<1x19xi1>
      %jit3A_1080 = arith.constant 0.000000e+00 : f32
      %broadcast_in_dim3A_1081 = vector.broadcast %jit3A_1080 : f32 to vector<1x19xf32>
      %select_n3A_1082 = arith.select %and3A_1079, %sub3A_1075, %broadcast_in_dim3A_1081 : vector<1x19xi1>, vector<1x19xf32>
      %reduce_sum3A_1083 = vector.shape_cast %select_n3A_1082 : vector<1x19xf32> to vector<1x1x19xf32>
      %reduce_sum3A_1084 = arith.constant dense<0.000000e+00> : vector<1xf32>
      %reduce_sum3A_1085 = vector.multi_reduction <add>, %reduce_sum3A_1083, %reduce_sum3A_1084 [1, 2] : vector<1x1x19xf32> to vector<1xf32>
      %reduce_sum3A_1086 = vector.shape_cast %reduce_sum3A_1085 : vector<1xf32> to vector<1x1x1xf32>
      %reduce_sum3A_1087 = vector.extract %reduce_sum3A_1086[0, 0, 0] : f32 from vector<1x1x1xf32>
      %eq3A_1088 = arith.constant 15 : i32
      %eq3A_1089 = vector.broadcast %eq3A_1088 : i32 to vector<1x19xi32>
      %eq3A_1090 = arith.cmpi eq, %iota3A_277, %eq3A_1089 : vector<1x19xi32>
      %jit3A_1091 = arith.constant 0.000000e+00 : f32
      %broadcast_in_dim3A_1092 = vector.broadcast %reduce_sum3A_1087 : f32 to vector<1x19xf32>
      %broadcast_in_dim3A_1093 = vector.broadcast %jit3A_1091 : f32 to vector<1x19xf32>
      %select_n3A_1094 = arith.select %eq3A_1090, %broadcast_in_dim3A_1092, %broadcast_in_dim3A_1093 : vector<1x19xi1>, vector<1x19xf32>
      %add3A_1095 = arith.addf %add3A_1044, %select_n3A_1094 : vector<1x19xf32>
      %eq3A_1096 = arith.constant 16 : i32
      %eq3A_1097 = vector.broadcast %eq3A_1096 : i32 to vector<256x19xi32>
      %eq3A_1098 = arith.cmpi eq, %iota3A_278, %eq3A_1097 : vector<256x19xi32>
      %jit3A_1099 = arith.constant 0.000000e+00 : f32
      %broadcast_in_dim3A_1100 = vector.broadcast %jit3A_1099 : f32 to vector<256x19xf32>
      %select_n3A_1101 = arith.select %eq3A_1098, %select_n3A_272, %broadcast_in_dim3A_1100 : vector<256x19xi1>, vector<256x19xf32>
      %reduce_sum3A_1102 = arith.constant dense<0.000000e+00> : vector<256xf32>
      %reduce_sum3A_1103 = vector.multi_reduction <add>, %select_n3A_1101, %reduce_sum3A_1102 [1] : vector<256x19xf32> to vector<256xf32>
      %broadcast_in_dim3A_1104 = vector.shape_cast %reduce_sum3A_1103 : vector<256xf32> to vector<256x1xf32>
      %mul3A_1105 = vector.broadcast %broadcast_in_dim3A_1104 : vector<256x1xf32> to vector<256x19xf32>
      %mul3A_1106 = arith.mulf %mul3A_1105, %select_n3A_272 : vector<256x19xf32>
      %reduce_sum3A_1107 = arith.constant dense<0.000000e+00> : vector<19xf32>
      %reduce_sum3A_1108 = vector.multi_reduction <add>, %mul3A_1106, %reduce_sum3A_1107 [0] : vector<256x19xf32> to vector<19xf32>
      %broadcast_in_dim3A_1109 = vector.shape_cast %reduce_sum3A_1108 : vector<19xf32> to vector<1x19xf32>
      %eq3A_1110 = arith.constant 16 : i32
      %eq3A_1111 = vector.broadcast %eq3A_1110 : i32 to vector<1x19xi32>
      %eq3A_1112 = arith.cmpi eq, %iota3A_277, %eq3A_1111 : vector<1x19xi32>
      %jit3A_1113 = arith.constant 0.000000e+00 : f32
      %broadcast_in_dim3A_1114 = vector.broadcast %jit3A_1113 : f32 to vector<1x19xf32>
      %select_n3A_1115 = arith.select %eq3A_1112, %broadcast_in_dim3A_276, %broadcast_in_dim3A_1114 : vector<1x19xi1>, vector<1x19xf32>
      %reduce_sum3A_1116 = vector.shape_cast %select_n3A_1115 : vector<1x19xf32> to vector<1x1x19xf32>
      %reduce_sum3A_1117 = arith.constant dense<0.000000e+00> : vector<1xf32>
      %reduce_sum3A_1118 = vector.multi_reduction <add>, %reduce_sum3A_1116, %reduce_sum3A_1117 [1, 2] : vector<1x1x19xf32> to vector<1xf32>
      %reduce_sum3A_1119 = vector.shape_cast %reduce_sum3A_1118 : vector<1xf32> to vector<1x1x1xf32>
      %reduce_sum3A_1120 = vector.extract %reduce_sum3A_1119[0, 0, 0] : f32 from vector<1x1x1xf32>
      %add3A_1121 = vector.broadcast %reduce_sum3A_1120 : f32 to vector<1x19xf32>
      %add3A_1122 = arith.addf %broadcast_in_dim3A_276, %add3A_1121 : vector<1x19xf32>
      %mul3A_1123 = arith.constant 2.000000e+00 : f32
      %mul3A_1124 = vector.broadcast %mul3A_1123 : f32 to vector<1x19xf32>
      %mul3A_1125 = arith.mulf %mul3A_1124, %broadcast_in_dim3A_1109 : vector<1x19xf32>
      %sub3A_1126 = arith.subf %add3A_1122, %mul3A_1125 : vector<1x19xf32>
      %ne3A_1127 = arith.constant 16 : i32
      %ne3A_1128 = vector.broadcast %ne3A_1127 : i32 to vector<1x19xi32>
      %ne3A_1129 = arith.cmpi ne, %iota3A_277, %ne3A_1128 : vector<1x19xi32>
      %and3A_1130 = arith.andi %ne3A_1129, %gt3A_165 : vector<1x19xi1>
      %jit3A_1131 = arith.constant 0.000000e+00 : f32
      %broadcast_in_dim3A_1132 = vector.broadcast %jit3A_1131 : f32 to vector<1x19xf32>
      %select_n3A_1133 = arith.select %and3A_1130, %sub3A_1126, %broadcast_in_dim3A_1132 : vector<1x19xi1>, vector<1x19xf32>
      %reduce_sum3A_1134 = vector.shape_cast %select_n3A_1133 : vector<1x19xf32> to vector<1x1x19xf32>
      %reduce_sum3A_1135 = arith.constant dense<0.000000e+00> : vector<1xf32>
      %reduce_sum3A_1136 = vector.multi_reduction <add>, %reduce_sum3A_1134, %reduce_sum3A_1135 [1, 2] : vector<1x1x19xf32> to vector<1xf32>
      %reduce_sum3A_1137 = vector.shape_cast %reduce_sum3A_1136 : vector<1xf32> to vector<1x1x1xf32>
      %reduce_sum3A_1138 = vector.extract %reduce_sum3A_1137[0, 0, 0] : f32 from vector<1x1x1xf32>
      %eq3A_1139 = arith.constant 16 : i32
      %eq3A_1140 = vector.broadcast %eq3A_1139 : i32 to vector<1x19xi32>
      %eq3A_1141 = arith.cmpi eq, %iota3A_277, %eq3A_1140 : vector<1x19xi32>
      %jit3A_1142 = arith.constant 0.000000e+00 : f32
      %broadcast_in_dim3A_1143 = vector.broadcast %reduce_sum3A_1138 : f32 to vector<1x19xf32>
      %broadcast_in_dim3A_1144 = vector.broadcast %jit3A_1142 : f32 to vector<1x19xf32>
      %select_n3A_1145 = arith.select %eq3A_1141, %broadcast_in_dim3A_1143, %broadcast_in_dim3A_1144 : vector<1x19xi1>, vector<1x19xf32>
      %add3A_1146 = arith.addf %add3A_1095, %select_n3A_1145 : vector<1x19xf32>
      %eq3A_1147 = arith.constant 17 : i32
      %eq3A_1148 = vector.broadcast %eq3A_1147 : i32 to vector<256x19xi32>
      %eq3A_1149 = arith.cmpi eq, %iota3A_278, %eq3A_1148 : vector<256x19xi32>
      %jit3A_1150 = arith.constant 0.000000e+00 : f32
      %broadcast_in_dim3A_1151 = vector.broadcast %jit3A_1150 : f32 to vector<256x19xf32>
      %select_n3A_1152 = arith.select %eq3A_1149, %select_n3A_272, %broadcast_in_dim3A_1151 : vector<256x19xi1>, vector<256x19xf32>
      %reduce_sum3A_1153 = arith.constant dense<0.000000e+00> : vector<256xf32>
      %reduce_sum3A_1154 = vector.multi_reduction <add>, %select_n3A_1152, %reduce_sum3A_1153 [1] : vector<256x19xf32> to vector<256xf32>
      %broadcast_in_dim3A_1155 = vector.shape_cast %reduce_sum3A_1154 : vector<256xf32> to vector<256x1xf32>
      %mul3A_1156 = vector.broadcast %broadcast_in_dim3A_1155 : vector<256x1xf32> to vector<256x19xf32>
      %mul3A_1157 = arith.mulf %mul3A_1156, %select_n3A_272 : vector<256x19xf32>
      %reduce_sum3A_1158 = arith.constant dense<0.000000e+00> : vector<19xf32>
      %reduce_sum3A_1159 = vector.multi_reduction <add>, %mul3A_1157, %reduce_sum3A_1158 [0] : vector<256x19xf32> to vector<19xf32>
      %broadcast_in_dim3A_1160 = vector.shape_cast %reduce_sum3A_1159 : vector<19xf32> to vector<1x19xf32>
      %eq3A_1161 = arith.constant 17 : i32
      %eq3A_1162 = vector.broadcast %eq3A_1161 : i32 to vector<1x19xi32>
      %eq3A_1163 = arith.cmpi eq, %iota3A_277, %eq3A_1162 : vector<1x19xi32>
      %jit3A_1164 = arith.constant 0.000000e+00 : f32
      %broadcast_in_dim3A_1165 = vector.broadcast %jit3A_1164 : f32 to vector<1x19xf32>
      %select_n3A_1166 = arith.select %eq3A_1163, %broadcast_in_dim3A_276, %broadcast_in_dim3A_1165 : vector<1x19xi1>, vector<1x19xf32>
      %reduce_sum3A_1167 = vector.shape_cast %select_n3A_1166 : vector<1x19xf32> to vector<1x1x19xf32>
      %reduce_sum3A_1168 = arith.constant dense<0.000000e+00> : vector<1xf32>
      %reduce_sum3A_1169 = vector.multi_reduction <add>, %reduce_sum3A_1167, %reduce_sum3A_1168 [1, 2] : vector<1x1x19xf32> to vector<1xf32>
      %reduce_sum3A_1170 = vector.shape_cast %reduce_sum3A_1169 : vector<1xf32> to vector<1x1x1xf32>
      %reduce_sum3A_1171 = vector.extract %reduce_sum3A_1170[0, 0, 0] : f32 from vector<1x1x1xf32>
      %add3A_1172 = vector.broadcast %reduce_sum3A_1171 : f32 to vector<1x19xf32>
      %add3A_1173 = arith.addf %broadcast_in_dim3A_276, %add3A_1172 : vector<1x19xf32>
      %mul3A_1174 = arith.constant 2.000000e+00 : f32
      %mul3A_1175 = vector.broadcast %mul3A_1174 : f32 to vector<1x19xf32>
      %mul3A_1176 = arith.mulf %mul3A_1175, %broadcast_in_dim3A_1160 : vector<1x19xf32>
      %sub3A_1177 = arith.subf %add3A_1173, %mul3A_1176 : vector<1x19xf32>
      %ne3A_1178 = arith.constant 17 : i32
      %ne3A_1179 = vector.broadcast %ne3A_1178 : i32 to vector<1x19xi32>
      %ne3A_1180 = arith.cmpi ne, %iota3A_277, %ne3A_1179 : vector<1x19xi32>
      %and3A_1181 = arith.andi %ne3A_1180, %gt3A_165 : vector<1x19xi1>
      %jit3A_1182 = arith.constant 0.000000e+00 : f32
      %broadcast_in_dim3A_1183 = vector.broadcast %jit3A_1182 : f32 to vector<1x19xf32>
      %select_n3A_1184 = arith.select %and3A_1181, %sub3A_1177, %broadcast_in_dim3A_1183 : vector<1x19xi1>, vector<1x19xf32>
      %reduce_sum3A_1185 = vector.shape_cast %select_n3A_1184 : vector<1x19xf32> to vector<1x1x19xf32>
      %reduce_sum3A_1186 = arith.constant dense<0.000000e+00> : vector<1xf32>
      %reduce_sum3A_1187 = vector.multi_reduction <add>, %reduce_sum3A_1185, %reduce_sum3A_1186 [1, 2] : vector<1x1x19xf32> to vector<1xf32>
      %reduce_sum3A_1188 = vector.shape_cast %reduce_sum3A_1187 : vector<1xf32> to vector<1x1x1xf32>
      %reduce_sum3A_1189 = vector.extract %reduce_sum3A_1188[0, 0, 0] : f32 from vector<1x1x1xf32>
      %eq3A_1190 = arith.constant 17 : i32
      %eq3A_1191 = vector.broadcast %eq3A_1190 : i32 to vector<1x19xi32>
      %eq3A_1192 = arith.cmpi eq, %iota3A_277, %eq3A_1191 : vector<1x19xi32>
      %jit3A_1193 = arith.constant 0.000000e+00 : f32
      %broadcast_in_dim3A_1194 = vector.broadcast %reduce_sum3A_1189 : f32 to vector<1x19xf32>
      %broadcast_in_dim3A_1195 = vector.broadcast %jit3A_1193 : f32 to vector<1x19xf32>
      %select_n3A_1196 = arith.select %eq3A_1192, %broadcast_in_dim3A_1194, %broadcast_in_dim3A_1195 : vector<1x19xi1>, vector<1x19xf32>
      %add3A_1197 = arith.addf %add3A_1146, %select_n3A_1196 : vector<1x19xf32>
      %eq3A_1198 = arith.constant 18 : i32
      %eq3A_1199 = vector.broadcast %eq3A_1198 : i32 to vector<256x19xi32>
      %eq3A_1200 = arith.cmpi eq, %iota3A_278, %eq3A_1199 : vector<256x19xi32>
      %jit3A_1201 = arith.constant 0.000000e+00 : f32
      %broadcast_in_dim3A_1202 = vector.broadcast %jit3A_1201 : f32 to vector<256x19xf32>
      %select_n3A_1203 = arith.select %eq3A_1200, %select_n3A_272, %broadcast_in_dim3A_1202 : vector<256x19xi1>, vector<256x19xf32>
      %reduce_sum3A_1204 = arith.constant dense<0.000000e+00> : vector<256xf32>
      %reduce_sum3A_1205 = vector.multi_reduction <add>, %select_n3A_1203, %reduce_sum3A_1204 [1] : vector<256x19xf32> to vector<256xf32>
      %broadcast_in_dim3A_1206 = vector.shape_cast %reduce_sum3A_1205 : vector<256xf32> to vector<256x1xf32>
      %mul3A_1207 = vector.broadcast %broadcast_in_dim3A_1206 : vector<256x1xf32> to vector<256x19xf32>
      %mul3A_1208 = arith.mulf %mul3A_1207, %select_n3A_272 : vector<256x19xf32>
      %reduce_sum3A_1209 = arith.constant dense<0.000000e+00> : vector<19xf32>
      %reduce_sum3A_1210 = vector.multi_reduction <add>, %mul3A_1208, %reduce_sum3A_1209 [0] : vector<256x19xf32> to vector<19xf32>
      %broadcast_in_dim3A_1211 = vector.shape_cast %reduce_sum3A_1210 : vector<19xf32> to vector<1x19xf32>
      %eq3A_1212 = arith.constant 18 : i32
      %eq3A_1213 = vector.broadcast %eq3A_1212 : i32 to vector<1x19xi32>
      %eq3A_1214 = arith.cmpi eq, %iota3A_277, %eq3A_1213 : vector<1x19xi32>
      %jit3A_1215 = arith.constant 0.000000e+00 : f32
      %broadcast_in_dim3A_1216 = vector.broadcast %jit3A_1215 : f32 to vector<1x19xf32>
      %select_n3A_1217 = arith.select %eq3A_1214, %broadcast_in_dim3A_276, %broadcast_in_dim3A_1216 : vector<1x19xi1>, vector<1x19xf32>
      %reduce_sum3A_1218 = vector.shape_cast %select_n3A_1217 : vector<1x19xf32> to vector<1x1x19xf32>
      %reduce_sum3A_1219 = arith.constant dense<0.000000e+00> : vector<1xf32>
      %reduce_sum3A_1220 = vector.multi_reduction <add>, %reduce_sum3A_1218, %reduce_sum3A_1219 [1, 2] : vector<1x1x19xf32> to vector<1xf32>
      %reduce_sum3A_1221 = vector.shape_cast %reduce_sum3A_1220 : vector<1xf32> to vector<1x1x1xf32>
      %reduce_sum3A_1222 = vector.extract %reduce_sum3A_1221[0, 0, 0] : f32 from vector<1x1x1xf32>
      %add3A_1223 = vector.broadcast %reduce_sum3A_1222 : f32 to vector<1x19xf32>
      %add3A_1224 = arith.addf %broadcast_in_dim3A_276, %add3A_1223 : vector<1x19xf32>
      %mul3A_1225 = arith.constant 2.000000e+00 : f32
      %mul3A_1226 = vector.broadcast %mul3A_1225 : f32 to vector<1x19xf32>
      %mul3A_1227 = arith.mulf %mul3A_1226, %broadcast_in_dim3A_1211 : vector<1x19xf32>
      %sub3A_1228 = arith.subf %add3A_1224, %mul3A_1227 : vector<1x19xf32>
      %ne3A_1229 = arith.constant 18 : i32
      %ne3A_1230 = vector.broadcast %ne3A_1229 : i32 to vector<1x19xi32>
      %ne3A_1231 = arith.cmpi ne, %iota3A_277, %ne3A_1230 : vector<1x19xi32>
      %and3A_1232 = arith.andi %ne3A_1231, %gt3A_165 : vector<1x19xi1>
      %jit3A_1233 = arith.constant 0.000000e+00 : f32
      %broadcast_in_dim3A_1234 = vector.broadcast %jit3A_1233 : f32 to vector<1x19xf32>
      %select_n3A_1235 = arith.select %and3A_1232, %sub3A_1228, %broadcast_in_dim3A_1234 : vector<1x19xi1>, vector<1x19xf32>
      %reduce_sum3A_1236 = vector.shape_cast %select_n3A_1235 : vector<1x19xf32> to vector<1x1x19xf32>
      %reduce_sum3A_1237 = arith.constant dense<0.000000e+00> : vector<1xf32>
      %reduce_sum3A_1238 = vector.multi_reduction <add>, %reduce_sum3A_1236, %reduce_sum3A_1237 [1, 2] : vector<1x1x19xf32> to vector<1xf32>
      %reduce_sum3A_1239 = vector.shape_cast %reduce_sum3A_1238 : vector<1xf32> to vector<1x1x1xf32>
      %reduce_sum3A_1240 = vector.extract %reduce_sum3A_1239[0, 0, 0] : f32 from vector<1x1x1xf32>
      %eq3A_1241 = arith.constant 18 : i32
      %eq3A_1242 = vector.broadcast %eq3A_1241 : i32 to vector<1x19xi32>
      %eq3A_1243 = arith.cmpi eq, %iota3A_277, %eq3A_1242 : vector<1x19xi32>
      %jit3A_1244 = arith.constant 0.000000e+00 : f32
      %broadcast_in_dim3A_1245 = vector.broadcast %reduce_sum3A_1240 : f32 to vector<1x19xf32>
      %broadcast_in_dim3A_1246 = vector.broadcast %jit3A_1244 : f32 to vector<1x19xf32>
      %select_n3A_1247 = arith.select %eq3A_1243, %broadcast_in_dim3A_1245, %broadcast_in_dim3A_1246 : vector<1x19xi1>, vector<1x19xf32>
      %add3A_1248 = arith.addf %add3A_1197, %select_n3A_1247 : vector<1x19xf32>
      %jit3A_1249 = arith.constant 1.000000e+00 : f32
      %jit3A_1250 = arith.constant 0.000000e+00 : f32
      %broadcast_in_dim3A_1251 = vector.broadcast %jit3A_1249 : f32 to vector<1x19xf32>
      %broadcast_in_dim3A_1252 = vector.broadcast %jit3A_1250 : f32 to vector<1x19xf32>
      %select_n3A_1253 = arith.select %gt3A_165, %broadcast_in_dim3A_1251, %broadcast_in_dim3A_1252 : vector<1x19xi1>, vector<1x19xf32>
      %reduce_sum3A_1254 = vector.shape_cast %select_n3A_1253 : vector<1x19xf32> to vector<1x1x19xf32>
      %reduce_sum3A_1255 = arith.constant dense<0.000000e+00> : vector<1xf32>
      %reduce_sum3A_1256 = vector.multi_reduction <add>, %reduce_sum3A_1254, %reduce_sum3A_1255 [1, 2] : vector<1x1x19xf32> to vector<1xf32>
      %reduce_sum3A_1257 = vector.shape_cast %reduce_sum3A_1256 : vector<1xf32> to vector<1x1x1xf32>
      %reduce_sum3A_1258 = vector.extract %reduce_sum3A_1257[0, 0, 0] : f32 from vector<1x1x1xf32>
      %sub3A_1259 = arith.constant 1.000000e+00 : f32
      %sub3A_1260 = arith.subf %reduce_sum3A_1258, %sub3A_1259 : f32
      %mul3A_1261 = arith.constant 2.560000e+02 : f32
      %mul3A_1262 = arith.mulf %sub3A_1260, %mul3A_1261 : f32
      %max3A_1263 = arith.constant 1.000000e+00 : f32
      %max3A_1264 = arith.maximumf %mul3A_1262, %max3A_1263 : f32
      %jit3A_1265 = arith.constant 1.000000e+00 : f32
      %broadcast_in_dim3A_1266 = vector.broadcast %jit3A_1265 : f32 to vector<1x19xf32>
      %select_n3A_1267 = arith.select %gt3A_165, %add3A_1248, %broadcast_in_dim3A_1266 : vector<1x19xi1>, vector<1x19xf32>
      %sqrt3A_1268 = math.sqrt %select_n3A_1267 : vector<1x19xf32>
      %div3A_1269 = vector.broadcast %max3A_1264 : f32 to vector<1x19xf32>
      %div3A_1270 = arith.divf %sqrt3A_1268, %div3A_1269 : vector<1x19xf32>
      %jit3A_1271 = arith.constant 0.000000e+00 : f32
      %broadcast_in_dim3A_1272 = vector.broadcast %jit3A_1271 : f32 to vector<1x19xf32>
      %select_n3A_1273 = arith.select %gt3A_165, %div3A_1270, %broadcast_in_dim3A_1272 : vector<1x19xi1>, vector<1x19xf32>
      %reduce_sum3A_1274 = vector.shape_cast %select_n3A_1273 : vector<1x19xf32> to vector<1x1x19xf32>
      %reduce_sum3A_1275 = arith.constant dense<0.000000e+00> : vector<1xf32>
      %reduce_sum3A_1276 = vector.multi_reduction <add>, %reduce_sum3A_1274, %reduce_sum3A_1275 [1, 2] : vector<1x1x19xf32> to vector<1xf32>
      %reduce_sum3A_1277 = vector.shape_cast %reduce_sum3A_1276 : vector<1xf32> to vector<1x1x1xf32>
      %reduce_sum3A_1278 = vector.extract %reduce_sum3A_1277[0, 0, 0] : f32 from vector<1x1x1xf32>
      %max3A_1279 = arith.constant 1.000000e+00 : f32
      %max3A_1280 = arith.maximumf %reduce_sum3A_1258, %max3A_1279 : f32
      %div3A_1281 = arith.divf %reduce_sum3A_1278, %max3A_1280 : f32
      %add3A_1282 = arith.addf %div3A_219, %div3A_267 : f32
      %add3A_1283 = arith.addf %add3A_1282, %div3A_1281 : f32
      %broadcast_in_dim3A_1284 = vector.broadcast %add3A_1283 : f32 to vector<1x1xf32>
      %swap3A_1285 = arith.constant 0 : index
      %swap3A_1286 = arith.constant 0 : index
      %swap3A_1287 = vector.load %arg6[%swap3A_1285, %swap3A_1286] : memref<1x1xf32, #tpu.memory_space<vmem>>, vector<1x1xf32>
      tpu.vector_store %arg6[%swap3A_1285, %swap3A_1286], %broadcast_in_dim3A_1284 {strides = array<i32>} : memref<1x1xf32, #tpu.memory_space<vmem>>, vector<1x1xf32>,
    } else {
    }
    return
  }
  func.func @transform_0(%arg0: i32, %arg1: i32) -> (i32, i32, i32) {
    %c0_i32 = arith.constant 0 : i32
    %c0_i32_0 = arith.constant 0 : i32
    return %arg0, %c0_i32, %arg1 : i32, i32, i32
  }
  func.func @transform_1(%arg0: i32, %arg1: i32) -> (i32, i32, i32) {
    %c0_i32 = arith.constant 0 : i32
    %c0_i32_0 = arith.constant 0 : i32
    return %arg0, %c0_i32, %arg1 : i32, i32, i32
  }
  func.func @transform_2(%arg0: i32, %arg1: i32) -> (i32, i32, i32) {
    %c0_i32 = arith.constant 0 : i32
    %c0_i32_0 = arith.constant 0 : i32
    return %arg0, %c0_i32, %arg1 : i32, i32, i32
  }
  func.func @transform_3(%arg0: i32, %arg1: i32) -> (i32, i32, i32) {
    %c0_i32 = arith.constant 0 : i32
    %c0_i32_0 = arith.constant 0 : i32
    return %arg0, %c0_i32, %arg1 : i32, i32, i32
  }
  func.func @transform_4(%arg0: i32, %arg1: i32) -> (i32, i32) {
    %c0_i32 = arith.constant 0 : i32
    %c0_i32_0 = arith.constant 0 : i32
    %c0_i32_1 = arith.constant 0 : i32
    return %c0_i32, %c0_i32_0 : i32, i32
  }
}

</mosaic_0001>

<sc_bundles>
// kernel: scatter_offload_async_start.1
scs
__scs_entry_jumppad:
0x0: {  	(pc) =	sbr.rel $0x88, $3  }
0x1: {  	(tag) =	ssettag $0x0;
	lr =	simm.s32 $0x1  }
0x2: {  	[smem:$0x3F9D] =	sst lr;
	_ =	strace $0xD0000000  }
0x3: {  	_ = 	snop  }
0x4: {  	_ = 	snop  }
0x5: {  	_ = 	snop  }
0x6: {  	_ = 	snop  }
0x7: {  	_ = 	snop  }
__scs_overlays_trampoline_lowered:
0x8: {  	[smem:$0x3FAC] =	sst s0  }
0x9: {  	[smem:$0x3FAD] =	sst s1  }
0xa: {  	[smem:$0x3FAE] =	sst s2  }
0xb: {  	[smem:$0x3FAF] =	sst s3  }
0xc: {  	[smem:$0x3FB0] =	sst s4  }
0xd: {  	[smem:$0x3FB1] =	sst s5  }
0xe: {  	[smem:$0x3FB2] =	sst s6  }
0xf: {  	[smem:$0x3FB3] =	sst s7  }
0x10: {  	[smem:$0x3FB4] =	sst s8  }
0x11: {  	[smem:$0x3FB5] =	sst s9;
	s0 =	simm.s32 @!p0 $0x0  }
0x12: {  	s1 =	sld [smem:$0x3F9B];
	s0 =	simm.s32 @p0 $0x1  }
0x13: {  	[smem:$0x3FB6] =	sst s0;
	s0 =	simm.s32 @!p1 $0x0  }
0x14: {  	s2 =	sld [smem:$0x3F9A];
	s0 =	simm.s32 @p1 $0x1  }
0x15: {  	[smem:$0x3FB7] =	sst s0;
	s0 =	simm.s32 @!p2 $0x0  }
0x16: {  	s3 =	sld [smem:$0x3FDB];
	s0 =	simm.s32 @p2 $0x1  }
0x17: {  	s4 =	simm.s32 $0x1BF5;
	[smem:$0x3FB9] =	sst s0  }
0x18: {  	s0 =	sld [smem:$0x3F9C];
	_ =	swait.ge [sflag:s4], $0x0  }
0x19: {  	s7 =	sld [smem:$0x3F9D]  }
0x1a: {  	s8 =	sadd.s32 $0xFFFFE003, lr  }
0x1b: {  	s9 =	sadd.s32 $0xFFFFFEF7, lr;
	s5 =	simm.s32 $0xFFFFFFFF;
	p2 =	slt.u32 s8, $0xFFFFF086  }
0x1c: {  	p1 =	slt.u32 s9, $0xF7A;
	s5 =	simm.s32 @!p2 $0x0  }
0x1d: {  	s5 =	simm.s32 @p1 $0x1;
	p0 =	seq.s32 s7, s2  }
0x1e: {  	s7 =	smul.u32 @!p0 $0xF7A, s2;
	p2 =	seq.s32 @!p0 s5, $0x0  }
0x1f: {  	s9 =	smul.u32 $0xF7A, s1;
	s8 =	simm.s32 @!p0 $0x1BF5;
	p2 =	por !p2, p0  }
0x20: {  	[sflag:s8] =	ssyncset.s32 @!p0 $0xFFFFF086;
	s6 =	sadd.s32 @!p0 s3, s7;
	s7 =	simm.s32 @!p0 $0x108  }
0x21: {  	s3 =	sadd.s32 s3, s9;
	s6 =	sadd.s32 @!p0 $0x88, s6;
	s7 =	simm.s32 @p2 $0x1082  }
0x22: {  	[simem:s7], [sflag:s8] =	dma.local @!p0 [hbm:s6], $0xF7A  }
0x23: {  	s9 =	sor.u32 $0xD0000000, s2;
	s6 =	simm.s32 $0x108;
	_ =	swait.ge @!p0 [sflag:s8], $0x0  }
0x24: {  	s3 =	sadd.s32 $0x88, s3;
	s6 =	simm.s32 @!p1 $0x1082;
	[sflag:s4] =	ssyncset.s32 $0xFFFFF086  }
0x25: {  	[simem:s6], [sflag:s4] =	dma.local [hbm:s3], $0xF7A  }
0x26: {  	[smem:$0x3F9D] =	sst s1;
	(tag) =	ssettag s2;
	_ =	strace s9  }
0x27: {  	s1 =	sld [smem:$0x3FAD]  }
0x28: {  	s2 =	sld [smem:$0x3FAE]  }
0x29: {  	s4 =	sld [smem:$0x3FB0]  }
0x2a: {  	p0 =	seq.s32 s5, $0x0;
	s5 =	sld [smem:$0x3FB1]  }
0x2b: {  	s6 =	sld [smem:$0x3FB2]  }
0x2c: {  	s7 =	sld [smem:$0x3FB3]  }
0x2d: {  	s3 =	simm.s32 $0x108;
	s8 =	sld [smem:$0x3FB4]  }
0x2e: {  	s3 =	simm.s32 @!p0 $0x1082;
	s9 =	sld [smem:$0x3FB5]  }
0x2f: {  	lr =	sadd.s32 s0, s3;
	s0 =	sld [smem:$0x3FAC]  }
0x30: {  	s3 =	sld [smem:$0x3FAF]  }
0x31: {  	[smem:$0x3FB8] =	sst s10  }
0x32: {  	s10 =	sld [smem:$0x3FB6];
	_ =	sdelay $0x3  }
0x33: {  	p0 =	seq.s32 s10, $0x1;
	s10 =	sld [smem:$0x3FB8];
	_ =	sdelay $0x3  }
0x34: {  	[smem:$0x3FB8] =	sst s10  }
0x35: {  	s10 =	sld [smem:$0x3FB7];
	_ =	sdelay $0x3  }
0x36: {  	p1 =	seq.s32 s10, $0x1;
	s10 =	sld [smem:$0x3FB8];
	_ =	sdelay $0x3  }
0x37: {  	[smem:$0x3FB8] =	sst s10  }
0x38: {  	s10 =	sld [smem:$0x3FB9]  }
0x39: {  	_ = 	snop;
	(pc) =	sbr.ind lr, $3  }
0x3a: {  	_ = 	snop  }
0x3b: {  	_ = 	snop  }
0x3c: {  	p2 =	seq.s32 s10, $0x1;
	s10 =	sld [smem:$0x3FB8]  }
0x3d: {  	_ =	shalt  }
0x3e: {  	_ =	shalt  }
0x3f: {  	_ =	shalt  }
0x40: {  	_ =	shalt  }
0x41: {  	_ =	shalt  }
0x42: {  	_ =	shalt  }
0x43: {  	_ =	shalt  }
0x44: {  	_ =	shalt  }
0x45: {  	_ =	shalt  }
0x46: {  	_ =	shalt  }
0x47: {  	_ =	shalt  }
0x48: {  	_ =	shalt  }
0x49: {  	_ =	shalt  }
0x4a: {  	_ =	shalt  }
0x4b: {  	_ =	shalt  }
0x4c: {  	_ =	shalt  }
0x4d: {  	_ =	shalt  }
0x4e: {  	_ =	shalt  }
0x4f: {  	_ =	shalt  }
0x50: {  	_ =	shalt  }
0x51: {  	_ =	shalt  }
0x52: {  	_ =	shalt  }
0x53: {  	_ =	shalt  }
0x54: {  	_ =	shalt  }
0x55: {  	_ =	shalt  }
0x56: {  	_ =	shalt  }
0x57: {  	_ =	shalt  }
0x58: {  	_ =	shalt  }
0x59: {  	_ =	shalt  }
0x5a: {  	_ =	shalt  }
0x5b: {  	_ =	shalt  }
0x5c: {  	_ =	shalt  }
0x5d: {  	_ =	shalt  }
0x5e: {  	_ =	shalt  }
0x5f: {  	_ =	shalt  }
0x60: {  	_ =	shalt  }
0x61: {  	_ =	shalt  }
0x62: {  	_ =	shalt  }
0x63: {  	_ =	shalt  }
0x64: {  	_ =	shalt  }
0x65: {  	_ =	shalt  }
0x66: {  	_ =	shalt  }
0x67: {  	_ =	shalt  }
0x68: {  	_ =	shalt  }
0x69: {  	_ =	shalt  }
0x6a: {  	_ =	shalt  }
0x6b: {  	_ =	shalt  }
0x6c: {  	_ =	shalt  }
0x6d: {  	_ =	shalt  }
0x6e: {  	_ =	shalt  }
0x6f: {  	_ =	shalt  }
0x70: {  	_ =	shalt  }
0x71: {  	_ =	shalt  }
0x72: {  	_ =	shalt  }
0x73: {  	_ =	shalt  }
0x74: {  	_ =	shalt  }
0x75: {  	_ =	shalt  }
0x76: {  	_ =	shalt  }
0x77: {  	_ =	shalt  }
0x78: {  	_ =	shalt  }
0x79: {  	_ =	shalt  }
0x7a: {  	_ =	shalt  }
0x7b: {  	_ =	shalt  }
0x7c: {  	_ =	shalt  }
0x7d: {  	_ =	shalt  }
0x7e: {  	_ =	shalt  }
0x7f: {  	_ =	shalt  }
0x80: {  	_ =	shalt  }
0x81: {  	_ =	shalt  }
0x82: {  	_ =	shalt  }
0x83: {  	_ =	shalt  }
0x84: {  	_ =	shalt  }
0x85: {  	_ =	shalt  }
0x86: {  	_ =	shalt  }
0x87: {  	_ =	shalt  }
.Lfunc_end0:
.L_simem_size_0:
called_computation.1_lowered:
.L_overlay_start_0:
0x88: {  	s0 =	sld [smem:$0x3FD9]  }
0x89: {  	s1 =	sld [smem:$0x3FFE];
	_ =	sdelay $0x3  }
0x8a: {  	s0 =	sadd.s32 s1, s0  }
0x8b: {  	[smem:$0x3FC4] =	sst s0  }
0x8c: {  	_ = 	snop  }
0x8d: {  	(tm) =	ssettm $0x1  }
0x8e: {  	s15 =	sld [smem:$0x3FFB];
	_ =	sdelay $0x3  }
0x8f: {  	_ =	strace s15  }
0x90: {  	s0 =	sld [smem:$0x3FFC];
	_ =	sdelay $0x3  }
0x91: {  	_ =	strace s0  }
0x92: {  	s0 =	sld [smem:$0x3FFD];
	_ =	sdelay $0x3  }
0x93: {  	_ =	strace s0  }
0x94: {  	_ =	strace $0x8FFFFFFF  }
0x95: {  	s16 =	sld [smem:$0x3FDB];
	_ =	sdelay $0x1  }
0x96: {  	s17 =	simm.s32 $_scs_section_size  }
0x97: {  	s2 =	simm.s32 $_size__tile_overlayer_lowered;
	s3 =	simm.s32 $_tile_overlayer_lowered  }
0x98: {  	s20 =	simm.s32 $0x1BFF;
	s19 =	sshll.u32 s3, $0x1;
	s0 =	sadd.s32 s17, s16  }
0x99: {  	s4 =	simm.s32 $0x0;
	s18 =	sshll.u32 s2, $0x1;
	s2 =	sadd.s32 s19, s0  }
0x9a: {  	[timem:s4], [sflag:s20] =	dma.local [hbm:s2], s18  }
0x9b: {  	_ =	swait.ge [sflag:s20], s18  }
0x9c: {  	s1 =	ssub.s32 $0x0, s18;
	[sflag:s20] =	ssyncset.done $0x0  }
0x9d: {  	[sflag:s20] =	ssyncadd.s32 s1;
	_ =	sdelay $0x1  }
0x9e: {  	s21 =	simm.s32 $0x1B8B  }
0x9f: {  	_ =	swait.ge [sflag:s21], $0x1  }
0xa0: {  	[sflag:s21] =	ssyncset.done $0x0  }
0xa1: {  	s23 =	simm.s32 $0x1B8E;
	s22 =	sld [smem:$0x3FFE];
	[sflag:s21] =	ssyncadd.s32 $0xFFFFFFFF  }
0xa2: {  	s24 =	simm.s32 $execute0_lowered;
	[smem:$0x3FD2] =	sst s23  }
0xa3: {  	s2 =	sshll.u32 s24, $0x1;
	_ =	strace $0x80000049;
	[dreg:$0x1] =	wrdreg $0xFFFFFFFF  }
0xa4: {  	s25 =	simm.s32 $_size_execute0_lowered;
	s0 =	sadd.s32 s0, s2;
	[dreg:$0x0] =	wrdreg $0x0  }
0xa5: {  	s2 =	sshll.u32 s25, $0x1;
	[dreg:$0x2] =	wrdreg s0  }
0xa6: {  	[dreg:$0x3] =	wrdreg s2  }
0xa7: {  	[dreg:$0x4] =	wrdreg $0xC0  }
0xa8: {  	_ =	task [dreg:s4], $0x5FFFF  }
0xa9: {  	[dreg:$0x1] =	wrdreg $0xFFFFFFFF  }
0xaa: {  	[dreg:$0x0] =	wrdreg $0x60  }
0xab: {  	[dreg:$0x2] =	wrdreg s22  }
0xac: {  	[dreg:$0x3] =	wrdreg $0x9  }
0xad: {  	_ =	task.clear_ibuf [dreg:s4], $0x4FFFF;
	_ =	strace $0x90000049  }
0xae: {  	s26 =	simm.s32 $0x9;
	_ =	strace $0x8000004B  }
0xaf: {  	_ =	swait.ge [sflag:s26], $0x1  }
0xb0: {  	[sflag:s26] =	ssyncadd.s32 $0xFFFFFFFF  }
0xb1: {  	_ =	strace $0x9000004B  }
0xb2: {  	_ =	sfence  }
0xb3: {  	s28 =	sld [smem:$0x0];
	_ =	sdelay $0x1  }
0xb4: {  	s29 =	srdreg.scid  }
0xb5: {  	s30 =	sshll.u32 s29, $0xD;
	s31 =	sshrl.u32 s29, $0x2  }
0xb6: {  	s1 =	sand.u32 $0x1, s29;
	s2 =	sand.u32 $0x4000, s30;
	s0 =	sadd.s32 s31, s28  }
0xb7: {  	s1 =	sor.u32 s2, s1;
	s0 =	sshll.u32 s0, $0x11  }
0xb8: {  	s0 =	sor.u32 s0, s1  }
0xb9: {  	s0 =	sadd.s32 $0x8F2B, s0  }
0xba: {  	[sflag:s0] =	ssyncadd.remote.s32 $0x1  }
0xbb: {  	_ =	sfence.sel $0xFFFF  }
0xbc: {  	[dreg:$0x0] =	wrdreg $0xFFFFFFFF;
	(pc) =	sbr.abs _section_cstart, $3  }
0xbd: {  	[dreg:$0x1] =	wrdreg $0xFFFFFFFF  }
0xbe: {  	_ =	task.clear_ibuf [dreg:s4], $0x2FFFF;
	_ =	strace $0x9FFFFFFF  }
0xbf: {  	(tm) =	ssettm $0x7FFFFFFF  }
tec
execute0_lowered:
.L_overlay_start_1:
0x0: {  	(tag) =	ssettag $0x1  }
0x1: {  	s2 =	rddreg [dreg:$0x0]  }
0x2: {  	s0 =	rddreg [dreg:$0x1];
	_ =	strace $0x8000004A;
	s1 =	simm.s32 $0x1  }
0x3: {  	v1 =	vimm.s32 $0xFFFFFFFF;
	[sflag:s1] =	ssyncpa.u1 $0x0  }
0x4: {  	[tilespmem:$0x10] =	vst v1  }
0x5: {  	v0 =	vimm.f32 $0.0e+00;
	[tilespmem:$0x20] =	vst v1  }
0x6: {  	[tilespmem:$0x30] =	vst v0  }
0x7: {  	[tilespmem:$0x40] =	vst v0  }
0x8: {  	s31 =	simm.s32 $0x2;
	s5 =	simm.s32 $0x7;
	s7 =	simm.s32 $0x8;
	[tilespmem:$0x50] =	vst v0  }
0x9: {  	s10 =	simm.s32 $0x9;
	s13 =	simm.s32 $0x0;
	s14 =	simm.s32 $0x100;
	[tilespmem:$0x60] =	vst v1  }
0xa: {  	s15 =	simm.s32 $0x130;
	s16 =	simm.s32 $0x150;
	s17 =	simm.s32 $0xF;
	[tilespmem:$0x70] =	vst v1  }
0xb: {  	s18 =	simm.s32 $0x30;
	s19 =	simm.s32 $0x0;
	s20 =	simm.s32 $0x0;
	[tilespmem:$0x80] =	vst v1  }
0xc: {  	s23 =	simm.s32 $0x0;
	s1 =	sadd.s32 $0x8C0400, s2;
	s3 =	sadd.s32 $0x8C8400, s2;
	v1 =	vimm.s32 $0x0;
	[tilespmem:$0xB0] =	vst v0  }
.Ltmp0:
0xd: {  	s4 =	sadd.s32 $0x8C8600, s2;
	s2 =	stileid.u32;
	[tilespmem:$0x90] =	vst v1;
	(pc) =	sbr.rel .LBB2_1-.Ltmp0, $4  }
0xe: {  	s21 =	simm.s32 $0x0;
	s6 =	sshll.u32 s2, $0x4;
	[tilespmem:$0xA0] =	vst v1;
	[sflag:s31] =	ssyncpa.u1 $0x0  }
0xf: {  	s8 =	sshll.u32 s2, $0x1;
	s11 =	sshllo.u32 s2, $0x1;
	[sflag:s5] =	ssyncpa.u1 $0x0  }
0x10: {  	vm0 =	vmmov $0xffff;
	s9 =	sadd.s32 $0x10, s6;
	s12 =	sor.u32 $0x80, s8;
	[sflag:s7] =	ssyncpa.u1 $0x0  }
0x11: {  	v2 =	vlaneseq.u32;
	vm1 =	vmxor vm1, vm1;
	vm2 =	vmmov $0x1;
	s22 =	smov.u32 s6;
	[sflag:s10] =	ssyncpa.u1 $0x0;
	s10 =	sor.u32 $0x81, s8  }
.LBB2_7:
0x12: {  	_ =	swait.ge [sflag:s5], $0x10  }
0x13: {  	[sflag:s5] =	ssyncset.done $0x0  }
0x14: {  	[sflag:s5] =	ssyncadd.s32 $0xFFFFFFF0;
	(ifvalue) =	ssetifvalue $0xFFFFFFFF;
	v3 =	vld.msk [tilespmem:s14+$0x0 ss:$0x1], $0xffff;
	_ =	sdelay $0x4  }
0x15: {  	v4 =	vshrl.u32 v3, $0xA;
	vm3 =	veq.s32 v3, $0x80000000;
	v3 =	vand.u32 $0x3FF, v3  }
0x16: {  	v4 =	vand.u32 $0xFF, v4;
	v3 =	vsel vm3, $0xFFFFFFFF, v3  }
0x17: {  	v4 =	vsel vm3, $0xFFFFFFFF, v4;
	v6 =	vshll.u32 v3, $0x8  }
0x18: {  	v3 =	vshll.u32 v3, $0x7;
	v5 =	vand.u32 $0x7F, v4;
	v4 =	vshll.u32 v4, $0x3  }
0x19: {  	v6 =	vand.u32 $0xFFFFF800, v6;
	v3 =	vand.u32 $0x380, v3;
	v4 =	vand.u32 $0xFFFFFC00, v4  }
0x1a: {  	v3 =	vor.u32 v5, v3;
	v4 =	vadd.s32 v6, v4  }
0x1b: {  	v3 =	vor.u32 v4, v3  }
0x1c: {  	v59 =	vperm.xlane v3, v1  }
0x1d: {  	vm3 =	vlt.u32 v4, $0x40000  }
0x1e: {  	v3 =	vnsel vm3, $0xFFFFFFFE, v3;
	vm3 =	vlt.u32 v59, $0x40000  }
0x1f: {  	[tilespmem:$0x70] =	vst v3;
	v3 =	vnsel vm3, $0xFFFFFFFE, v59  }
0x20: {  	[tilespmem:$0x80] =	vst v3  }
0x21: {  	v3 =	vld.msk [tilespmem:s14+$0x0 ss:$0x1], $0xffff;
	_ =	sdelay $0x4  }
0x22: {  	v60 =	vshrl.u32 v3, $0xA;
	vm3 =	veq.s32 v3, $0x80000000;
	v3 =	vand.u32 $0x3FF, v3  }
0x23: {  	v4 =	vand.u32 $0xFF, v60;
	v3 =	vsel vm3, $0xFFFFFFFF, v3  }
0x24: {  	v4 =	vsel vm3, $0xFFFFFFFF, v4;
	v62 =	vshll.u32 v3, $0x8  }
0x25: {  	v3 =	vshll.u32 v3, $0x7;
	v61 =	vand.u32 $0x7F, v4;
	v4 =	vshll.u32 v4, $0x3  }
0x26: {  	v6 =	vand.u32 $0xFFFFF800, v62;
	v3 =	vand.u32 $0x380, v3;
	v4 =	vand.u32 $0xFFFFFC00, v4  }
0x27: {  	v3 =	vor.u32 v61, v3;
	v4 =	vadd.s32 v6, v4  }
0x28: {  	v3 =	vor.u32 v4, v3  }
0x29: {  	(xrf1) =	vunique.msk.u32 $0xffff, v3;
	_ =	sdelay $0xd  }
0x2a: {  	v63, _, _ =	vpop (xrf1)  }
0x2b: {  	vm4 =	vne.s32 v3, $0xFFFFFFFF;
	vm3 =	veq.s32 v63, v2  }
0x2c: {  	vm5 =	vlt.u32 v4, $0x40000;
	vm3 =	vmand vm4, vm3  }
0x2d: {  	vm3 =	vmand vm5, vm3  }
0x2e: {  	v3 =	vnsel vm3, $0xFFFFFFFF, v3;
	_ =	sdelay $0x3  }
0x2f: {  	s23 =	sshrl.u32 s23, $0x3;
	(ifvalue) =	ssetifvalue $0xFFFFFFFF  }
0x30: {  	[tilespmem:s15], [sflag:$0x8] =	stream.indirect_vreg.gather [hbm4b:s1+s13], $0x1, v3, vm0, $0x4038;
	v3 =	vnsel vm5, $0xFFFFFFFE, v3;
	[tilespmem:$0x1B0] =	vst v63  }
0x31: {  	s23 =	sadd.s32 s4, s23;
	[tilespmem:$0x100] =	vst v3  }
0x32: {  	[tilespmem:s16], [sflag:$0x8] =	stream.linear.gather [hbm:s23], $0x10, $0x38;
	[tilespmem:$0x1B0] =	vst v63  }
.LBB2_8:
0x33: {  	s23 =	sadd.s32 $0x10, s22  }
0x34: {  	s24 =	smov.u32 s6;
	s19 =	sadd.s32 $0x40, s19;
	p0 =	slt.s32 s23, s9  }
0x35: {  	s24 =	smov.u32 @p0 s23;
	p0 =	sne.s32 s19, $0x100  }
.Ltmp1:
0x36: {  	_ = 	snop;
	(pc) =	sbr.rel @!p0 .LBB2_9-.Ltmp1, $3  }
0x37: {  	_ =	sdelay $0x1  }
0x38: {  	s21 =	sadd.s32 $0x1, s21  }
0x39: {  	s20 =	sadd.s32 $0x10, s20;
	s23 =	smov.u32 s22;
	s22 =	smov.u32 s24  }
.LBB2_1:
0x3a: {  	p0 =	seq.s32 s21, $0x1  }
.Ltmp2:
0x3b: {  	_ = 	snop;
	(pc) =	sbr.rel @p0 .LBB2_7-.Ltmp2, $1  }
0x3c: {  	_ =	sdelay $0x3  }
0x3d: {  	p0 =	sne.s32 s21, $0x0  }
.Ltmp3:
0x3e: {  	_ = 	snop;
	(pc) =	sbr.rel @p0 .LBB2_4-.Ltmp3, $1  }
0x3f: {  	_ =	sdelay $0x3  }
.Ltmp4:
0x40: {  	(pc) =	sbr.rel .LBB2_8-.Ltmp4, $4  }
0x41: {  	_ = 	snop  }
0x42: {  	s23 =	sshrl.u32 s22, $0x3  }
0x43: {  	s24 =	sand.u32 $0x7, s22;
	s23 =	sadd.s32 s3, s23  }
0x44: {  	[tilespmem:s14], [sflag:$0x7] =	stream.linear.gather [hbm4b:s23+s24], $0x10, $0x38;
	[tilespmem:$0x1B0] =	vst v63  }
.LBB2_4:
0x45: {  	p0 =	seq.s32 s19, $0xC0  }
.Ltmp5:
0x46: {  	_ = 	snop;
	(pc) =	sbr.rel @p0 .LBB2_6-.Ltmp5, $1  }
0x47: {  	_ =	sdelay $0x3  }
0x48: {  	p0 =	sne.s32 s19, $0x80;
	_ =	swait.ge [sflag:s7], $0x20  }
0x49: {  	[sflag:s7] =	ssyncset.done $0x0;
	s23 =	sshra.s32 @!p0 s19, $0x2  }
0x4a: {  	s24 =	simm.s32 @!p0 $0x1;
	[sflag:s7] =	ssyncadd.s32 $0xFFFFFFE0;
	s23 =	sadd.s32 @!p0 $0xEF, s23  }
0x4b: {  	[spmem:s10] =	stream.linear.scatter @!p0 [tilespmem:s23], [sflag:$0x1], $0x1, $0x38;
	[tilespmem:$0x1B0] =	vst v63  }
0x4c: {  	_ =	swait.ge @!p0 [sflag:s24], $0x1  }
0x4d: {  	[sflag:s24] =	ssyncset.done @!p0 $0x0  }
0x4e: {  	s23 =	sand.u32 $0x10, s20;
	[sflag:s24] =	ssyncadd.s32 @!p0 $0xFFFFFFFF  }
0x4f: {  	s26 =	sxor.u32 $0x10, s23;
	v3 =	vld [tilespmem:s23+$0x10]  }
0x50: {  	v4 =	vld [tilespmem:s26+$0x60]  }
0x51: {  	v5 =	vld [tilespmem:$0x80];
	_ =	sdelay $0x2  }
0x52: {  	(v2sf) =	vpush v3, $0x0  }
0x53: {  	(v2sf) =	vpush v4, $0x0  }
0x54: {  	(v2sf) =	vpush v5, $0x0;
	_ =	sdelay $0xc  }
0x55: {  	s28 =	spop (v2sf)  }
0x56: {  	s29 =	spop (v2sf)  }
0x57: {  	s25 =	spop (v2sf)  }
0x58: {  	p1 =	seq.s32 s28, s29;
	p2 =	seq.s32 s25, s28  }
0x59: {  	p2 =	por p1, p2  }
0x5a: {  	v3 =	vpsel p2, $0xFFFFFFFF, v3  }
0x5b: {  	v56 =	vld [tilespmem:s23+$0x150];
	[tilespmem:s23+$0x10] =	vst.msk $0x1, v3  }
0x5c: {  	v3 =	vld [tilespmem:$0x30]  }
0x5d: {  	v6 =	vld [tilespmem:s23+$0x40];
	_ =	sdelay $0x3  }
0x5e: {  	vm3 =	vmmov vm1;
	v4 =	vadd.f32 v56, v3  }
0x5f: {  	vm4 =	vmmov vm2;
	vm3 =	vmmov @p1 vm2;
	v3 =	vadd.f32 v6, v3  }
0x60: {  	vm4 =	vmmov @p2 vm1;
	[tilespmem:s23+$0x150] =	vst.msk vm3, v4  }
0x61: {  	[tilespmem:s23+$0x190] =	vst.msk vm4, v3  }
0x62: {  	v3 =	vld [tilespmem:s23+$0x130];
	_ =	sdelay $0x4  }
0x63: {  	v3 =	vshift.insert v3, v0, s17  }
0x64: {  	s29 =	sor.u32 $0x40, s26  }
0x65: {  	[tilespmem:s29+$0x0] =	vst.msk $0x1, v3  }
0x66: {  	s30 =	sshra.s32 s19, $0x2;
	[tilespmem:s23+$0x13F] =	vst.msk $0x1, v0  }
0x67: {  	v3 =	vld [tilespmem:s30+$0xE0];
	_ =	sdelay $0x4  }
0x68: {  	v3 =	vshift.insert v3, v1, s17;
	_ =	sdelay $0x1  }
0x69: {  	[tilespmem:s26+$0x10] =	vst.msk $0x1, v3  }
0x6a: {  	v4 =	vld [tilespmem:s23+$0x150]  }
0x6b: {  	v57 =	vld [tilespmem:s30+$0xE0];
	_ =	sdelay $0x3  }
0x6c: {  	v4 =	vadd.f32 $0.0e+00, v4  }
0x6d: {  	vm3 =	vne.s32 v57, $0xFFFFFFFF  }
0x6e: {  	(xrf2) =	vadd.seg.scan.f32 vm3, v4;
	_ =	sdelay $0x3  }
0x6f: {  	v58 =	vperm.xlane v3, v1  }
0x70: {  	v7 =	vld [tilespmem:s23+$0x130]  }
0x71: {  	vm14 =	veq.s32 v57, v58;
	vm3 =	veq.s32 v57, v5  }
0x72: {  	vm5 =	vgt.u32 v57, $0xFFFFFFFD;
	vm4 =	vmor vm14, vm3  }
0x73: {  	vm4 =	vmor vm4, vm5  }
0x74: {  	v59 =	vsel vm4, $0xFFFFFFFF, v57  }
0x75: {  	v61 =	vsel vm3, $0x0, v7;
	v60, _, _ =	vpop (xrf2)  }
0x76: {  	v6 =	vadd.f32 v60, v61  }
0x77: {  	v62 =	vld [tilespmem:$0xA0]  }
0x78: {  	s31 =	sadd.s32 $0x170, s23;
	v8 =	vld [tilespmem:$0x90];
	[tilespmem:s23+$0x170] =	vst v6;
	(ifvalue) =	ssetifvalue $0xFFFFFFFF  }
0x79: {  	[hbm4b:s1+s13] =	stream.indirect_vreg.scatter [tilespmem:s31], [sflag:$0x2], $0x1, v59, vm0, $0x4038;
	[tilespmem:$0x1B0] =	vst v63  }
0x7a: {  	v4 =	vld [tilespmem:s23+$0x170];
	_ =	sdelay $0x4  }
0x7b: {  	v4 =	vshift.insert v4, v0, s17  }
0x7c: {  	vm15 =	veq.s32 v62, $0x1  }
0x7d: {  	vm4 =	vmor vm15, vm3;
	v5 =	vsel vm3, v60, v8;
	[tilespmem:s18+$0x0] =	vst.msk $0x1, v4  }
0x7e: {  	v63 =	vsel vm4, $0x1, v1;
	[tilespmem:$0x90] =	vst v5  }
0x7f: {  	s26 =	sadd.s32 @!p0 $0x17F, s23;
	[tilespmem:$0xA0] =	vst v63  }
0x80: {  	[spmem:s11] =	stream.linear.scatter @!p0 [tilespmem:s26], [sflag:$0x1], $0x1, $0x38;
	[tilespmem:$0x1B0] =	vst v63  }
0x81: {  	v4 =	vmctz.xlane @!p0 vm4;
	_ =	swait.ge @!p0 [sflag:s24], $0x1  }
0x82: {  	(v2sf) =	vpush @!p0 v3, $0x0  }
0x83: {  	(v2sf) =	vpush @!p0 v4, $0x0;
	_ =	sdelay $0xd  }
0x84: {  	s26 =	spop @!p0 (v2sf)  }
0x85: {  	s28 =	spop @!p0 (v2sf)  }
0x86: {  	p1 =	sne.s32 @!p0 s25, s26;
	p2 =	slt.s32 @!p0 s28, $0xF  }
0x87: {  	[sflag:s24] =	ssyncset.done @!p0 $0x0;
	p1 =	por p1, p0;
	p2 =	por !p2, p0  }
0x88: {  	[sflag:s24] =	ssyncadd.s32 @!p0 $0xFFFFFFFF;
	v3 =	vimm.s32 @!p1 $0xFFFFFFFF;
	s28 =	simm.s32 @p2 $0xF  }
0x89: {  	[tilespmem:$0x80] =	vst @!p1 v3;
	s25 =	sadd.s32 @!p0 $0x90, s28  }
0x8a: {  	[spmem:s8] =	stream.linear.scatter @!p0 [tilespmem:s25], [sflag:$0x1], $0x1, $0x38;
	[tilespmem:$0x1B0] =	vst v63  }
0x8b: {  	_ =	swait.ge @!p0 [sflag:s24], $0x1  }
0x8c: {  	[sflag:s24] =	ssyncset.done @!p0 $0x0  }
0x8d: {  	s25 =	simm.s32 @!p0 $0x80;
	[sflag:s24] =	ssyncadd.s32 @!p0 $0xFFFFFFFF  }
0x8e: {  	[spmem:s12] =	stream.linear.scatter @!p0 [tilespmem:s25], [sflag:$0x1], $0x1, $0x38;
	[tilespmem:$0x1B0] =	vst v63  }
0x8f: {  	_ =	swait.ge @!p0 [sflag:s24], $0x1  }
0x90: {  	[sflag:s24] =	ssyncset.done @!p0 $0x0  }
0x91: {  	[sflag:s24] =	ssyncadd.s32 @!p0 $0xFFFFFFFF;
	(ifvalue) =	ssetifvalue $0xFFFFFFFF;
	v3 =	vld [tilespmem:s23+$0x10];
	_ =	sdelay $0x3  }
.Ltmp6:
0x92: {  	_ = 	snop;
	(pc) =	sbr.rel .LBB2_8-.Ltmp6, $3  }
0x93: {  	_ =	sdelay $0x1  }
0x94: {  	s23 =	sadd.s32 $0x190, s23;
	(ifvalue) =	ssetifvalue $0xFFFFFFFF  }
0x95: {  	[hbm4b:s1+s13] =	stream.indirect_vreg.scatter [tilespmem:s23], [sflag:$0x9], $0x1, v3, vm0, $0x4038;
	[tilespmem:$0x1B0] =	vst v63  }
.LBB2_6:
0x96: {  	s3 =	simm.s32 $0x2  }
0x97: {  	_ =	swait.ge [sflag:s3], $0x10  }
0x98: {  	[sflag:s3] =	ssyncset.done $0x0  }
0x99: {  	s31 =	simm.s32 $0x9;
	[sflag:s3] =	ssyncadd.s32 $0xFFFFFFF0  }
0x9a: {  	_ =	swait.ge [sflag:s31], $0x10  }
0x9b: {  	[sflag:s31] =	ssyncset.done $0x0  }
0x9c: {  	[sflag:s31] =	ssyncadd.s32 $0xFFFFFFF0  }
.LBB2_9:
0x9d: {  	_ =	sfence.sel $0x180000  }
0x9e: {  	s3 =	simm.s32 $0x7;
	[bflag:$0x0] =	sbarrier.arrive $0xFFFF  }
0x9f: {  	s26 =	simm.s32 $0x8;
	[sflag:s3] =	ssyncpa.u1 $0x1  }
0xa0: {  	s28 =	simm.s32 $0x9;
	[sflag:s26] =	ssyncpa.u1 $0x1  }
0xa1: {  	[sflag:s28] =	ssyncpa.u1 $0x1  }
0xa2: {  	_ =	sfence.stream.spmem  }
0xa3: {  	s29 =	simm.s32 $0x3;
	[bflag:$0x0] =	sbarrier.arrive $0xFFFF  }
0xa4: {  	s30 =	simm.s32 $0x4;
	[sflag:s29] =	ssyncpa.u1 $0x1  }
0xa5: {  	s31 =	simm.s32 $0x3C;
	[sflag:s30] =	ssyncpa.u1 $0x1  }
0xa6: {  	p0 =	sne.s32 s2, $0x0;
	[sflag:s31] =	ssyncpa.u1 $0x1  }
0xa7: {  	s0 =	simm.s32 @p0 $0x1;
	_ =	sfence @p0  }
0xa8: {  	[sflag:s0] =	ssyncpa.u1 @p0 $0x1;
	s0 =	simm.s32 @p0 $0x2  }
0xa9: {  	[sflag:s0] =	ssyncpa.u1 @p0 $0x1  }
0xaa: {  	_ =	strace @p0 $0x9000004A  }
0xab: {  	[bflag:$0x2] =	sbarrier.arrive @p0 $0xFFFF  }
0xac: {  	_ =	shalt @p0  }
.LBB2_10:
0xad: {  	_ =	sfence.stream.spmem;
	s4 =	simm.s32 $0x5  }
0xae: {  	s2 =	simm.s32 $0x80;
	s3 =	simm.s32 $0xC0;
	[sflag:s4] =	ssyncpa.u1 $0x0  }
0xaf: {  	[tilespmem:s3], [sflag:$0x5] =	stream.linear.gather [spmem:s2], $0x20, $0x38;
	[tilespmem:$0x1B0] =	vst v63  }
0xb0: {  	s2 =	simm.s32 $0x0;
	s3 =	simm.s32 $0xE0  }
0xb1: {  	[tilespmem:s3], [sflag:$0x5] =	stream.linear.gather [spmem:s2], $0x20, $0x38;
	[tilespmem:$0x1B0] =	vst v63  }
.Ltmp7:
0xb2: {  	_ = 	snop;
	(pc) =	sbr.rel .LBB2_11-.Ltmp7, $4  }
0xb3: {  	_ =	swait.ge [sflag:s4], $0x40  }
0xb4: {  	[sflag:s4] =	ssyncset.done $0x0  }
0xb5: {  	s31 =	simm.s32 $0x6;
	[sflag:s4] =	ssyncadd.s32 $0xFFFFFFC0  }
0xb6: {  	s4 =	simm.s32 $0x0;
	[sflag:s31] =	ssyncpa.u1 $0x0  }
.LBB2_16:
0xb7: {  	p0 =	sgt.u32 s5, $0x3FFFF  }
0xb8: {  	s6 =	sshrl.u32 @!p0 s5, $0x3  }
0xb9: {  	s5 =	sand.u32 @!p0 $0x7, s5;
	s7 =	simm.s32 @!p0 $0xB0;
	s6 =	sadd.s32 @!p0 s1, s6  }
0xba: {  	[tilespmem:s7], [sflag:$0x6] =	stream.linear.gather @!p0 [hbm4b:s6+s5], $0x1, $0x38;
	[tilespmem:$0x1B0] =	vst v63  }
0xbb: {  	s5 =	simm.s32 @!p0 $0x6  }
0xbc: {  	_ =	swait.ge @!p0 [sflag:s5], $0x1  }
0xbd: {  	[sflag:s5] =	ssyncset.done @!p0 $0x0  }
0xbe: {  	[sflag:s5] =	ssyncadd.s32 @!p0 $0xFFFFFFFF  }
0xbf: {  	v2 =	vmov @!p0 s4;
	v1 =	vld.msk @!p0 [tilespmem:$0xB0], $0x1;
	_ =	sdelay $0x3  }
0xc0: {  	s5 =	simm.s32 @!p0 $0xE0  }
0xc1: {  	[tilespmem:v2+s5+$0x0], v1 =	vst.idx.ret.add.f32.msk @!p0 $0x1, v1  }
0xc2: {  	[tilespmem:s2+$0xC0] =	vst.msk $0x1, v0  }
0xc3: {  	v0 =	vld.msk [tilespmem:s4+$0xE0], $0x1;
	_ =	sdelay $0x4  }
0xc4: {  	[tilespmem:s2+$0xE0] =	vst.msk $0x1, v0;
	s2 =	sadd.s32 $0x1, s2  }
.LBB2_18:
0xc5: {  	s4 =	sadd.s32 $0x1, s4  }
0xc6: {  	p0 =	sne.s32 s4, $0x20  }
.Ltmp8:
0xc7: {  	_ = 	snop;
	(pc) =	sbr.rel @!p0 .LBB2_19-.Ltmp8, $1  }
0xc8: {  	_ =	sdelay $0x3  }
.LBB2_11:
0xc9: {  	v0 =	vld.msk [tilespmem:s4+$0xC0], $0x1;
	_ =	sdelay $0x4  }
0xca: {  	(v2sf) =	vpush v0, $0x0;
	_ =	sdelay $0xe  }
0xcb: {  	s5 =	spop (v2sf)  }
0xcc: {  	p0 =	seq.s32 s5, $0xFFFFFFFF  }
.Ltmp9:
0xcd: {  	_ = 	snop;
	(pc) =	sbr.rel @p0 .LBB2_18-.Ltmp9, $1  }
0xce: {  	_ =	sdelay $0x3  }
0xcf: {  	p0 =	slt.s32 s2, $0x1  }
.Ltmp10:
0xd0: {  	_ = 	snop;
	(pc) =	sbr.rel @p0 .LBB2_16-.Ltmp10, $1  }
0xd1: {  	_ =	sdelay $0x3  }
0xd2: {  	s6 =	simm.s32 $0xC0;
	p0 =	por $0x0, $0x0  }
0xd3: {  	v1 =	vld.msk @!p0 [tilespmem:s6+$0x0], $0x1;
	_ =	sdelay $0x4  }
0xd4: {  	(v2sf) =	vpush @!p0 v1, $0x0;
	_ =	sdelay $0xd  }
0xd5: {  	p2 =	sne.s32 s2, $0x1  }
.Ltmp11:
0xd6: {  	s7 =	spop @!p0 (v2sf);
	(pc) =	sbr.rel @!p2 .LBB2_15-.Ltmp11, $4  }
0xd7: {  	p1 =	seq.s32 @!p0 s5, s7  }
0xd8: {  	s7 =	simm.s32 $0x0;
	p1 =	por !p1, p0  }
0xd9: {  	s9 =	simm.s32 $0xFFFFFFFF;
	s7 =	simm.s32 @p1 $0xFFFFFFFF  }
0xda: {  	s8 =	simm.s32 $0x1;
	s7 =	smov.u32 @p0 s9  }
.LBB2_14:
0xdb: {  	s9 =	smov.u32 s7;
	p0 =	sne.s32 s7, $0xFFFFFFFF  }
0xdc: {  	s6 =	sadd.s32 $0x1, s6;
	s7 =	smov.u32 s8;
	s8 =	sadd.s32 $0x1, s8  }
0xdd: {  	p1 =	sne.s32 s2, s8;
	v1 =	vld.msk @!p0 [tilespmem:s6+$0x0], $0x1;
	_ =	sdelay $0x4  }
0xde: {  	(v2sf) =	vpush @!p0 v1, $0x0;
	_ =	sdelay $0xe  }
.Ltmp12:
0xdf: {  	s10 =	spop @!p0 (v2sf);
	(pc) =	sbr.rel @p1 .LBB2_14-.Ltmp12, $4  }
0xe0: {  	p2 =	seq.s32 @!p0 s5, s10  }
0xe1: {  	p2 =	por !p2, p0  }
0xe2: {  	s7 =	simm.s32 @p2 $0xFFFFFFFF  }
0xe3: {  	s7 =	smov.u32 @p0 s9  }
.LBB2_15:
0xe4: {  	p0 =	sne.s32 s7, $0xFFFFFFFF  }
.Ltmp13:
0xe5: {  	_ = 	snop;
	(pc) =	sbr.rel @!p0 .LBB2_16-.Ltmp13, $1  }
0xe6: {  	_ =	sdelay $0x3  }
0xe7: {  	v0 =	vld.msk [tilespmem:s4+$0xE0], $0x1;
	v1 =	vmov s7  }
.Ltmp14:
0xe8: {  	_ = 	snop;
	(pc) =	sbr.rel .LBB2_18-.Ltmp14, $2  }
0xe9: {  	_ =	sdelay $0x2  }
0xea: {  	[tilespmem:v1+s3+$0x0], v0 =	vst.idx.ret.add.f32.msk $0x1, v0  }
.LBB2_19:
0xeb: {  	p0 =	slt.s32 s2, $0x1  }
.Ltmp15:
0xec: {  	_ = 	snop;
	(pc) =	sbr.rel @p0 .LBB2_23-.Ltmp15, $3  }
0xed: {  	_ =	sdelay $0x1  }
0xee: {  	s3 =	simm.s32 $0x6  }
0xef: {  	[sflag:s3] =	ssyncpa.u1 $0x1;
	s3 =	simm.s32 $0x0  }
0xf0: {  	s4 =	simm.s32 $0xC0  }
0xf1: {  	v0 =	vld.msk [tilespmem:s4+$0x0], $0x1;
	_ =	sdelay $0x4  }
0xf2: {  	(v2sf) =	vpush v0, $0x0;
	_ =	sdelay $0xe  }
0xf3: {  	s2 =	sadd.s32 $0xFFFFFFFF, s2;
	s5 =	spop (v2sf)  }
0xf4: {  	p1 =	sne.s32 s2, $0x0;
	p0 =	sgt.u32 s5, $0x3FFFF  }
.Ltmp16:
0xf5: {  	s6 =	sshrl.u32 @!p0 s5, $0x3;
	(pc) =	sbr.rel @!p1 .LBB2_22-.Ltmp16, $4  }
0xf6: {  	s4 =	simm.s32 $0xE0;
	s5 =	sand.u32 @!p0 $0x7, s5;
	s6 =	sadd.s32 @!p0 s1, s6  }
0xf7: {  	[hbm4b:s6+s5] =	stream.linear.scatter @!p0 [tilespmem:s4], [sflag:$0x5], $0x1, $0x38;
	[tilespmem:$0x1B0] =	vst v63  }
0xf8: {  	s6 =	simm.s32 $0x0  }
0xf9: {  	s5 =	simm.s32 $0xC1;
	s6 =	simm.s32 @!p0 $0x4  }
.LBB2_21:
0xfa: {  	v0 =	vld.msk [tilespmem:s5+$0x0], $0x1;
	s2 =	sadd.s32 $0xFFFFFFFF, s2;
	s3 =	sadd.s32 s3, s6  }
0xfb: {  	p0 =	sne.s32 s2, $0x0;
	_ =	sdelay $0x3  }
0xfc: {  	(v2sf) =	vpush v0, $0x0;
	_ =	sdelay $0xe  }
.Ltmp17:
0xfd: {  	s7 =	spop (v2sf);
	(pc) =	sbr.rel @p0 .LBB2_21-.Ltmp17, $4  }
0xfe: {  	s6 =	simm.s32 $0x0;
	p1 =	sgt.u32 s7, $0x3FFFF  }
0xff: {  	s4 =	sadd.s32 $0x1, s4;
	s6 =	simm.s32 @!p1 $0x4;
	s8 =	sshrl.u32 @!p1 s7, $0x3  }
0x100: {  	s5 =	sadd.s32 $0x1, s5;
	s7 =	sand.u32 @!p1 $0x7, s7;
	s8 =	sadd.s32 @!p1 s1, s8  }
0x101: {  	[hbm4b:s8+s7] =	stream.linear.scatter @!p1 [tilespmem:s4], [sflag:$0x5], $0x1, $0x38;
	[tilespmem:$0x1B0] =	vst v63  }
.LBB2_22:
0x102: {  	s1 =	sadd.s32 s3, s6  }
0x103: {  	s3 =	sshrl.u32 s1, $0x2  }
.LBB2_23:
0x104: {  	s1 =	simm.s32 $0x5  }
0x105: {  	_ =	swait.ge [sflag:s1], s3  }
0x106: {  	s2 =	ssub.s32 $0x0, s3;
	[sflag:s1] =	ssyncset.done $0x0  }
0x107: {  	[sflag:s1] =	ssyncadd.s32 s2  }
0x108: {  	[sflag:s1] =	ssyncpa.u1 $0x1  }
0x109: {  	s30 =	simm.s32 $0x1;
	_ =	sfence  }
0x10a: {  	s31 =	simm.s32 $0x2;
	[sflag:s30] =	ssyncpa.u1 $0x1  }
0x10b: {  	[sflag:s31] =	ssyncpa.u1 $0x1  }
0x10c: {  	_ =	strace $0x9000004A  }
0x10d: {  	s0 =	sadd.s32 $0x100000, s0;
	[bflag:$0x2] =	sbarrier.arrive $0xFFFF  }
0x10e: {  	[sflag:s0] =	ssyncadd.tile.s32 $0x1;
	_ =	shalt  }
.Lfunc_end2:
_tile_overlayer_lowered:
.L_overlay_start_2:
0x10f: {  	(tag) =	ssettag $0x2  }
0x110: {  	s0 =	rddreg [dreg:$0x0];
	s2 =	stileid.u32  }
0x111: {  	s1 =	rddreg [dreg:$0x1];
	p0 =	sne.s32 s2, $0x0  }
0x112: {  	s3 =	rddreg [dreg:$0x2];
	[bflag:$0x3] =	sbarrier.arrive $0xFFFF;
	s2 =	simm.s32 @!p0 $0x1C01  }
0x113: {  	[timem:s3], [sflag:s2] =	dma.local @!p0 [hbm:s0], s1  }
0x114: {  	s0 =	simm.s32 @!p0 $0x1  }
0x115: {  	_ =	swait.ge @!p0 [sflag:s0], s1  }
0x116: {  	s1 =	ssub.s32 @!p0 $0x0, s1;
	[sflag:s0] =	ssyncset.done @!p0 $0x0  }
0x117: {  	[sflag:s0] =	ssyncadd.s32 @!p0 s1  }
0x118: {  	[bflag:$0x3] =	sbarrier.arrive $0xFFFF  }
0x119: {  	_ =	shalt  }

// kernel: scatter_offload_async_start
scs
__scs_entry_jumppad:
0x0: {  	(pc) =	sbr.rel $0x88, $3  }
0x1: {  	(tag) =	ssettag $0x0;
	lr =	simm.s32 $0x1  }
0x2: {  	[smem:$0x3F9D] =	sst lr;
	_ =	strace $0xD0000000  }
0x3: {  	_ = 	snop  }
0x4: {  	_ = 	snop  }
0x5: {  	_ = 	snop  }
0x6: {  	_ = 	snop  }
0x7: {  	_ = 	snop  }
__scs_overlays_trampoline_lowered:
0x8: {  	[smem:$0x3FAC] =	sst s0  }
0x9: {  	[smem:$0x3FAD] =	sst s1  }
0xa: {  	[smem:$0x3FAE] =	sst s2  }
0xb: {  	[smem:$0x3FAF] =	sst s3  }
0xc: {  	[smem:$0x3FB0] =	sst s4  }
0xd: {  	[smem:$0x3FB1] =	sst s5  }
0xe: {  	[smem:$0x3FB2] =	sst s6  }
0xf: {  	[smem:$0x3FB3] =	sst s7  }
0x10: {  	[smem:$0x3FB4] =	sst s8  }
0x11: {  	[smem:$0x3FB5] =	sst s9;
	s0 =	simm.s32 @!p0 $0x0  }
0x12: {  	s1 =	sld [smem:$0x3F9B];
	s0 =	simm.s32 @p0 $0x1  }
0x13: {  	[smem:$0x3FB6] =	sst s0;
	s0 =	simm.s32 @!p1 $0x0  }
0x14: {  	s2 =	sld [smem:$0x3F9A];
	s0 =	simm.s32 @p1 $0x1  }
0x15: {  	[smem:$0x3FB7] =	sst s0;
	s0 =	simm.s32 @!p2 $0x0  }
0x16: {  	s3 =	sld [smem:$0x3FDB];
	s0 =	simm.s32 @p2 $0x1  }
0x17: {  	s4 =	simm.s32 $0x1BF5;
	[smem:$0x3FB9] =	sst s0  }
0x18: {  	s0 =	sld [smem:$0x3F9C];
	_ =	swait.ge [sflag:s4], $0x0  }
0x19: {  	s7 =	sld [smem:$0x3F9D]  }
0x1a: {  	s8 =	sadd.s32 $0xFFFFE003, lr  }
0x1b: {  	s9 =	sadd.s32 $0xFFFFFEF7, lr;
	s5 =	simm.s32 $0xFFFFFFFF;
	p2 =	slt.u32 s8, $0xFFFFF086  }
0x1c: {  	p1 =	slt.u32 s9, $0xF7A;
	s5 =	simm.s32 @!p2 $0x0  }
0x1d: {  	s5 =	simm.s32 @p1 $0x1;
	p0 =	seq.s32 s7, s2  }
0x1e: {  	s7 =	smul.u32 @!p0 $0xF7A, s2;
	p2 =	seq.s32 @!p0 s5, $0x0  }
0x1f: {  	s9 =	smul.u32 $0xF7A, s1;
	s8 =	simm.s32 @!p0 $0x1BF5;
	p2 =	por !p2, p0  }
0x20: {  	[sflag:s8] =	ssyncset.s32 @!p0 $0xFFFFF086;
	s6 =	sadd.s32 @!p0 s3, s7;
	s7 =	simm.s32 @!p0 $0x108  }
0x21: {  	s3 =	sadd.s32 s3, s9;
	s6 =	sadd.s32 @!p0 $0x88, s6;
	s7 =	simm.s32 @p2 $0x1082  }
0x22: {  	[simem:s7], [sflag:s8] =	dma.local @!p0 [hbm:s6], $0xF7A  }
0x23: {  	s9 =	sor.u32 $0xD0000000, s2;
	s6 =	simm.s32 $0x108;
	_ =	swait.ge @!p0 [sflag:s8], $0x0  }
0x24: {  	s3 =	sadd.s32 $0x88, s3;
	s6 =	simm.s32 @!p1 $0x1082;
	[sflag:s4] =	ssyncset.s32 $0xFFFFF086  }
0x25: {  	[simem:s6], [sflag:s4] =	dma.local [hbm:s3], $0xF7A  }
0x26: {  	[smem:$0x3F9D] =	sst s1;
	(tag) =	ssettag s2;
	_ =	strace s9  }
0x27: {  	s1 =	sld [smem:$0x3FAD]  }
0x28: {  	s2 =	sld [smem:$0x3FAE]  }
0x29: {  	s4 =	sld [smem:$0x3FB0]  }
0x2a: {  	p0 =	seq.s32 s5, $0x0;
	s5 =	sld [smem:$0x3FB1]  }
0x2b: {  	s6 =	sld [smem:$0x3FB2]  }
0x2c: {  	s7 =	sld [smem:$0x3FB3]  }
0x2d: {  	s3 =	simm.s32 $0x108;
	s8 =	sld [smem:$0x3FB4]  }
0x2e: {  	s3 =	simm.s32 @!p0 $0x1082;
	s9 =	sld [smem:$0x3FB5]  }
0x2f: {  	lr =	sadd.s32 s0, s3;
	s0 =	sld [smem:$0x3FAC]  }
0x30: {  	s3 =	sld [smem:$0x3FAF]  }
0x31: {  	[smem:$0x3FB8] =	sst s10  }
0x32: {  	s10 =	sld [smem:$0x3FB6];
	_ =	sdelay $0x3  }
0x33: {  	p0 =	seq.s32 s10, $0x1;
	s10 =	sld [smem:$0x3FB8];
	_ =	sdelay $0x3  }
0x34: {  	[smem:$0x3FB8] =	sst s10  }
0x35: {  	s10 =	sld [smem:$0x3FB7];
	_ =	sdelay $0x3  }
0x36: {  	p1 =	seq.s32 s10, $0x1;
	s10 =	sld [smem:$0x3FB8];
	_ =	sdelay $0x3  }
0x37: {  	[smem:$0x3FB8] =	sst s10  }
0x38: {  	s10 =	sld [smem:$0x3FB9]  }
0x39: {  	_ = 	snop;
	(pc) =	sbr.ind lr, $3  }
0x3a: {  	_ = 	snop  }
0x3b: {  	_ = 	snop  }
0x3c: {  	p2 =	seq.s32 s10, $0x1;
	s10 =	sld [smem:$0x3FB8]  }
0x3d: {  	_ =	shalt  }
0x3e: {  	_ =	shalt  }
0x3f: {  	_ =	shalt  }
0x40: {  	_ =	shalt  }
0x41: {  	_ =	shalt  }
0x42: {  	_ =	shalt  }
0x43: {  	_ =	shalt  }
0x44: {  	_ =	shalt  }
0x45: {  	_ =	shalt  }
0x46: {  	_ =	shalt  }
0x47: {  	_ =	shalt  }
0x48: {  	_ =	shalt  }
0x49: {  	_ =	shalt  }
0x4a: {  	_ =	shalt  }
0x4b: {  	_ =	shalt  }
0x4c: {  	_ =	shalt  }
0x4d: {  	_ =	shalt  }
0x4e: {  	_ =	shalt  }
0x4f: {  	_ =	shalt  }
0x50: {  	_ =	shalt  }
0x51: {  	_ =	shalt  }
0x52: {  	_ =	shalt  }
0x53: {  	_ =	shalt  }
0x54: {  	_ =	shalt  }
0x55: {  	_ =	shalt  }
0x56: {  	_ =	shalt  }
0x57: {  	_ =	shalt  }
0x58: {  	_ =	shalt  }
0x59: {  	_ =	shalt  }
0x5a: {  	_ =	shalt  }
0x5b: {  	_ =	shalt  }
0x5c: {  	_ =	shalt  }
0x5d: {  	_ =	shalt  }
0x5e: {  	_ =	shalt  }
0x5f: {  	_ =	shalt  }
0x60: {  	_ =	shalt  }
0x61: {  	_ =	shalt  }
0x62: {  	_ =	shalt  }
0x63: {  	_ =	shalt  }
0x64: {  	_ =	shalt  }
0x65: {  	_ =	shalt  }
0x66: {  	_ =	shalt  }
0x67: {  	_ =	shalt  }
0x68: {  	_ =	shalt  }
0x69: {  	_ =	shalt  }
0x6a: {  	_ =	shalt  }
0x6b: {  	_ =	shalt  }
0x6c: {  	_ =	shalt  }
0x6d: {  	_ =	shalt  }
0x6e: {  	_ =	shalt  }
0x6f: {  	_ =	shalt  }
0x70: {  	_ =	shalt  }
0x71: {  	_ =	shalt  }
0x72: {  	_ =	shalt  }
0x73: {  	_ =	shalt  }
0x74: {  	_ =	shalt  }
0x75: {  	_ =	shalt  }
0x76: {  	_ =	shalt  }
0x77: {  	_ =	shalt  }
0x78: {  	_ =	shalt  }
0x79: {  	_ =	shalt  }
0x7a: {  	_ =	shalt  }
0x7b: {  	_ =	shalt  }
0x7c: {  	_ =	shalt  }
0x7d: {  	_ =	shalt  }
0x7e: {  	_ =	shalt  }
0x7f: {  	_ =	shalt  }
0x80: {  	_ =	shalt  }
0x81: {  	_ =	shalt  }
0x82: {  	_ =	shalt  }
0x83: {  	_ =	shalt  }
0x84: {  	_ =	shalt  }
0x85: {  	_ =	shalt  }
0x86: {  	_ =	shalt  }
0x87: {  	_ =	shalt  }
.Lfunc_end0:
.L_simem_size_0:
called_computation_lowered:
.L_overlay_start_0:
0x88: {  	s0 =	sld [smem:$0x3FD9]  }
0x89: {  	s1 =	sld [smem:$0x3FFE];
	_ =	sdelay $0x3  }
0x8a: {  	s0 =	sadd.s32 s1, s0  }
0x8b: {  	[smem:$0x3FC4] =	sst s0  }
0x8c: {  	_ = 	snop  }
0x8d: {  	(tm) =	ssettm $0x1  }
0x8e: {  	s15 =	sld [smem:$0x3FFB];
	_ =	sdelay $0x3  }
0x8f: {  	_ =	strace s15  }
0x90: {  	s0 =	sld [smem:$0x3FFC];
	_ =	sdelay $0x3  }
0x91: {  	_ =	strace s0  }
0x92: {  	s0 =	sld [smem:$0x3FFD];
	_ =	sdelay $0x3  }
0x93: {  	_ =	strace s0  }
0x94: {  	_ =	strace $0x8FFFFFFF  }
0x95: {  	s16 =	sld [smem:$0x3FDB];
	_ =	sdelay $0x1  }
0x96: {  	s17 =	simm.s32 $_scs_section_size  }
0x97: {  	s2 =	simm.s32 $_size__tile_overlayer_lowered;
	s3 =	simm.s32 $_tile_overlayer_lowered  }
0x98: {  	s20 =	simm.s32 $0x1BFF;
	s19 =	sshll.u32 s3, $0x1;
	s0 =	sadd.s32 s17, s16  }
0x99: {  	s4 =	simm.s32 $0x0;
	s18 =	sshll.u32 s2, $0x1;
	s2 =	sadd.s32 s19, s0  }
0x9a: {  	[timem:s4], [sflag:s20] =	dma.local [hbm:s2], s18  }
0x9b: {  	_ =	swait.ge [sflag:s20], s18  }
0x9c: {  	s1 =	ssub.s32 $0x0, s18;
	[sflag:s20] =	ssyncset.done $0x0  }
0x9d: {  	[sflag:s20] =	ssyncadd.s32 s1;
	_ =	sdelay $0x1  }
0x9e: {  	s21 =	simm.s32 $0x1B8B  }
0x9f: {  	_ =	swait.ge [sflag:s21], $0x1  }
0xa0: {  	[sflag:s21] =	ssyncset.done $0x0  }
0xa1: {  	s23 =	simm.s32 $0x1B8E;
	s22 =	sld [smem:$0x3FFE];
	[sflag:s21] =	ssyncadd.s32 $0xFFFFFFFF  }
0xa2: {  	s24 =	simm.s32 $execute0_lowered;
	[smem:$0x3FD2] =	sst s23  }
0xa3: {  	s2 =	sshll.u32 s24, $0x1;
	_ =	strace $0x80000046;
	[dreg:$0x1] =	wrdreg $0xFFFFFFFF  }
0xa4: {  	s25 =	simm.s32 $_size_execute0_lowered;
	s0 =	sadd.s32 s0, s2;
	[dreg:$0x0] =	wrdreg $0x0  }
0xa5: {  	s2 =	sshll.u32 s25, $0x1;
	[dreg:$0x2] =	wrdreg s0  }
0xa6: {  	[dreg:$0x3] =	wrdreg s2  }
0xa7: {  	[dreg:$0x4] =	wrdreg $0xC0  }
0xa8: {  	_ =	task [dreg:s4], $0x5FFFF  }
0xa9: {  	[dreg:$0x1] =	wrdreg $0xFFFFFFFF  }
0xaa: {  	[dreg:$0x0] =	wrdreg $0x60  }
0xab: {  	[dreg:$0x2] =	wrdreg s22  }
0xac: {  	[dreg:$0x3] =	wrdreg $0x9  }
0xad: {  	_ =	task.clear_ibuf [dreg:s4], $0x4FFFF;
	_ =	strace $0x90000046  }
0xae: {  	s26 =	simm.s32 $0x9;
	_ =	strace $0x80000048  }
0xaf: {  	_ =	swait.ge [sflag:s26], $0x1  }
0xb0: {  	[sflag:s26] =	ssyncadd.s32 $0xFFFFFFFF  }
0xb1: {  	_ =	strace $0x90000048  }
0xb2: {  	_ =	sfence  }
0xb3: {  	s28 =	sld [smem:$0x0];
	_ =	sdelay $0x1  }
0xb4: {  	s29 =	srdreg.scid  }
0xb5: {  	s30 =	sshll.u32 s29, $0xD;
	s31 =	sshrl.u32 s29, $0x2  }
0xb6: {  	s1 =	sand.u32 $0x1, s29;
	s2 =	sand.u32 $0x4000, s30;
	s0 =	sadd.s32 s31, s28  }
0xb7: {  	s1 =	sor.u32 s2, s1;
	s0 =	sshll.u32 s0, $0x11  }
0xb8: {  	s0 =	sor.u32 s0, s1  }
0xb9: {  	s0 =	sadd.s32 $0x8F2B, s0  }
0xba: {  	[sflag:s0] =	ssyncadd.remote.s32 $0x1  }
0xbb: {  	_ =	sfence.sel $0xFFFF  }
0xbc: {  	[dreg:$0x0] =	wrdreg $0xFFFFFFFF;
	(pc) =	sbr.abs _section_cstart, $3  }
0xbd: {  	[dreg:$0x1] =	wrdreg $0xFFFFFFFF  }
0xbe: {  	_ =	task.clear_ibuf [dreg:s4], $0x2FFFF;
	_ =	strace $0x9FFFFFFF  }
0xbf: {  	(tm) =	ssettm $0x7FFFFFFF  }
tec
execute0_lowered:
.L_overlay_start_1:
0x0: {  	(tag) =	ssettag $0x1  }
0x1: {  	s3 =	rddreg [dreg:$0x0]  }
0x2: {  	s0 =	rddreg [dreg:$0x1];
	_ =	strace $0x80000047;
	s1 =	simm.s32 $0x1  }
0x3: {  	v1 =	vimm.s32 $0xFFFFFFFF;
	[sflag:s1] =	ssyncpa.u1 $0x0  }
0x4: {  	[tilespmem:$0x10] =	vst v1  }
0x5: {  	v0 =	vimm.f32 $0.0e+00;
	[tilespmem:$0x20] =	vst v1  }
0x6: {  	[tilespmem:$0x30] =	vst v0  }
0x7: {  	[tilespmem:$0x40] =	vst v0  }
0x8: {  	[tilespmem:$0x50] =	vst v0  }
0x9: {  	s2 =	simm.s32 $0x2;
	s5 =	simm.s32 $0x7;
	[tilespmem:$0x60] =	vst v1  }
0xa: {  	s7 =	simm.s32 $0x8;
	s10 =	simm.s32 $0x9;
	s13 =	simm.s32 $0x0;
	[tilespmem:$0x70] =	vst v1  }
0xb: {  	s14 =	simm.s32 $0x100;
	s15 =	simm.s32 $0x130;
	s16 =	simm.s32 $0x150;
	[tilespmem:$0x80] =	vst v1  }
0xc: {  	s17 =	simm.s32 $0xF;
	s18 =	simm.s32 $0x30;
	s19 =	simm.s32 $0x0;
	v1 =	vimm.s32 $0x0;
	[tilespmem:$0xB0] =	vst v0  }
0xd: {  	s20 =	simm.s32 $0x0;
	s23 =	simm.s32 $0x0;
	s21 =	simm.s32 $0x0;
	[tilespmem:$0x90] =	vst v1  }
.Ltmp0:
0xe: {  	[tilespmem:$0xA0] =	vst v1;
	[sflag:s2] =	ssyncpa.u1 $0x0;
	s2 =	stileid.u32;
	(pc) =	sbr.rel .LBB2_1-.Ltmp0, $4  }
0xf: {  	s1 =	sadd.s32 $0x8C0400, s3;
	s4 =	sadd.s32 $0x8C0200, s3;
	s6 =	sshll.u32 s2, $0x4  }
0x10: {  	[sflag:s5] =	ssyncpa.u1 $0x0;
	s8 =	sshll.u32 s2, $0x1;
	s11 =	sshllo.u32 s2, $0x1  }
0x11: {  	vm0 =	vmmov $0xffff;
	[sflag:s7] =	ssyncpa.u1 $0x0;
	s9 =	sadd.s32 $0x10, s6;
	s12 =	sor.u32 $0x80, s8  }
0x12: {  	v2 =	vlaneseq.u32;
	vm1 =	vmxor vm1, vm1;
	vm2 =	vmmov $0x1;
	s22 =	smov.u32 s6;
	[sflag:s10] =	ssyncpa.u1 $0x0;
	s10 =	sor.u32 $0x81, s8  }
.LBB2_7:
0x13: {  	_ =	swait.ge [sflag:s5], $0x10  }
0x14: {  	[sflag:s5] =	ssyncset.done $0x0  }
0x15: {  	[sflag:s5] =	ssyncadd.s32 $0xFFFFFFF0;
	(ifvalue) =	ssetifvalue $0xFFFFFFFF;
	v3 =	vld.msk [tilespmem:s14+$0x0 ss:$0x1], $0xffff;
	_ =	sdelay $0x4  }
0x16: {  	v4 =	vshrl.u32 v3, $0xA;
	vm3 =	veq.s32 v3, $0x80000000;
	v3 =	vand.u32 $0x3FF, v3  }
0x17: {  	v4 =	vand.u32 $0xFF, v4;
	v3 =	vsel vm3, $0xFFFFFFFF, v3  }
0x18: {  	v4 =	vsel vm3, $0xFFFFFFFF, v4;
	v6 =	vshll.u32 v3, $0x8  }
0x19: {  	v3 =	vshll.u32 v3, $0x7;
	v5 =	vand.u32 $0x7F, v4;
	v4 =	vshll.u32 v4, $0x3  }
0x1a: {  	v6 =	vand.u32 $0xFFFFF800, v6;
	v3 =	vand.u32 $0x380, v3;
	v4 =	vand.u32 $0xFFFFFC00, v4  }
0x1b: {  	v3 =	vor.u32 v5, v3;
	v4 =	vadd.s32 v6, v4  }
0x1c: {  	v3 =	vor.u32 v4, v3  }
0x1d: {  	v59 =	vperm.xlane v3, v1  }
0x1e: {  	vm3 =	vlt.u32 v4, $0x40000  }
0x1f: {  	v3 =	vnsel vm3, $0xFFFFFFFE, v3;
	vm3 =	vlt.u32 v59, $0x40000  }
0x20: {  	[tilespmem:$0x70] =	vst v3;
	v3 =	vnsel vm3, $0xFFFFFFFE, v59  }
0x21: {  	[tilespmem:$0x80] =	vst v3  }
0x22: {  	v3 =	vld.msk [tilespmem:s14+$0x0 ss:$0x1], $0xffff;
	_ =	sdelay $0x4  }
0x23: {  	v60 =	vshrl.u32 v3, $0xA;
	vm3 =	veq.s32 v3, $0x80000000;
	v3 =	vand.u32 $0x3FF, v3  }
0x24: {  	v4 =	vand.u32 $0xFF, v60;
	v3 =	vsel vm3, $0xFFFFFFFF, v3  }
0x25: {  	v4 =	vsel vm3, $0xFFFFFFFF, v4;
	v62 =	vshll.u32 v3, $0x8  }
0x26: {  	v3 =	vshll.u32 v3, $0x7;
	v61 =	vand.u32 $0x7F, v4;
	v4 =	vshll.u32 v4, $0x3  }
0x27: {  	v6 =	vand.u32 $0xFFFFF800, v62;
	v3 =	vand.u32 $0x380, v3;
	v4 =	vand.u32 $0xFFFFFC00, v4  }
0x28: {  	v3 =	vor.u32 v61, v3;
	v4 =	vadd.s32 v6, v4  }
0x29: {  	v3 =	vor.u32 v4, v3  }
0x2a: {  	(xrf1) =	vunique.msk.u32 $0xffff, v3;
	_ =	sdelay $0xd  }
0x2b: {  	v63, _, _ =	vpop (xrf1)  }
0x2c: {  	vm4 =	vne.s32 v3, $0xFFFFFFFF;
	vm3 =	veq.s32 v63, v2  }
0x2d: {  	vm5 =	vlt.u32 v4, $0x40000;
	vm3 =	vmand vm4, vm3  }
0x2e: {  	vm3 =	vmand vm5, vm3  }
0x2f: {  	v3 =	vnsel vm3, $0xFFFFFFFF, v3;
	_ =	sdelay $0x3  }
0x30: {  	s23 =	sshrl.u32 s23, $0x3;
	(ifvalue) =	ssetifvalue $0xFFFFFFFF  }
0x31: {  	[tilespmem:s15], [sflag:$0x8] =	stream.indirect_vreg.gather [hbm4b:s1+s13], $0x1, v3, vm0, $0x4038;
	v3 =	vnsel vm5, $0xFFFFFFFE, v3;
	[tilespmem:$0x1B0] =	vst v63  }
0x32: {  	s23 =	sadd.s32 s4, s23;
	[tilespmem:$0x100] =	vst v3  }
0x33: {  	[tilespmem:s16], [sflag:$0x8] =	stream.linear.gather [hbm:s23], $0x10, $0x38;
	[tilespmem:$0x1B0] =	vst v63  }
.LBB2_8:
0x34: {  	s23 =	sadd.s32 $0x10, s22  }
0x35: {  	s24 =	smov.u32 s6;
	s19 =	sadd.s32 $0x40, s19;
	p0 =	slt.s32 s23, s9  }
0x36: {  	s24 =	smov.u32 @p0 s23;
	p0 =	sne.s32 s19, $0x100  }
.Ltmp1:
0x37: {  	_ = 	snop;
	(pc) =	sbr.rel @!p0 .LBB2_9-.Ltmp1, $3  }
0x38: {  	_ =	sdelay $0x1  }
0x39: {  	s21 =	sadd.s32 $0x1, s21  }
0x3a: {  	s20 =	sadd.s32 $0x10, s20;
	s23 =	smov.u32 s22;
	s22 =	smov.u32 s24  }
.LBB2_1:
0x3b: {  	p0 =	seq.s32 s21, $0x1  }
.Ltmp2:
0x3c: {  	_ = 	snop;
	(pc) =	sbr.rel @p0 .LBB2_7-.Ltmp2, $1  }
0x3d: {  	_ =	sdelay $0x3  }
0x3e: {  	p0 =	sne.s32 s21, $0x0  }
.Ltmp3:
0x3f: {  	_ = 	snop;
	(pc) =	sbr.rel @p0 .LBB2_4-.Ltmp3, $1  }
0x40: {  	_ =	sdelay $0x3  }
.Ltmp4:
0x41: {  	(pc) =	sbr.rel .LBB2_8-.Ltmp4, $4  }
0x42: {  	_ = 	snop  }
0x43: {  	s23 =	sshrl.u32 s22, $0x3  }
0x44: {  	s24 =	sand.u32 $0x7, s22;
	s23 =	sadd.s32 s3, s23  }
0x45: {  	[tilespmem:s14], [sflag:$0x7] =	stream.linear.gather [hbm4b:s23+s24], $0x10, $0x38;
	[tilespmem:$0x1B0] =	vst v63  }
.LBB2_4:
0x46: {  	p0 =	seq.s32 s19, $0xC0  }
.Ltmp5:
0x47: {  	_ = 	snop;
	(pc) =	sbr.rel @p0 .LBB2_6-.Ltmp5, $1  }
0x48: {  	_ =	sdelay $0x3  }
0x49: {  	p0 =	sne.s32 s19, $0x80;
	_ =	swait.ge [sflag:s7], $0x20  }
0x4a: {  	[sflag:s7] =	ssyncset.done $0x0;
	s23 =	sshra.s32 @!p0 s19, $0x2  }
0x4b: {  	s24 =	simm.s32 @!p0 $0x1;
	[sflag:s7] =	ssyncadd.s32 $0xFFFFFFE0;
	s23 =	sadd.s32 @!p0 $0xEF, s23  }
0x4c: {  	[spmem:s10] =	stream.linear.scatter @!p0 [tilespmem:s23], [sflag:$0x1], $0x1, $0x38;
	[tilespmem:$0x1B0] =	vst v63  }
0x4d: {  	_ =	swait.ge @!p0 [sflag:s24], $0x1  }
0x4e: {  	[sflag:s24] =	ssyncset.done @!p0 $0x0  }
0x4f: {  	s23 =	sand.u32 $0x10, s20;
	[sflag:s24] =	ssyncadd.s32 @!p0 $0xFFFFFFFF  }
0x50: {  	s26 =	sxor.u32 $0x10, s23;
	v3 =	vld [tilespmem:s23+$0x10]  }
0x51: {  	v4 =	vld [tilespmem:s26+$0x60]  }
0x52: {  	v5 =	vld [tilespmem:$0x80];
	_ =	sdelay $0x2  }
0x53: {  	(v2sf) =	vpush v3, $0x0  }
0x54: {  	(v2sf) =	vpush v4, $0x0  }
0x55: {  	(v2sf) =	vpush v5, $0x0;
	_ =	sdelay $0xc  }
0x56: {  	s28 =	spop (v2sf)  }
0x57: {  	s29 =	spop (v2sf)  }
0x58: {  	s25 =	spop (v2sf)  }
0x59: {  	p1 =	seq.s32 s28, s29;
	p2 =	seq.s32 s25, s28  }
0x5a: {  	p2 =	por p1, p2  }
0x5b: {  	v3 =	vpsel p2, $0xFFFFFFFF, v3  }
0x5c: {  	v56 =	vld [tilespmem:s23+$0x150];
	[tilespmem:s23+$0x10] =	vst.msk $0x1, v3  }
0x5d: {  	v3 =	vld [tilespmem:$0x30]  }
0x5e: {  	v6 =	vld [tilespmem:s23+$0x40];
	_ =	sdelay $0x3  }
0x5f: {  	vm3 =	vmmov vm1;
	v4 =	vadd.f32 v56, v3  }
0x60: {  	vm4 =	vmmov vm2;
	vm3 =	vmmov @p1 vm2;
	v3 =	vadd.f32 v6, v3  }
0x61: {  	vm4 =	vmmov @p2 vm1;
	[tilespmem:s23+$0x150] =	vst.msk vm3, v4  }
0x62: {  	[tilespmem:s23+$0x190] =	vst.msk vm4, v3  }
0x63: {  	v3 =	vld [tilespmem:s23+$0x130];
	_ =	sdelay $0x4  }
0x64: {  	v3 =	vshift.insert v3, v0, s17  }
0x65: {  	s29 =	sor.u32 $0x40, s26  }
0x66: {  	[tilespmem:s29+$0x0] =	vst.msk $0x1, v3  }
0x67: {  	s30 =	sshra.s32 s19, $0x2;
	[tilespmem:s23+$0x13F] =	vst.msk $0x1, v0  }
0x68: {  	v3 =	vld [tilespmem:s30+$0xE0];
	_ =	sdelay $0x4  }
0x69: {  	v3 =	vshift.insert v3, v1, s17;
	_ =	sdelay $0x1  }
0x6a: {  	[tilespmem:s26+$0x10] =	vst.msk $0x1, v3  }
0x6b: {  	v4 =	vld [tilespmem:s23+$0x150]  }
0x6c: {  	v57 =	vld [tilespmem:s30+$0xE0];
	_ =	sdelay $0x3  }
0x6d: {  	v4 =	vadd.f32 $0.0e+00, v4  }
0x6e: {  	vm3 =	vne.s32 v57, $0xFFFFFFFF  }
0x6f: {  	(xrf2) =	vadd.seg.scan.f32 vm3, v4;
	_ =	sdelay $0x3  }
0x70: {  	v58 =	vperm.xlane v3, v1  }
0x71: {  	v7 =	vld [tilespmem:s23+$0x130]  }
0x72: {  	vm14 =	veq.s32 v57, v58;
	vm3 =	veq.s32 v57, v5  }
0x73: {  	vm5 =	vgt.u32 v57, $0xFFFFFFFD;
	vm4 =	vmor vm14, vm3  }
0x74: {  	vm4 =	vmor vm4, vm5  }
0x75: {  	v59 =	vsel vm4, $0xFFFFFFFF, v57  }
0x76: {  	v61 =	vsel vm3, $0x0, v7;
	v60, _, _ =	vpop (xrf2)  }
0x77: {  	v6 =	vadd.f32 v60, v61  }
0x78: {  	v62 =	vld [tilespmem:$0xA0]  }
0x79: {  	s31 =	sadd.s32 $0x170, s23;
	v8 =	vld [tilespmem:$0x90];
	[tilespmem:s23+$0x170] =	vst v6;
	(ifvalue) =	ssetifvalue $0xFFFFFFFF  }
0x7a: {  	[hbm4b:s1+s13] =	stream.indirect_vreg.scatter [tilespmem:s31], [sflag:$0x2], $0x1, v59, vm0, $0x4038;
	[tilespmem:$0x1B0] =	vst v63  }
0x7b: {  	v4 =	vld [tilespmem:s23+$0x170];
	_ =	sdelay $0x4  }
0x7c: {  	v4 =	vshift.insert v4, v0, s17  }
0x7d: {  	vm15 =	veq.s32 v62, $0x1  }
0x7e: {  	vm4 =	vmor vm15, vm3;
	v5 =	vsel vm3, v60, v8;
	[tilespmem:s18+$0x0] =	vst.msk $0x1, v4  }
0x7f: {  	v63 =	vsel vm4, $0x1, v1;
	[tilespmem:$0x90] =	vst v5  }
0x80: {  	s26 =	sadd.s32 @!p0 $0x17F, s23;
	[tilespmem:$0xA0] =	vst v63  }
0x81: {  	[spmem:s11] =	stream.linear.scatter @!p0 [tilespmem:s26], [sflag:$0x1], $0x1, $0x38;
	[tilespmem:$0x1B0] =	vst v63  }
0x82: {  	v4 =	vmctz.xlane @!p0 vm4;
	_ =	swait.ge @!p0 [sflag:s24], $0x1  }
0x83: {  	(v2sf) =	vpush @!p0 v3, $0x0  }
0x84: {  	(v2sf) =	vpush @!p0 v4, $0x0;
	_ =	sdelay $0xd  }
0x85: {  	s26 =	spop @!p0 (v2sf)  }
0x86: {  	s28 =	spop @!p0 (v2sf)  }
0x87: {  	p1 =	sne.s32 @!p0 s25, s26;
	p2 =	slt.s32 @!p0 s28, $0xF  }
0x88: {  	[sflag:s24] =	ssyncset.done @!p0 $0x0;
	p1 =	por p1, p0;
	p2 =	por !p2, p0  }
0x89: {  	[sflag:s24] =	ssyncadd.s32 @!p0 $0xFFFFFFFF;
	v3 =	vimm.s32 @!p1 $0xFFFFFFFF;
	s28 =	simm.s32 @p2 $0xF  }
0x8a: {  	[tilespmem:$0x80] =	vst @!p1 v3;
	s25 =	sadd.s32 @!p0 $0x90, s28  }
0x8b: {  	[spmem:s8] =	stream.linear.scatter @!p0 [tilespmem:s25], [sflag:$0x1], $0x1, $0x38;
	[tilespmem:$0x1B0] =	vst v63  }
0x8c: {  	_ =	swait.ge @!p0 [sflag:s24], $0x1  }
0x8d: {  	[sflag:s24] =	ssyncset.done @!p0 $0x0  }
0x8e: {  	s25 =	simm.s32 @!p0 $0x80;
	[sflag:s24] =	ssyncadd.s32 @!p0 $0xFFFFFFFF  }
0x8f: {  	[spmem:s12] =	stream.linear.scatter @!p0 [tilespmem:s25], [sflag:$0x1], $0x1, $0x38;
	[tilespmem:$0x1B0] =	vst v63  }
0x90: {  	_ =	swait.ge @!p0 [sflag:s24], $0x1  }
0x91: {  	[sflag:s24] =	ssyncset.done @!p0 $0x0  }
0x92: {  	[sflag:s24] =	ssyncadd.s32 @!p0 $0xFFFFFFFF;
	(ifvalue) =	ssetifvalue $0xFFFFFFFF;
	v3 =	vld [tilespmem:s23+$0x10];
	_ =	sdelay $0x3  }
.Ltmp6:
0x93: {  	_ = 	snop;
	(pc) =	sbr.rel .LBB2_8-.Ltmp6, $3  }
0x94: {  	_ =	sdelay $0x1  }
0x95: {  	s23 =	sadd.s32 $0x190, s23;
	(ifvalue) =	ssetifvalue $0xFFFFFFFF  }
0x96: {  	[hbm4b:s1+s13] =	stream.indirect_vreg.scatter [tilespmem:s23], [sflag:$0x9], $0x1, v3, vm0, $0x4038;
	[tilespmem:$0x1B0] =	vst v63  }
.LBB2_6:
0x97: {  	s3 =	simm.s32 $0x2  }
0x98: {  	_ =	swait.ge [sflag:s3], $0x10  }
0x99: {  	[sflag:s3] =	ssyncset.done $0x0  }
0x9a: {  	s31 =	simm.s32 $0x9;
	[sflag:s3] =	ssyncadd.s32 $0xFFFFFFF0  }
0x9b: {  	_ =	swait.ge [sflag:s31], $0x10  }
0x9c: {  	[sflag:s31] =	ssyncset.done $0x0  }
0x9d: {  	[sflag:s31] =	ssyncadd.s32 $0xFFFFFFF0  }
.LBB2_9:
0x9e: {  	_ =	sfence.sel $0x180000  }
0x9f: {  	s3 =	simm.s32 $0x7;
	[bflag:$0x0] =	sbarrier.arrive $0xFFFF  }
0xa0: {  	s26 =	simm.s32 $0x8;
	[sflag:s3] =	ssyncpa.u1 $0x1  }
0xa1: {  	s28 =	simm.s32 $0x9;
	[sflag:s26] =	ssyncpa.u1 $0x1  }
0xa2: {  	[sflag:s28] =	ssyncpa.u1 $0x1  }
0xa3: {  	_ =	sfence.stream.spmem  }
0xa4: {  	s29 =	simm.s32 $0x3;
	[bflag:$0x0] =	sbarrier.arrive $0xFFFF  }
0xa5: {  	s30 =	simm.s32 $0x4;
	[sflag:s29] =	ssyncpa.u1 $0x1  }
0xa6: {  	s31 =	simm.s32 $0x3C;
	[sflag:s30] =	ssyncpa.u1 $0x1  }
0xa7: {  	p0 =	sne.s32 s2, $0x0;
	[sflag:s31] =	ssyncpa.u1 $0x1  }
0xa8: {  	s0 =	simm.s32 @p0 $0x1;
	_ =	sfence @p0  }
0xa9: {  	[sflag:s0] =	ssyncpa.u1 @p0 $0x1;
	s0 =	simm.s32 @p0 $0x2  }
0xaa: {  	[sflag:s0] =	ssyncpa.u1 @p0 $0x1  }
0xab: {  	_ =	strace @p0 $0x90000047  }
0xac: {  	[bflag:$0x2] =	sbarrier.arrive @p0 $0xFFFF  }
0xad: {  	_ =	shalt @p0  }
.LBB2_10:
0xae: {  	_ =	sfence.stream.spmem;
	s4 =	simm.s32 $0x5  }
0xaf: {  	s2 =	simm.s32 $0x80;
	s3 =	simm.s32 $0xC0;
	[sflag:s4] =	ssyncpa.u1 $0x0  }
0xb0: {  	[tilespmem:s3], [sflag:$0x5] =	stream.linear.gather [spmem:s2], $0x20, $0x38;
	[tilespmem:$0x1B0] =	vst v63  }
0xb1: {  	s2 =	simm.s32 $0x0;
	s3 =	simm.s32 $0xE0  }
0xb2: {  	[tilespmem:s3], [sflag:$0x5] =	stream.linear.gather [spmem:s2], $0x20, $0x38;
	[tilespmem:$0x1B0] =	vst v63  }
.Ltmp7:
0xb3: {  	_ = 	snop;
	(pc) =	sbr.rel .LBB2_11-.Ltmp7, $4  }
0xb4: {  	_ =	swait.ge [sflag:s4], $0x40  }
0xb5: {  	[sflag:s4] =	ssyncset.done $0x0  }
0xb6: {  	s31 =	simm.s32 $0x6;
	[sflag:s4] =	ssyncadd.s32 $0xFFFFFFC0  }
0xb7: {  	s4 =	simm.s32 $0x0;
	[sflag:s31] =	ssyncpa.u1 $0x0  }
.LBB2_16:
0xb8: {  	p0 =	sgt.u32 s5, $0x3FFFF  }
0xb9: {  	s6 =	sshrl.u32 @!p0 s5, $0x3  }
0xba: {  	s5 =	sand.u32 @!p0 $0x7, s5;
	s7 =	simm.s32 @!p0 $0xB0;
	s6 =	sadd.s32 @!p0 s1, s6  }
0xbb: {  	[tilespmem:s7], [sflag:$0x6] =	stream.linear.gather @!p0 [hbm4b:s6+s5], $0x1, $0x38;
	[tilespmem:$0x1B0] =	vst v63  }
0xbc: {  	s5 =	simm.s32 @!p0 $0x6  }
0xbd: {  	_ =	swait.ge @!p0 [sflag:s5], $0x1  }
0xbe: {  	[sflag:s5] =	ssyncset.done @!p0 $0x0  }
0xbf: {  	[sflag:s5] =	ssyncadd.s32 @!p0 $0xFFFFFFFF  }
0xc0: {  	v2 =	vmov @!p0 s4;
	v1 =	vld.msk @!p0 [tilespmem:$0xB0], $0x1;
	_ =	sdelay $0x3  }
0xc1: {  	s5 =	simm.s32 @!p0 $0xE0  }
0xc2: {  	[tilespmem:v2+s5+$0x0], v1 =	vst.idx.ret.add.f32.msk @!p0 $0x1, v1  }
0xc3: {  	[tilespmem:s2+$0xC0] =	vst.msk $0x1, v0  }
0xc4: {  	v0 =	vld.msk [tilespmem:s4+$0xE0], $0x1;
	_ =	sdelay $0x4  }
0xc5: {  	[tilespmem:s2+$0xE0] =	vst.msk $0x1, v0;
	s2 =	sadd.s32 $0x1, s2  }
.LBB2_18:
0xc6: {  	s4 =	sadd.s32 $0x1, s4  }
0xc7: {  	p0 =	sne.s32 s4, $0x20  }
.Ltmp8:
0xc8: {  	_ = 	snop;
	(pc) =	sbr.rel @!p0 .LBB2_19-.Ltmp8, $1  }
0xc9: {  	_ =	sdelay $0x3  }
.LBB2_11:
0xca: {  	v0 =	vld.msk [tilespmem:s4+$0xC0], $0x1;
	_ =	sdelay $0x4  }
0xcb: {  	(v2sf) =	vpush v0, $0x0;
	_ =	sdelay $0xe  }
0xcc: {  	s5 =	spop (v2sf)  }
0xcd: {  	p0 =	seq.s32 s5, $0xFFFFFFFF  }
.Ltmp9:
0xce: {  	_ = 	snop;
	(pc) =	sbr.rel @p0 .LBB2_18-.Ltmp9, $1  }
0xcf: {  	_ =	sdelay $0x3  }
0xd0: {  	p0 =	slt.s32 s2, $0x1  }
.Ltmp10:
0xd1: {  	_ = 	snop;
	(pc) =	sbr.rel @p0 .LBB2_16-.Ltmp10, $1  }
0xd2: {  	_ =	sdelay $0x3  }
0xd3: {  	s6 =	simm.s32 $0xC0;
	p0 =	por $0x0, $0x0  }
0xd4: {  	v1 =	vld.msk @!p0 [tilespmem:s6+$0x0], $0x1;
	_ =	sdelay $0x4  }
0xd5: {  	(v2sf) =	vpush @!p0 v1, $0x0;
	_ =	sdelay $0xd  }
0xd6: {  	p2 =	sne.s32 s2, $0x1  }
.Ltmp11:
0xd7: {  	s7 =	spop @!p0 (v2sf);
	(pc) =	sbr.rel @!p2 .LBB2_15-.Ltmp11, $4  }
0xd8: {  	p1 =	seq.s32 @!p0 s5, s7  }
0xd9: {  	s7 =	simm.s32 $0x0;
	p1 =	por !p1, p0  }
0xda: {  	s9 =	simm.s32 $0xFFFFFFFF;
	s7 =	simm.s32 @p1 $0xFFFFFFFF  }
0xdb: {  	s8 =	simm.s32 $0x1;
	s7 =	smov.u32 @p0 s9  }
.LBB2_14:
0xdc: {  	s9 =	smov.u32 s7;
	p0 =	sne.s32 s7, $0xFFFFFFFF  }
0xdd: {  	s6 =	sadd.s32 $0x1, s6;
	s7 =	smov.u32 s8;
	s8 =	sadd.s32 $0x1, s8  }
0xde: {  	p1 =	sne.s32 s2, s8;
	v1 =	vld.msk @!p0 [tilespmem:s6+$0x0], $0x1;
	_ =	sdelay $0x4  }
0xdf: {  	(v2sf) =	vpush @!p0 v1, $0x0;
	_ =	sdelay $0xe  }
.Ltmp12:
0xe0: {  	s10 =	spop @!p0 (v2sf);
	(pc) =	sbr.rel @p1 .LBB2_14-.Ltmp12, $4  }
0xe1: {  	p2 =	seq.s32 @!p0 s5, s10  }
0xe2: {  	p2 =	por !p2, p0  }
0xe3: {  	s7 =	simm.s32 @p2 $0xFFFFFFFF  }
0xe4: {  	s7 =	smov.u32 @p0 s9  }
.LBB2_15:
0xe5: {  	p0 =	sne.s32 s7, $0xFFFFFFFF  }
.Ltmp13:
0xe6: {  	_ = 	snop;
	(pc) =	sbr.rel @!p0 .LBB2_16-.Ltmp13, $1  }
0xe7: {  	_ =	sdelay $0x3  }
0xe8: {  	v0 =	vld.msk [tilespmem:s4+$0xE0], $0x1;
	v1 =	vmov s7  }
.Ltmp14:
0xe9: {  	_ = 	snop;
	(pc) =	sbr.rel .LBB2_18-.Ltmp14, $2  }
0xea: {  	_ =	sdelay $0x2  }
0xeb: {  	[tilespmem:v1+s3+$0x0], v0 =	vst.idx.ret.add.f32.msk $0x1, v0  }
.LBB2_19:
0xec: {  	p0 =	slt.s32 s2, $0x1  }
.Ltmp15:
0xed: {  	_ = 	snop;
	(pc) =	sbr.rel @p0 .LBB2_23-.Ltmp15, $3  }
0xee: {  	_ =	sdelay $0x1  }
0xef: {  	s3 =	simm.s32 $0x6  }
0xf0: {  	[sflag:s3] =	ssyncpa.u1 $0x1;
	s3 =	simm.s32 $0x0  }
0xf1: {  	s4 =	simm.s32 $0xC0  }
0xf2: {  	v0 =	vld.msk [tilespmem:s4+$0x0], $0x1;
	_ =	sdelay $0x4  }
0xf3: {  	(v2sf) =	vpush v0, $0x0;
	_ =	sdelay $0xe  }
0xf4: {  	s2 =	sadd.s32 $0xFFFFFFFF, s2;
	s5 =	spop (v2sf)  }
0xf5: {  	p1 =	sne.s32 s2, $0x0;
	p0 =	sgt.u32 s5, $0x3FFFF  }
.Ltmp16:
0xf6: {  	s6 =	sshrl.u32 @!p0 s5, $0x3;
	(pc) =	sbr.rel @!p1 .LBB2_22-.Ltmp16, $4  }
0xf7: {  	s4 =	simm.s32 $0xE0;
	s5 =	sand.u32 @!p0 $0x7, s5;
	s6 =	sadd.s32 @!p0 s1, s6  }
0xf8: {  	[hbm4b:s6+s5] =	stream.linear.scatter @!p0 [tilespmem:s4], [sflag:$0x5], $0x1, $0x38;
	[tilespmem:$0x1B0] =	vst v63  }
0xf9: {  	s6 =	simm.s32 $0x0  }
0xfa: {  	s5 =	simm.s32 $0xC1;
	s6 =	simm.s32 @!p0 $0x4  }
.LBB2_21:
0xfb: {  	v0 =	vld.msk [tilespmem:s5+$0x0], $0x1;
	s2 =	sadd.s32 $0xFFFFFFFF, s2;
	s3 =	sadd.s32 s3, s6  }
0xfc: {  	p0 =	sne.s32 s2, $0x0;
	_ =	sdelay $0x3  }
0xfd: {  	(v2sf) =	vpush v0, $0x0;
	_ =	sdelay $0xe  }
.Ltmp17:
0xfe: {  	s7 =	spop (v2sf);
	(pc) =	sbr.rel @p0 .LBB2_21-.Ltmp17, $4  }
0xff: {  	s6 =	simm.s32 $0x0;
	p1 =	sgt.u32 s7, $0x3FFFF  }
0x100: {  	s4 =	sadd.s32 $0x1, s4;
	s6 =	simm.s32 @!p1 $0x4;
	s8 =	sshrl.u32 @!p1 s7, $0x3  }
0x101: {  	s5 =	sadd.s32 $0x1, s5;
	s7 =	sand.u32 @!p1 $0x7, s7;
	s8 =	sadd.s32 @!p1 s1, s8  }
0x102: {  	[hbm4b:s8+s7] =	stream.linear.scatter @!p1 [tilespmem:s4], [sflag:$0x5], $0x1, $0x38;
	[tilespmem:$0x1B0] =	vst v63  }
.LBB2_22:
0x103: {  	s1 =	sadd.s32 s3, s6  }
0x104: {  	s3 =	sshrl.u32 s1, $0x2  }
.LBB2_23:
0x105: {  	s1 =	simm.s32 $0x5  }
0x106: {  	_ =	swait.ge [sflag:s1], s3  }
0x107: {  	s2 =	ssub.s32 $0x0, s3;
	[sflag:s1] =	ssyncset.done $0x0  }
0x108: {  	[sflag:s1] =	ssyncadd.s32 s2  }
0x109: {  	[sflag:s1] =	ssyncpa.u1 $0x1  }
0x10a: {  	s30 =	simm.s32 $0x1;
	_ =	sfence  }
0x10b: {  	s31 =	simm.s32 $0x2;
	[sflag:s30] =	ssyncpa.u1 $0x1  }
0x10c: {  	[sflag:s31] =	ssyncpa.u1 $0x1  }
0x10d: {  	_ =	strace $0x90000047  }
0x10e: {  	s0 =	sadd.s32 $0x100000, s0;
	[bflag:$0x2] =	sbarrier.arrive $0xFFFF  }
0x10f: {  	[sflag:s0] =	ssyncadd.tile.s32 $0x1;
	_ =	shalt  }
.Lfunc_end2:
_tile_overlayer_lowered:
.L_overlay_start_2:
0x110: {  	(tag) =	ssettag $0x2  }
0x111: {  	s0 =	rddreg [dreg:$0x0];
	s2 =	stileid.u32  }
0x112: {  	s1 =	rddreg [dreg:$0x1];
	p0 =	sne.s32 s2, $0x0  }
0x113: {  	s3 =	rddreg [dreg:$0x2];
	[bflag:$0x3] =	sbarrier.arrive $0xFFFF;
	s2 =	simm.s32 @!p0 $0x1C01  }
0x114: {  	[timem:s3], [sflag:s2] =	dma.local @!p0 [hbm:s0], s1  }
0x115: {  	s0 =	simm.s32 @!p0 $0x1  }
0x116: {  	_ =	swait.ge @!p0 [sflag:s0], s1  }
0x117: {  	s1 =	ssub.s32 @!p0 $0x0, s1;
	[sflag:s0] =	ssyncset.done @!p0 $0x0  }
0x118: {  	[sflag:s0] =	ssyncadd.s32 @!p0 s1  }
0x119: {  	[bflag:$0x3] =	sbarrier.arrive $0xFFFF  }
0x11a: {  	_ =	shalt  }

</sc_bundles>
